<compile_context>
chip_gen: v7x
topology: tpu7x:2x2x1
jax: 0.10.2.dev20260603
libtpu: 0.0.44.dev20260713+nightly
codegen_flags: <defaults>
</compile_context>

<pallas_src>
import functools

import jax
import jax.numpy as jnp
from jax import lax
from jax.experimental import pallas as pl
from jax.experimental.pallas import tpu as pltpu
from jax.experimental.pallas import tpu_sc as plsc

N = 10000
E = 10000
INC = 320000
D = 128
NC, NS = 2, 16
NW = NC * NS
K = 120
NCH = 84
PER_W = K * NCH
INC_P = NW * PER_W
NP = 10240
ROWS_PT = NP // NS
ZR = 128

_mesh = plsc.VectorSubcoreMesh(core_axis_name="c", subcore_axis_name="s")


@functools.partial(
    pl.kernel,
    out_type=jax.ShapeDtypeStruct((NC, NP, D), jnp.float32),
    mesh=_mesh,
    scratch_types=[
        pltpu.VMEM((K,), jnp.int32),
        pltpu.VMEM((K,), jnp.int32),
        pltpu.VMEM((K,), jnp.int32),
        pltpu.VMEM((K,), jnp.int32),
        pltpu.VMEM((K, D), jnp.float32),
        pltpu.VMEM((K, D), jnp.float32),
        pltpu.VMEM((ZR, D), jnp.float32),
        pltpu.VMEM_SHARED((NP, D), jnp.float32),
        pltpu.SemaphoreType.DMA,
        pltpu.SemaphoreType.DMA,
    ],
)
def _sc_pass(src_hbm, gidx_hbm, sidx_hbm, zd_hbm, acc_out,
             gk0_v, gk1_v, sk0_v, sk1_v, rows0_v, rows1_v, zd_v, acc_sh,
             semg0, semg1):
    cid = lax.axis_index("c")
    sid = lax.axis_index("s")
    wid = cid * NS + sid

    pltpu.sync_copy(zd_hbm, zd_v)

    base = sid * ROWS_PT
    for r in range(ROWS_PT // ZR):
        pltpu.sync_copy(zd_v, acc_sh.at[pl.ds(base + r * ZR, ZR)])

    base_i = wid * PER_W
    pltpu.sync_copy(gidx_hbm.at[pl.ds(base_i, K)], gk0_v)
    pltpu.sync_copy(sidx_hbm.at[pl.ds(base_i, K)], sk0_v)
    pltpu.sync_copy(gidx_hbm.at[pl.ds(base_i + K, K)], gk1_v)
    pltpu.sync_copy(sidx_hbm.at[pl.ds(base_i + K, K)], sk1_v)

    plsc.subcore_barrier()

    pltpu.async_copy(src_hbm.at[gk0_v], rows0_v, semg0)
    pltpu.async_copy(src_hbm.at[gk1_v], rows1_v, semg1)

    def pair(p, c):
        j0 = 2 * p

        pltpu.make_async_copy(src_hbm.at[gk0_v], rows0_v, semg0).wait()
        pltpu.sync_copy(rows0_v, acc_sh.at[sk0_v], add=True)

        @pl.when(j0 + 2 < NCH)
        def _():
            pltpu.sync_copy(gidx_hbm.at[pl.ds(base_i + (j0 + 2) * K, K)],
                            gk0_v)
            pltpu.sync_copy(sidx_hbm.at[pl.ds(base_i + (j0 + 2) * K, K)],
                            sk0_v)
            pltpu.async_copy(src_hbm.at[gk0_v], rows0_v, semg0)

        pltpu.make_async_copy(src_hbm.at[gk1_v], rows1_v, semg1).wait()
        pltpu.sync_copy(rows1_v, acc_sh.at[sk1_v], add=True)

        @pl.when(j0 + 3 < NCH)
        def _():
            pltpu.sync_copy(gidx_hbm.at[pl.ds(base_i + (j0 + 3) * K, K)],
                            gk1_v)
            pltpu.sync_copy(sidx_hbm.at[pl.ds(base_i + (j0 + 3) * K, K)],
                            sk1_v)
            pltpu.async_copy(src_hbm.at[gk1_v], rows1_v, semg1)

        return c
    lax.fori_loop(0, NCH // 2, pair, 0)

    plsc.subcore_barrier()

    pltpu.sync_copy(acc_sh.at[pl.ds(base, ROWS_PT)],
                    acc_out.at[cid, pl.ds(base, ROWS_PT)])


_BLK = 1024


def _tc_combine1(a0, a1, c0, c1, W):

    def body(a0_r, a1_r, c0_r, c1_r, w_r, o_r):
        s = a0_r[...] + a1_r[...]
        y = jnp.dot(s, w_r[...], preferred_element_type=jnp.float32)
        cnt = jnp.sum(c0_r[...] + c1_r[...], axis=1, keepdims=True) * (1.0 / D)
        inv = jnp.where(cnt > 0, 1.0 / cnt, 0.0)
        o_r[...] = inv * y

    return pl.pallas_call(
        body,
        grid=(NP // _BLK,),
        in_specs=[
            pl.BlockSpec((_BLK, D), lambda i: (i, 0)),
            pl.BlockSpec((_BLK, D), lambda i: (i, 0)),
            pl.BlockSpec((_BLK, D), lambda i: (i, 0)),
            pl.BlockSpec((_BLK, D), lambda i: (i, 0)),
            pl.BlockSpec((D, D), lambda i: (0, 0)),
        ],
        out_specs=pl.BlockSpec((_BLK, D), lambda i: (i, 0)),
        out_shape=jax.ShapeDtypeStruct((NP, D), jnp.float32),
    )(a0, a1, c0, c1, W)


def _tc_combine2(q0, q1, c0, c1, b2d):

    def body(q0_r, q1_r, c0_r, c1_r, b_r, o_r):
        s = q0_r[...] + q1_r[...]
        cnt = jnp.sum(c0_r[...] + c1_r[...], axis=1, keepdims=True) * (1.0 / D)
        inv = jnp.where(cnt > 0, 1.0 / cnt, 0.0)
        o_r[...] = inv * s + b_r[...]

    return pl.pallas_call(
        body,
        grid=(NP // _BLK,),
        in_specs=[
            pl.BlockSpec((_BLK, D), lambda i: (i, 0)),
            pl.BlockSpec((_BLK, D), lambda i: (i, 0)),
            pl.BlockSpec((_BLK, D), lambda i: (i, 0)),
            pl.BlockSpec((_BLK, D), lambda i: (i, 0)),
            pl.BlockSpec((1, D), lambda i: (0, 0)),
        ],
        out_specs=pl.BlockSpec((_BLK, D), lambda i: (i, 0)),
        out_shape=jax.ShapeDtypeStruct((NP, D), jnp.float32),
    )(q0, q1, c0, c1, b2d)


def kernel(x, hyperedge_index, W, b):
    hi = hyperedge_index.astype(jnp.int32)
    pad = N + jax.lax.iota(jnp.int32, INC_P - INC) % (NP - N)
    nidx = jnp.concatenate([hi[0].reshape(-1), pad])
    eidx = jnp.concatenate([hi[1].reshape(-1), pad])

    xp = jnp.concatenate(
        [x, jnp.zeros((NP - N, D), jnp.float32)], axis=0)

    zdrows = jnp.zeros((ZR, D), jnp.float32)
    ones_tab = jnp.ones((NP, D), jnp.float32)

    lin_idx = jax.lax.iota(jnp.int32, INC_P) % N
    cnte = _sc_pass(ones_tab, lin_idx, eidx, zdrows)
    cntn = _sc_pass(ones_tab, lin_idx, nidx, zdrows)
    acc = _sc_pass(xp, nidx, eidx, zdrows)
    oute = _tc_combine1(acc[0], acc[1], cnte[0], cnte[1], W)
    q = _sc_pass(oute, eidx, nidx, zdrows)
    out = _tc_combine2(q[0], q[1], cntn[0], cntn[1], b.reshape(1, D))
    return out[:N]

# --- scband reference (transcript-rebuilt; emitter-appended) ---
"""Pipeline reference for scband-conv-block-34213709480335 (READ-ONLY COPY).

The authoritative reference and input builder live on the scoring server;
editing this copy changes nothing except your own understanding.
"""

import jax, jax.numpy as jnp
import numpy as np

NUM_NODES = 10000
NUM_HYPEREDGES = 10000
NUM_INC = 320000
D_IN = 128
D_OUT = 128

def setup_inputs(seed: int = 0) -> dict:
    key = jax.random.key(seed)
    k1, k2, k3, k4 = jax.random.split(key, 4)
    x = jax.random.normal(k1, (NUM_NODES, D_IN), dtype=jnp.float32)
    hyperedge_index = jax.random.randint(k2, (2, NUM_INC), 0, NUM_HYPEREDGES, dtype=jnp.int64)
    W = jax.random.normal(k3, (D_IN, D_OUT), dtype=jnp.float32) * (1.0 / np.sqrt(D_IN))
    b = jnp.zeros((D_OUT,), dtype=jnp.float32)
    return {"x": x, "hyperedge_index": hyperedge_index, "W": W, "b": b}

def reference(x, hyperedge_index, W, b):
    # Faithful port of torch_geometric.nn.HypergraphConv (use_attention=False, heads=1)
    num_nodes = x.shape[0]
    num_edges = NUM_HYPEREDGES
    node_idx = hyperedge_index[0]
    edge_idx = hyperedge_index[1]
    # linear transform (lin has no bias in PyG; bias added at the end)
    xw = x @ W
    hyperedge_weight = jnp.ones((num_edges,), dtype=xw.dtype)
    # node degree D = sum of incident hyperedge weights
    D = jax.ops.segment_sum(hyperedge_weight[edge_idx], node_idx, num_segments=num_nodes)
    D = jnp.where(D > 0, 1.0 / D, 0.0)
    # hyperedge degree B
    B = jax.ops.segment_sum(jnp.ones((edge_idx.shape[0],), dtype=xw.dtype), edge_idx, num_segments=num_edges)
    B = jnp.where(B > 0, 1.0 / B, 0.0)
    # propagate 1: node -> hyperedge, message = B[i] * x[j]
    m1 = B[edge_idx][:, None] * xw[node_idx]
    out_e = jax.ops.segment_sum(m1, edge_idx, num_segments=num_edges)
    # propagate 2: hyperedge -> node, message = D[i] * out_e[j]
    m2 = D[node_idx][:, None] * out_e[edge_idx]
    out = jax.ops.segment_sum(m2, node_idx, num_segments=num_nodes)
    return out + b

if __name__ == "__main__":
    import jax
    _d = setup_inputs()
    print(jax.jit(kernel)(*tuple(_d.values())))

</pallas_src>

<mosaic_0001>
#map = affine_map<(d0, d1) -> (0, 0)>
#map1 = affine_map<(d0, d1) -> (0)>
#map2 = affine_map<(d0, d1) -> (0, 0, 0)>
module attributes {stable_mosaic.version = 14 : i64} {
  func.func @_sc_pass(%arg0: i32, %arg1: i32, %arg2: memref<10240x128xf32, #tpu.memory_space<hbm>>, %arg3: memref<322560xi32, #tpu.memory_space<hbm>>, %arg4: memref<322560xi32, #tpu.memory_space<hbm>>, %arg5: memref<128x128xf32, #tpu.memory_space<hbm>>, %arg6: memref<2x10240x128xf32, #tpu.memory_space<hbm>>, %arg7: memref<120xi32, #tpu.memory_space<vmem>>, %arg8: memref<120xi32, #tpu.memory_space<vmem>>, %arg9: memref<120xi32, #tpu.memory_space<vmem>>, %arg10: memref<120xi32, #tpu.memory_space<vmem>>, %arg11: memref<120x128xf32, #tpu.memory_space<vmem>>, %arg12: memref<120x128xf32, #tpu.memory_space<vmem>>, %arg13: memref<128x128xf32, #tpu.memory_space<vmem>>, %arg14: memref<10240x128xf32, #tpu.memory_space<vmem_shared>>, %arg15: memref<!tpu.dma_semaphore, #tpu.memory_space<semaphore_mem>>, %arg16: memref<!tpu.dma_semaphore, #tpu.memory_space<semaphore_mem>>) attributes {dimension_semantics = [#tpu.dimension_semantics<core_parallel>, #tpu.dimension_semantics<subcore_parallel>], iteration_bounds = array<i64: 2, 16>, scalar_prefetch = 0 : i64, scratch_operands = 10 : i64, tpu.core_type = #tpu.core_type<sc_vector_subcore>, window_params = [{transform_indices = #map}, {transform_indices = #map1}, {transform_indices = #map1}, {transform_indices = #map}, {transform_indices = #map2}]} {
    %mul3A = arith.constant 16 : i32
    %mul3A_0 = arith.muli %arg0, %mul3A : i32
    %add3A = arith.addi %mul3A_0, %arg1 : i32
    "tpu.region"() ({
      %run_scoped3A = tpu.sem_alloc : memref<!tpu.dma_semaphore, #tpu.memory_space<semaphore_mem>>
      tpu.enqueue_dma source(%arg5 : memref<128x128xf32, #tpu.memory_space<hbm>>) target(%arg13 : memref<128x128xf32, #tpu.memory_space<vmem>>) target_semaphore(%run_scoped3A : memref<!tpu.dma_semaphore, #tpu.memory_space<semaphore_mem>>)
      tpu.wait_dma2 semaphore(%run_scoped3A : memref<!tpu.dma_semaphore, #tpu.memory_space<semaphore_mem>>) src(%arg5 : memref<128x128xf32, #tpu.memory_space<hbm>>) dst(%arg13 : memref<128x128xf32, #tpu.memory_space<vmem>>)
      tpu.yield
    }) : () -> ()
    %mul3A_1 = arith.constant 640 : i32
    %mul3A_2 = arith.muli %arg1, %mul3A_1 : i32
    %add3A_3 = arith.constant 0 : i32
    %add3A_4 = arith.addi %mul3A_2, %add3A_3 : i32
    "tpu.region"() ({
      %run_scoped3A = tpu.sem_alloc : memref<!tpu.dma_semaphore, #tpu.memory_space<semaphore_mem>>
      %dma_start3A_30 = arith.constant 0 : i32
      %dma_start3A_31 = tpu.memref_slice %arg14[%add3A_4, %dma_start3A_30] : memref<10240x128xf32, #tpu.memory_space<vmem_shared>> -> memref<128x128xf32, #tpu.memory_space<vmem_shared>>
      %dma_start3A_32 = arith.constant 0 : i32
      %dma_start3A_33 = tpu.memref_slice %arg14[%add3A_4, %dma_start3A_32] : memref<10240x128xf32, #tpu.memory_space<vmem_shared>> -> memref<128x128xf32, #tpu.memory_space<vmem_shared>>
      tpu.enqueue_dma source(%arg13 : memref<128x128xf32, #tpu.memory_space<vmem>>) target(%dma_start3A_33 : memref<128x128xf32, #tpu.memory_space<vmem_shared>>) target_semaphore(%run_scoped3A : memref<!tpu.dma_semaphore, #tpu.memory_space<semaphore_mem>>)
      %dma_wait3A = arith.constant 0 : i32
      %dma_wait3A_34 = tpu.memref_slice %arg14[%add3A_4, %dma_wait3A] : memref<10240x128xf32, #tpu.memory_space<vmem_shared>> -> memref<128x128xf32, #tpu.memory_space<vmem_shared>>
      %dma_wait3A_35 = arith.constant 0 : i32
      %dma_wait3A_36 = tpu.memref_slice %arg14[%add3A_4, %dma_wait3A_35] : memref<10240x128xf32, #tpu.memory_space<vmem_shared>> -> memref<128x128xf32, #tpu.memory_space<vmem_shared>>
      tpu.wait_dma2 semaphore(%run_scoped3A : memref<!tpu.dma_semaphore, #tpu.memory_space<semaphore_mem>>) src(%arg13 : memref<128x128xf32, #tpu.memory_space<vmem>>) dst(%dma_wait3A_36 : memref<128x128xf32, #tpu.memory_space<vmem_shared>>)
      tpu.yield
    }) : () -> ()
    %add3A_5 = arith.constant 128 : i32
    %add3A_6 = arith.addi %mul3A_2, %add3A_5 : i32
    "tpu.region"() ({
      %run_scoped3A = tpu.sem_alloc : memref<!tpu.dma_semaphore, #tpu.memory_space<semaphore_mem>>
      %dma_start3A_30 = arith.constant 0 : i32
      %dma_start3A_31 = tpu.memref_slice %arg14[%add3A_6, %dma_start3A_30] : memref<10240x128xf32, #tpu.memory_space<vmem_shared>> -> memref<128x128xf32, #tpu.memory_space<vmem_shared>>
      %dma_start3A_32 = arith.constant 0 : i32
      %dma_start3A_33 = tpu.memref_slice %arg14[%add3A_6, %dma_start3A_32] : memref<10240x128xf32, #tpu.memory_space<vmem_shared>> -> memref<128x128xf32, #tpu.memory_space<vmem_shared>>
      tpu.enqueue_dma source(%arg13 : memref<128x128xf32, #tpu.memory_space<vmem>>) target(%dma_start3A_33 : memref<128x128xf32, #tpu.memory_space<vmem_shared>>) target_semaphore(%run_scoped3A : memref<!tpu.dma_semaphore, #tpu.memory_space<semaphore_mem>>)
      %dma_wait3A = arith.constant 0 : i32
      %dma_wait3A_34 = tpu.memref_slice %arg14[%add3A_6, %dma_wait3A] : memref<10240x128xf32, #tpu.memory_space<vmem_shared>> -> memref<128x128xf32, #tpu.memory_space<vmem_shared>>
      %dma_wait3A_35 = arith.constant 0 : i32
      %dma_wait3A_36 = tpu.memref_slice %arg14[%add3A_6, %dma_wait3A_35] : memref<10240x128xf32, #tpu.memory_space<vmem_shared>> -> memref<128x128xf32, #tpu.memory_space<vmem_shared>>
      tpu.wait_dma2 semaphore(%run_scoped3A : memref<!tpu.dma_semaphore, #tpu.memory_space<semaphore_mem>>) src(%arg13 : memref<128x128xf32, #tpu.memory_space<vmem>>) dst(%dma_wait3A_36 : memref<128x128xf32, #tpu.memory_space<vmem_shared>>)
      tpu.yield
    }) : () -> ()
    %add3A_7 = arith.constant 256 : i32
    %add3A_8 = arith.addi %mul3A_2, %add3A_7 : i32
    "tpu.region"() ({
      %run_scoped3A = tpu.sem_alloc : memref<!tpu.dma_semaphore, #tpu.memory_space<semaphore_mem>>
      %dma_start3A_30 = arith.constant 0 : i32
      %dma_start3A_31 = tpu.memref_slice %arg14[%add3A_8, %dma_start3A_30] : memref<10240x128xf32, #tpu.memory_space<vmem_shared>> -> memref<128x128xf32, #tpu.memory_space<vmem_shared>>
      %dma_start3A_32 = arith.constant 0 : i32
      %dma_start3A_33 = tpu.memref_slice %arg14[%add3A_8, %dma_start3A_32] : memref<10240x128xf32, #tpu.memory_space<vmem_shared>> -> memref<128x128xf32, #tpu.memory_space<vmem_shared>>
      tpu.enqueue_dma source(%arg13 : memref<128x128xf32, #tpu.memory_space<vmem>>) target(%dma_start3A_33 : memref<128x128xf32, #tpu.memory_space<vmem_shared>>) target_semaphore(%run_scoped3A : memref<!tpu.dma_semaphore, #tpu.memory_space<semaphore_mem>>)
      %dma_wait3A = arith.constant 0 : i32
      %dma_wait3A_34 = tpu.memref_slice %arg14[%add3A_8, %dma_wait3A] : memref<10240x128xf32, #tpu.memory_space<vmem_shared>> -> memref<128x128xf32, #tpu.memory_space<vmem_shared>>
      %dma_wait3A_35 = arith.constant 0 : i32
      %dma_wait3A_36 = tpu.memref_slice %arg14[%add3A_8, %dma_wait3A_35] : memref<10240x128xf32, #tpu.memory_space<vmem_shared>> -> memref<128x128xf32, #tpu.memory_space<vmem_shared>>
      tpu.wait_dma2 semaphore(%run_scoped3A : memref<!tpu.dma_semaphore, #tpu.memory_space<semaphore_mem>>) src(%arg13 : memref<128x128xf32, #tpu.memory_space<vmem>>) dst(%dma_wait3A_36 : memref<128x128xf32, #tpu.memory_space<vmem_shared>>)
      tpu.yield
    }) : () -> ()
    %add3A_9 = arith.constant 384 : i32
    %add3A_10 = arith.addi %mul3A_2, %add3A_9 : i32
    "tpu.region"() ({
      %run_scoped3A = tpu.sem_alloc : memref<!tpu.dma_semaphore, #tpu.memory_space<semaphore_mem>>
      %dma_start3A_30 = arith.constant 0 : i32
      %dma_start3A_31 = tpu.memref_slice %arg14[%add3A_10, %dma_start3A_30] : memref<10240x128xf32, #tpu.memory_space<vmem_shared>> -> memref<128x128xf32, #tpu.memory_space<vmem_shared>>
      %dma_start3A_32 = arith.constant 0 : i32
      %dma_start3A_33 = tpu.memref_slice %arg14[%add3A_10, %dma_start3A_32] : memref<10240x128xf32, #tpu.memory_space<vmem_shared>> -> memref<128x128xf32, #tpu.memory_space<vmem_shared>>
      tpu.enqueue_dma source(%arg13 : memref<128x128xf32, #tpu.memory_space<vmem>>) target(%dma_start3A_33 : memref<128x128xf32, #tpu.memory_space<vmem_shared>>) target_semaphore(%run_scoped3A : memref<!tpu.dma_semaphore, #tpu.memory_space<semaphore_mem>>)
      %dma_wait3A = arith.constant 0 : i32
      %dma_wait3A_34 = tpu.memref_slice %arg14[%add3A_10, %dma_wait3A] : memref<10240x128xf32, #tpu.memory_space<vmem_shared>> -> memref<128x128xf32, #tpu.memory_space<vmem_shared>>
      %dma_wait3A_35 = arith.constant 0 : i32
      %dma_wait3A_36 = tpu.memref_slice %arg14[%add3A_10, %dma_wait3A_35] : memref<10240x128xf32, #tpu.memory_space<vmem_shared>> -> memref<128x128xf32, #tpu.memory_space<vmem_shared>>
      tpu.wait_dma2 semaphore(%run_scoped3A : memref<!tpu.dma_semaphore, #tpu.memory_space<semaphore_mem>>) src(%arg13 : memref<128x128xf32, #tpu.memory_space<vmem>>) dst(%dma_wait3A_36 : memref<128x128xf32, #tpu.memory_space<vmem_shared>>)
      tpu.yield
    }) : () -> ()
    %add3A_11 = arith.constant 512 : i32
    %add3A_12 = arith.addi %mul3A_2, %add3A_11 : i32
    "tpu.region"() ({
      %run_scoped3A = tpu.sem_alloc : memref<!tpu.dma_semaphore, #tpu.memory_space<semaphore_mem>>
      %dma_start3A_30 = arith.constant 0 : i32
      %dma_start3A_31 = tpu.memref_slice %arg14[%add3A_12, %dma_start3A_30] : memref<10240x128xf32, #tpu.memory_space<vmem_shared>> -> memref<128x128xf32, #tpu.memory_space<vmem_shared>>
      %dma_start3A_32 = arith.constant 0 : i32
      %dma_start3A_33 = tpu.memref_slice %arg14[%add3A_12, %dma_start3A_32] : memref<10240x128xf32, #tpu.memory_space<vmem_shared>> -> memref<128x128xf32, #tpu.memory_space<vmem_shared>>
      tpu.enqueue_dma source(%arg13 : memref<128x128xf32, #tpu.memory_space<vmem>>) target(%dma_start3A_33 : memref<128x128xf32, #tpu.memory_space<vmem_shared>>) target_semaphore(%run_scoped3A : memref<!tpu.dma_semaphore, #tpu.memory_space<semaphore_mem>>)
      %dma_wait3A = arith.constant 0 : i32
      %dma_wait3A_34 = tpu.memref_slice %arg14[%add3A_12, %dma_wait3A] : memref<10240x128xf32, #tpu.memory_space<vmem_shared>> -> memref<128x128xf32, #tpu.memory_space<vmem_shared>>
      %dma_wait3A_35 = arith.constant 0 : i32
      %dma_wait3A_36 = tpu.memref_slice %arg14[%add3A_12, %dma_wait3A_35] : memref<10240x128xf32, #tpu.memory_space<vmem_shared>> -> memref<128x128xf32, #tpu.memory_space<vmem_shared>>
      tpu.wait_dma2 semaphore(%run_scoped3A : memref<!tpu.dma_semaphore, #tpu.memory_space<semaphore_mem>>) src(%arg13 : memref<128x128xf32, #tpu.memory_space<vmem>>) dst(%dma_wait3A_36 : memref<128x128xf32, #tpu.memory_space<vmem_shared>>)
      tpu.yield
    }) : () -> ()
    %mul3A_13 = arith.constant 10080 : i32
    %mul3A_14 = arith.muli %add3A, %mul3A_13 : i32
    "tpu.region"() ({
      %run_scoped3A = tpu.sem_alloc : memref<!tpu.dma_semaphore, #tpu.memory_space<semaphore_mem>>
      %dma_start3A_30 = tpu.memref_slice %arg3[%mul3A_14] : memref<322560xi32, #tpu.memory_space<hbm>> -> memref<120xi32, #tpu.memory_space<hbm>>
      %dma_start3A_31 = tpu.memref_slice %arg3[%mul3A_14] : memref<322560xi32, #tpu.memory_space<hbm>> -> memref<120xi32, #tpu.memory_space<hbm>>
      tpu.enqueue_dma source(%dma_start3A_31 : memref<120xi32, #tpu.memory_space<hbm>>) target(%arg7 : memref<120xi32, #tpu.memory_space<vmem>>) target_semaphore(%run_scoped3A : memref<!tpu.dma_semaphore, #tpu.memory_space<semaphore_mem>>)
      %dma_wait3A = tpu.memref_slice %arg3[%mul3A_14] : memref<322560xi32, #tpu.memory_space<hbm>> -> memref<120xi32, #tpu.memory_space<hbm>>
      %dma_wait3A_32 = tpu.memref_slice %arg3[%mul3A_14] : memref<322560xi32, #tpu.memory_space<hbm>> -> memref<120xi32, #tpu.memory_space<hbm>>
      tpu.wait_dma2 semaphore(%run_scoped3A : memref<!tpu.dma_semaphore, #tpu.memory_space<semaphore_mem>>) src(%dma_wait3A_32 : memref<120xi32, #tpu.memory_space<hbm>>) dst(%arg7 : memref<120xi32, #tpu.memory_space<vmem>>)
      tpu.yield
    }) : () -> ()
    "tpu.region"() ({
      %run_scoped3A = tpu.sem_alloc : memref<!tpu.dma_semaphore, #tpu.memory_space<semaphore_mem>>
      %dma_start3A_30 = tpu.memref_slice %arg4[%mul3A_14] : memref<322560xi32, #tpu.memory_space<hbm>> -> memref<120xi32, #tpu.memory_space<hbm>>
      %dma_start3A_31 = tpu.memref_slice %arg4[%mul3A_14] : memref<322560xi32, #tpu.memory_space<hbm>> -> memref<120xi32, #tpu.memory_space<hbm>>
      tpu.enqueue_dma source(%dma_start3A_31 : memref<120xi32, #tpu.memory_space<hbm>>) target(%arg9 : memref<120xi32, #tpu.memory_space<vmem>>) target_semaphore(%run_scoped3A : memref<!tpu.dma_semaphore, #tpu.memory_space<semaphore_mem>>)
      %dma_wait3A = tpu.memref_slice %arg4[%mul3A_14] : memref<322560xi32, #tpu.memory_space<hbm>> -> memref<120xi32, #tpu.memory_space<hbm>>
      %dma_wait3A_32 = tpu.memref_slice %arg4[%mul3A_14] : memref<322560xi32, #tpu.memory_space<hbm>> -> memref<120xi32, #tpu.memory_space<hbm>>
      tpu.wait_dma2 semaphore(%run_scoped3A : memref<!tpu.dma_semaphore, #tpu.memory_space<semaphore_mem>>) src(%dma_wait3A_32 : memref<120xi32, #tpu.memory_space<hbm>>) dst(%arg9 : memref<120xi32, #tpu.memory_space<vmem>>)
      tpu.yield
    }) : () -> ()
    %add3A_15 = arith.constant 120 : i32
    %add3A_16 = arith.addi %mul3A_14, %add3A_15 : i32
    "tpu.region"() ({
      %run_scoped3A = tpu.sem_alloc : memref<!tpu.dma_semaphore, #tpu.memory_space<semaphore_mem>>
      %dma_start3A_30 = tpu.memref_slice %arg3[%add3A_16] : memref<322560xi32, #tpu.memory_space<hbm>> -> memref<120xi32, #tpu.memory_space<hbm>>
      %dma_start3A_31 = tpu.memref_slice %arg3[%add3A_16] : memref<322560xi32, #tpu.memory_space<hbm>> -> memref<120xi32, #tpu.memory_space<hbm>>
      tpu.enqueue_dma source(%dma_start3A_31 : memref<120xi32, #tpu.memory_space<hbm>>) target(%arg8 : memref<120xi32, #tpu.memory_space<vmem>>) target_semaphore(%run_scoped3A : memref<!tpu.dma_semaphore, #tpu.memory_space<semaphore_mem>>)
      %dma_wait3A = tpu.memref_slice %arg3[%add3A_16] : memref<322560xi32, #tpu.memory_space<hbm>> -> memref<120xi32, #tpu.memory_space<hbm>>
      %dma_wait3A_32 = tpu.memref_slice %arg3[%add3A_16] : memref<322560xi32, #tpu.memory_space<hbm>> -> memref<120xi32, #tpu.memory_space<hbm>>
      tpu.wait_dma2 semaphore(%run_scoped3A : memref<!tpu.dma_semaphore, #tpu.memory_space<semaphore_mem>>) src(%dma_wait3A_32 : memref<120xi32, #tpu.memory_space<hbm>>) dst(%arg8 : memref<120xi32, #tpu.memory_space<vmem>>)
      tpu.yield
    }) : () -> ()
    %add3A_17 = arith.constant 120 : i32
    %add3A_18 = arith.addi %mul3A_14, %add3A_17 : i32
    "tpu.region"() ({
      %run_scoped3A = tpu.sem_alloc : memref<!tpu.dma_semaphore, #tpu.memory_space<semaphore_mem>>
      %dma_start3A_30 = tpu.memref_slice %arg4[%add3A_18] : memref<322560xi32, #tpu.memory_space<hbm>> -> memref<120xi32, #tpu.memory_space<hbm>>
      %dma_start3A_31 = tpu.memref_slice %arg4[%add3A_18] : memref<322560xi32, #tpu.memory_space<hbm>> -> memref<120xi32, #tpu.memory_space<hbm>>
      tpu.enqueue_dma source(%dma_start3A_31 : memref<120xi32, #tpu.memory_space<hbm>>) target(%arg10 : memref<120xi32, #tpu.memory_space<vmem>>) target_semaphore(%run_scoped3A : memref<!tpu.dma_semaphore, #tpu.memory_space<semaphore_mem>>)
      %dma_wait3A = tpu.memref_slice %arg4[%add3A_18] : memref<322560xi32, #tpu.memory_space<hbm>> -> memref<120xi32, #tpu.memory_space<hbm>>
      %dma_wait3A_32 = tpu.memref_slice %arg4[%add3A_18] : memref<322560xi32, #tpu.memory_space<hbm>> -> memref<120xi32, #tpu.memory_space<hbm>>
      tpu.wait_dma2 semaphore(%run_scoped3A : memref<!tpu.dma_semaphore, #tpu.memory_space<semaphore_mem>>) src(%dma_wait3A_32 : memref<120xi32, #tpu.memory_space<hbm>>) dst(%arg10 : memref<120xi32, #tpu.memory_space<vmem>>)
      tpu.yield
    }) : () -> ()
    %barrier3A = arith.constant 0 : index
    tpu.barrier barrier_id(%barrier3A)
    %dma_start3A = arith.constant 0 : i32
    %dma_start3A_19 = arith.constant 0 : i32
    %dma_start3A_20 = tpu.memref_slice %arg2[%dma_start3A, %dma_start3A_19] : memref<10240x128xf32, #tpu.memory_space<hbm>> -> memref<10240x128xf32, #tpu.memory_space<hbm>>
    tpu.enqueue_indirect_dma source(%dma_start3A_20 : memref<10240x128xf32, #tpu.memory_space<hbm>>) target(%arg11 : memref<120x128xf32, #tpu.memory_space<vmem>>) offsets(%arg7 : memref<120xi32, #tpu.memory_space<vmem>>) semaphore(%arg15 : memref<!tpu.dma_semaphore, #tpu.memory_space<semaphore_mem>>)
    %dma_start3A_21 = arith.constant 0 : i32
    %dma_start3A_22 = arith.constant 0 : i32
    %dma_start3A_23 = tpu.memref_slice %arg2[%dma_start3A_21, %dma_start3A_22] : memref<10240x128xf32, #tpu.memory_space<hbm>> -> memref<10240x128xf32, #tpu.memory_space<hbm>>
    tpu.enqueue_indirect_dma source(%dma_start3A_23 : memref<10240x128xf32, #tpu.memory_space<hbm>>) target(%arg12 : memref<120x128xf32, #tpu.memory_space<vmem>>) offsets(%arg8 : memref<120xi32, #tpu.memory_space<vmem>>) semaphore(%arg16 : memref<!tpu.dma_semaphore, #tpu.memory_space<semaphore_mem>>)
    %scan3A = arith.constant 0 : i32
    %scan3A_24 = arith.constant 0 : i32
    %scan3A_25 = arith.constant 42 : i32
    %scan3A_26 = arith.addi %scan3A_24, %scan3A_25 : i32
    %scan3A_27 = arith.constant 1 : i32
    scf.for %scan3A_30 = %scan3A_24 to %scan3A_26 step %scan3A_27  : i32 {
      %mul3A_31 = arith.constant 2 : i32
      %mul3A_32 = arith.muli %mul3A_31, %scan3A_30 : i32
      %dma_wait3A = arith.constant 0 : i32
      %dma_wait3A_33 = arith.constant 0 : i32
      %dma_wait3A_34 = tpu.memref_slice %arg2[%dma_wait3A, %dma_wait3A_33] : memref<10240x128xf32, #tpu.memory_space<hbm>> -> memref<10240x128xf32, #tpu.memory_space<hbm>>
      tpu.wait_indirect_dma semaphore(%arg15 : memref<!tpu.dma_semaphore, #tpu.memory_space<semaphore_mem>>) src(%dma_wait3A_34 : memref<10240x128xf32, #tpu.memory_space<hbm>>) dst(%arg11 : memref<120x128xf32, #tpu.memory_space<vmem>>)
      "tpu.region"() ({
        %run_scoped3A = tpu.sem_alloc : memref<!tpu.dma_semaphore, #tpu.memory_space<semaphore_mem>>
        %dma_start3A_49 = arith.constant 0 : i32
        %dma_start3A_50 = arith.constant 0 : i32
        %dma_start3A_51 = tpu.memref_slice %arg14[%dma_start3A_49, %dma_start3A_50] : memref<10240x128xf32, #tpu.memory_space<vmem_shared>> -> memref<10240x128xf32, #tpu.memory_space<vmem_shared>>
        tpu.enqueue_indirect_dma source(%arg11 : memref<120x128xf32, #tpu.memory_space<vmem>>) target(%dma_start3A_51 : memref<10240x128xf32, #tpu.memory_space<vmem_shared>>) offsets(%arg9 : memref<120xi32, #tpu.memory_space<vmem>>) semaphore(%run_scoped3A : memref<!tpu.dma_semaphore, #tpu.memory_space<semaphore_mem>>) {add = true}
        %dma_wait3A_52 = arith.constant 0 : i32
        %dma_wait3A_53 = arith.constant 0 : i32
        %dma_wait3A_54 = tpu.memref_slice %arg14[%dma_wait3A_52, %dma_wait3A_53] : memref<10240x128xf32, #tpu.memory_space<vmem_shared>> -> memref<10240x128xf32, #tpu.memory_space<vmem_shared>>
        tpu.wait_indirect_dma semaphore(%run_scoped3A : memref<!tpu.dma_semaphore, #tpu.memory_space<semaphore_mem>>) src(%arg11 : memref<120x128xf32, #tpu.memory_space<vmem>>) dst(%dma_wait3A_54 : memref<10240x128xf32, #tpu.memory_space<vmem_shared>>)
        tpu.yield
      }) : () -> ()
      %add3A_35 = arith.constant 2 : i32
      %add3A_36 = arith.addi %mul3A_32, %add3A_35 : i32
      %lt3A = arith.constant 84 : i32
      %lt3A_37 = arith.cmpi slt, %add3A_36, %lt3A : i32
      %convert_element_type3A = arith.extui %lt3A_37 : i1 to i32
      %cond3A = arith.constant 0 : i32
      %cond3A_38 = arith.cmpi ne, %convert_element_type3A, %cond3A : i32
      scf.if %cond3A_38 {
        %add3A_49 = arith.constant 2 : i32
        %add3A_50 = arith.addi %mul3A_32, %add3A_49 : i32
        %mul3A_51 = arith.constant 120 : i32
        %mul3A_52 = arith.muli %add3A_50, %mul3A_51 : i32
        %add3A_53 = arith.addi %mul3A_14, %mul3A_52 : i32
        "tpu.region"() ({
          %run_scoped3A = tpu.sem_alloc : memref<!tpu.dma_semaphore, #tpu.memory_space<semaphore_mem>>
          %dma_start3A_62 = tpu.memref_slice %arg3[%add3A_53] : memref<322560xi32, #tpu.memory_space<hbm>> -> memref<120xi32, #tpu.memory_space<hbm>>
          %dma_start3A_63 = tpu.memref_slice %arg3[%add3A_53] : memref<322560xi32, #tpu.memory_space<hbm>> -> memref<120xi32, #tpu.memory_space<hbm>>
          tpu.enqueue_dma source(%dma_start3A_63 : memref<120xi32, #tpu.memory_space<hbm>>) target(%arg7 : memref<120xi32, #tpu.memory_space<vmem>>) target_semaphore(%run_scoped3A : memref<!tpu.dma_semaphore, #tpu.memory_space<semaphore_mem>>)
          %dma_wait3A_64 = tpu.memref_slice %arg3[%add3A_53] : memref<322560xi32, #tpu.memory_space<hbm>> -> memref<120xi32, #tpu.memory_space<hbm>>
          %dma_wait3A_65 = tpu.memref_slice %arg3[%add3A_53] : memref<322560xi32, #tpu.memory_space<hbm>> -> memref<120xi32, #tpu.memory_space<hbm>>
          tpu.wait_dma2 semaphore(%run_scoped3A : memref<!tpu.dma_semaphore, #tpu.memory_space<semaphore_mem>>) src(%dma_wait3A_65 : memref<120xi32, #tpu.memory_space<hbm>>) dst(%arg7 : memref<120xi32, #tpu.memory_space<vmem>>)
          tpu.yield
        }) : () -> ()
        %add3A_54 = arith.constant 2 : i32
        %add3A_55 = arith.addi %mul3A_32, %add3A_54 : i32
        %mul3A_56 = arith.constant 120 : i32
        %mul3A_57 = arith.muli %add3A_55, %mul3A_56 : i32
        %add3A_58 = arith.addi %mul3A_14, %mul3A_57 : i32
        "tpu.region"() ({
          %run_scoped3A = tpu.sem_alloc : memref<!tpu.dma_semaphore, #tpu.memory_space<semaphore_mem>>
          %dma_start3A_62 = tpu.memref_slice %arg4[%add3A_58] : memref<322560xi32, #tpu.memory_space<hbm>> -> memref<120xi32, #tpu.memory_space<hbm>>
          %dma_start3A_63 = tpu.memref_slice %arg4[%add3A_58] : memref<322560xi32, #tpu.memory_space<hbm>> -> memref<120xi32, #tpu.memory_space<hbm>>
          tpu.enqueue_dma source(%dma_start3A_63 : memref<120xi32, #tpu.memory_space<hbm>>) target(%arg9 : memref<120xi32, #tpu.memory_space<vmem>>) target_semaphore(%run_scoped3A : memref<!tpu.dma_semaphore, #tpu.memory_space<semaphore_mem>>)
          %dma_wait3A_64 = tpu.memref_slice %arg4[%add3A_58] : memref<322560xi32, #tpu.memory_space<hbm>> -> memref<120xi32, #tpu.memory_space<hbm>>
          %dma_wait3A_65 = tpu.memref_slice %arg4[%add3A_58] : memref<322560xi32, #tpu.memory_space<hbm>> -> memref<120xi32, #tpu.memory_space<hbm>>
          tpu.wait_dma2 semaphore(%run_scoped3A : memref<!tpu.dma_semaphore, #tpu.memory_space<semaphore_mem>>) src(%dma_wait3A_65 : memref<120xi32, #tpu.memory_space<hbm>>) dst(%arg9 : memref<120xi32, #tpu.memory_space<vmem>>)
          tpu.yield
        }) : () -> ()
        %dma_start3A_59 = arith.constant 0 : i32
        %dma_start3A_60 = arith.constant 0 : i32
        %dma_start3A_61 = tpu.memref_slice %arg2[%dma_start3A_59, %dma_start3A_60] : memref<10240x128xf32, #tpu.memory_space<hbm>> -> memref<10240x128xf32, #tpu.memory_space<hbm>>
        tpu.enqueue_indirect_dma source(%dma_start3A_61 : memref<10240x128xf32, #tpu.memory_space<hbm>>) target(%arg11 : memref<120x128xf32, #tpu.memory_space<vmem>>) offsets(%arg7 : memref<120xi32, #tpu.memory_space<vmem>>) semaphore(%arg15 : memref<!tpu.dma_semaphore, #tpu.memory_space<semaphore_mem>>)
      } else {
      }
      %dma_wait3A_39 = arith.constant 0 : i32
      %dma_wait3A_40 = arith.constant 0 : i32
      %dma_wait3A_41 = tpu.memref_slice %arg2[%dma_wait3A_39, %dma_wait3A_40] : memref<10240x128xf32, #tpu.memory_space<hbm>> -> memref<10240x128xf32, #tpu.memory_space<hbm>>
      tpu.wait_indirect_dma semaphore(%arg16 : memref<!tpu.dma_semaphore, #tpu.memory_space<semaphore_mem>>) src(%dma_wait3A_41 : memref<10240x128xf32, #tpu.memory_space<hbm>>) dst(%arg12 : memref<120x128xf32, #tpu.memory_space<vmem>>)
      "tpu.region"() ({
        %run_scoped3A = tpu.sem_alloc : memref<!tpu.dma_semaphore, #tpu.memory_space<semaphore_mem>>
        %dma_start3A_49 = arith.constant 0 : i32
        %dma_start3A_50 = arith.constant 0 : i32
        %dma_start3A_51 = tpu.memref_slice %arg14[%dma_start3A_49, %dma_start3A_50] : memref<10240x128xf32, #tpu.memory_space<vmem_shared>> -> memref<10240x128xf32, #tpu.memory_space<vmem_shared>>
        tpu.enqueue_indirect_dma source(%arg12 : memref<120x128xf32, #tpu.memory_space<vmem>>) target(%dma_start3A_51 : memref<10240x128xf32, #tpu.memory_space<vmem_shared>>) offsets(%arg10 : memref<120xi32, #tpu.memory_space<vmem>>) semaphore(%run_scoped3A : memref<!tpu.dma_semaphore, #tpu.memory_space<semaphore_mem>>) {add = true}
        %dma_wait3A_52 = arith.constant 0 : i32
        %dma_wait3A_53 = arith.constant 0 : i32
        %dma_wait3A_54 = tpu.memref_slice %arg14[%dma_wait3A_52, %dma_wait3A_53] : memref<10240x128xf32, #tpu.memory_space<vmem_shared>> -> memref<10240x128xf32, #tpu.memory_space<vmem_shared>>
        tpu.wait_indirect_dma semaphore(%run_scoped3A : memref<!tpu.dma_semaphore, #tpu.memory_space<semaphore_mem>>) src(%arg12 : memref<120x128xf32, #tpu.memory_space<vmem>>) dst(%dma_wait3A_54 : memref<10240x128xf32, #tpu.memory_space<vmem_shared>>)
        tpu.yield
      }) : () -> ()
      %add3A_42 = arith.constant 3 : i32
      %add3A_43 = arith.addi %mul3A_32, %add3A_42 : i32
      %lt3A_44 = arith.constant 84 : i32
      %lt3A_45 = arith.cmpi slt, %add3A_43, %lt3A_44 : i32
      %convert_element_type3A_46 = arith.extui %lt3A_45 : i1 to i32
      %cond3A_47 = arith.constant 0 : i32
      %cond3A_48 = arith.cmpi ne, %convert_element_type3A_46, %cond3A_47 : i32
      scf.if %cond3A_48 {
        %add3A_49 = arith.constant 3 : i32
        %add3A_50 = arith.addi %mul3A_32, %add3A_49 : i32
        %mul3A_51 = arith.constant 120 : i32
        %mul3A_52 = arith.muli %add3A_50, %mul3A_51 : i32
        %add3A_53 = arith.addi %mul3A_14, %mul3A_52 : i32
        "tpu.region"() ({
          %run_scoped3A = tpu.sem_alloc : memref<!tpu.dma_semaphore, #tpu.memory_space<semaphore_mem>>
          %dma_start3A_62 = tpu.memref_slice %arg3[%add3A_53] : memref<322560xi32, #tpu.memory_space<hbm>> -> memref<120xi32, #tpu.memory_space<hbm>>
          %dma_start3A_63 = tpu.memref_slice %arg3[%add3A_53] : memref<322560xi32, #tpu.memory_space<hbm>> -> memref<120xi32, #tpu.memory_space<hbm>>
          tpu.enqueue_dma source(%dma_start3A_63 : memref<120xi32, #tpu.memory_space<hbm>>) target(%arg8 : memref<120xi32, #tpu.memory_space<vmem>>) target_semaphore(%run_scoped3A : memref<!tpu.dma_semaphore, #tpu.memory_space<semaphore_mem>>)
          %dma_wait3A_64 = tpu.memref_slice %arg3[%add3A_53] : memref<322560xi32, #tpu.memory_space<hbm>> -> memref<120xi32, #tpu.memory_space<hbm>>
          %dma_wait3A_65 = tpu.memref_slice %arg3[%add3A_53] : memref<322560xi32, #tpu.memory_space<hbm>> -> memref<120xi32, #tpu.memory_space<hbm>>
          tpu.wait_dma2 semaphore(%run_scoped3A : memref<!tpu.dma_semaphore, #tpu.memory_space<semaphore_mem>>) src(%dma_wait3A_65 : memref<120xi32, #tpu.memory_space<hbm>>) dst(%arg8 : memref<120xi32, #tpu.memory_space<vmem>>)
          tpu.yield
        }) : () -> ()
        %add3A_54 = arith.constant 3 : i32
        %add3A_55 = arith.addi %mul3A_32, %add3A_54 : i32
        %mul3A_56 = arith.constant 120 : i32
        %mul3A_57 = arith.muli %add3A_55, %mul3A_56 : i32
        %add3A_58 = arith.addi %mul3A_14, %mul3A_57 : i32
        "tpu.region"() ({
          %run_scoped3A = tpu.sem_alloc : memref<!tpu.dma_semaphore, #tpu.memory_space<semaphore_mem>>
          %dma_start3A_62 = tpu.memref_slice %arg4[%add3A_58] : memref<322560xi32, #tpu.memory_space<hbm>> -> memref<120xi32, #tpu.memory_space<hbm>>
          %dma_start3A_63 = tpu.memref_slice %arg4[%add3A_58] : memref<322560xi32, #tpu.memory_space<hbm>> -> memref<120xi32, #tpu.memory_space<hbm>>
          tpu.enqueue_dma source(%dma_start3A_63 : memref<120xi32, #tpu.memory_space<hbm>>) target(%arg10 : memref<120xi32, #tpu.memory_space<vmem>>) target_semaphore(%run_scoped3A : memref<!tpu.dma_semaphore, #tpu.memory_space<semaphore_mem>>)
          %dma_wait3A_64 = tpu.memref_slice %arg4[%add3A_58] : memref<322560xi32, #tpu.memory_space<hbm>> -> memref<120xi32, #tpu.memory_space<hbm>>
          %dma_wait3A_65 = tpu.memref_slice %arg4[%add3A_58] : memref<322560xi32, #tpu.memory_space<hbm>> -> memref<120xi32, #tpu.memory_space<hbm>>
          tpu.wait_dma2 semaphore(%run_scoped3A : memref<!tpu.dma_semaphore, #tpu.memory_space<semaphore_mem>>) src(%dma_wait3A_65 : memref<120xi32, #tpu.memory_space<hbm>>) dst(%arg10 : memref<120xi32, #tpu.memory_space<vmem>>)
          tpu.yield
        }) : () -> ()
        %dma_start3A_59 = arith.constant 0 : i32
        %dma_start3A_60 = arith.constant 0 : i32
        %dma_start3A_61 = tpu.memref_slice %arg2[%dma_start3A_59, %dma_start3A_60] : memref<10240x128xf32, #tpu.memory_space<hbm>> -> memref<10240x128xf32, #tpu.memory_space<hbm>>
        tpu.enqueue_indirect_dma source(%dma_start3A_61 : memref<10240x128xf32, #tpu.memory_space<hbm>>) target(%arg12 : memref<120x128xf32, #tpu.memory_space<vmem>>) offsets(%arg8 : memref<120xi32, #tpu.memory_space<vmem>>) semaphore(%arg16 : memref<!tpu.dma_semaphore, #tpu.memory_space<semaphore_mem>>)
      } else {
      }
    }
    %scan3A_28 = arith.constant 42 : i32
    %barrier3A_29 = arith.constant 0 : index
    tpu.barrier barrier_id(%barrier3A_29)
    "tpu.region"() ({
      %run_scoped3A = tpu.sem_alloc : memref<!tpu.dma_semaphore, #tpu.memory_space<semaphore_mem>>
      %dma_start3A_30 = arith.constant 0 : i32
      %dma_start3A_31 = tpu.memref_slice %arg6[%arg0, %mul3A_2, %dma_start3A_30] : memref<2x10240x128xf32, #tpu.memory_space<hbm>> -> memref<1x640x128xf32, #tpu.memory_space<hbm>>
      %dma_start3A_32 = tpu.memref_squeeze %dma_start3A_31 : memref<1x640x128xf32, #tpu.memory_space<hbm>> -> memref<640x128xf32, #tpu.memory_space<hbm>>
      %dma_start3A_33 = arith.constant 0 : i32
      %dma_start3A_34 = tpu.memref_slice %arg14[%mul3A_2, %dma_start3A_33] : memref<10240x128xf32, #tpu.memory_space<vmem_shared>> -> memref<640x128xf32, #tpu.memory_space<vmem_shared>>
      tpu.enqueue_dma source(%dma_start3A_34 : memref<640x128xf32, #tpu.memory_space<vmem_shared>>) target(%dma_start3A_32 : memref<640x128xf32, #tpu.memory_space<hbm>>) target_semaphore(%run_scoped3A : memref<!tpu.dma_semaphore, #tpu.memory_space<semaphore_mem>>)
      %dma_wait3A = arith.constant 0 : i32
      %dma_wait3A_35 = tpu.memref_slice %arg6[%arg0, %mul3A_2, %dma_wait3A] : memref<2x10240x128xf32, #tpu.memory_space<hbm>> -> memref<1x640x128xf32, #tpu.memory_space<hbm>>
      %dma_wait3A_36 = tpu.memref_squeeze %dma_wait3A_35 : memref<1x640x128xf32, #tpu.memory_space<hbm>> -> memref<640x128xf32, #tpu.memory_space<hbm>>
      %dma_wait3A_37 = arith.constant 0 : i32
      %dma_wait3A_38 = tpu.memref_slice %arg14[%mul3A_2, %dma_wait3A_37] : memref<10240x128xf32, #tpu.memory_space<vmem_shared>> -> memref<640x128xf32, #tpu.memory_space<vmem_shared>>
      tpu.wait_dma2 semaphore(%run_scoped3A : memref<!tpu.dma_semaphore, #tpu.memory_space<semaphore_mem>>) src(%dma_wait3A_38 : memref<640x128xf32, #tpu.memory_space<vmem_shared>>) dst(%dma_wait3A_36 : memref<640x128xf32, #tpu.memory_space<hbm>>)
      tpu.yield
    }) : () -> ()
    return
  }
}

#map = affine_map<(d0, d1) -> (0, 0)>
#map1 = affine_map<(d0, d1) -> (0)>
#map2 = affine_map<(d0, d1) -> (0, 0, 0)>
module attributes {stable_mosaic.version = 14 : i64} {
  func.func @_sc_pass(%arg0: i32, %arg1: i32, %arg2: memref<10240x128xf32, #tpu.memory_space<hbm>>, %arg3: memref<322560xi32, #tpu.memory_space<hbm>>, %arg4: memref<322560xi32, #tpu.memory_space<hbm>>, %arg5: memref<128x128xf32, #tpu.memory_space<hbm>>, %arg6: memref<2x10240x128xf32, #tpu.memory_space<hbm>>, %arg7: memref<120xi32, #tpu.memory_space<vmem>>, %arg8: memref<120xi32, #tpu.memory_space<vmem>>, %arg9: memref<120xi32, #tpu.memory_space<vmem>>, %arg10: memref<120xi32, #tpu.memory_space<vmem>>, %arg11: memref<120x128xf32, #tpu.memory_space<vmem>>, %arg12: memref<120x128xf32, #tpu.memory_space<vmem>>, %arg13: memref<128x128xf32, #tpu.memory_space<vmem>>, %arg14: memref<10240x128xf32, #tpu.memory_space<vmem_shared>>, %arg15: memref<!tpu.dma_semaphore, #tpu.memory_space<semaphore_mem>>, %arg16: memref<!tpu.dma_semaphore, #tpu.memory_space<semaphore_mem>>) attributes {dimension_semantics = [#tpu.dimension_semantics<core_parallel>, #tpu.dimension_semantics<subcore_parallel>], iteration_bounds = array<i64: 2, 16>, scalar_prefetch = 0 : i64, scratch_operands = 10 : i64, tpu.core_type = #tpu.core_type<sc_vector_subcore>, window_params = [{transform_indices = #map}, {transform_indices = #map1}, {transform_indices = #map1}, {transform_indices = #map}, {transform_indices = #map2}]} {
    %mul3A = arith.constant 16 : i32
    %mul3A_0 = arith.muli %arg0, %mul3A : i32
    %add3A = arith.addi %mul3A_0, %arg1 : i32
    "tpu.region"() ({
      %run_scoped3A = tpu.sem_alloc : memref<!tpu.dma_semaphore, #tpu.memory_space<semaphore_mem>>
      tpu.enqueue_dma source(%arg5 : memref<128x128xf32, #tpu.memory_space<hbm>>) target(%arg13 : memref<128x128xf32, #tpu.memory_space<vmem>>) target_semaphore(%run_scoped3A : memref<!tpu.dma_semaphore, #tpu.memory_space<semaphore_mem>>)
      tpu.wait_dma2 semaphore(%run_scoped3A : memref<!tpu.dma_semaphore, #tpu.memory_space<semaphore_mem>>) src(%arg5 : memref<128x128xf32, #tpu.memory_space<hbm>>) dst(%arg13 : memref<128x128xf32, #tpu.memory_space<vmem>>)
      tpu.yield
    }) : () -> ()
    %mul3A_1 = arith.constant 640 : i32
    %mul3A_2 = arith.muli %arg1, %mul3A_1 : i32
    %add3A_3 = arith.constant 0 : i32
    %add3A_4 = arith.addi %mul3A_2, %add3A_3 : i32
    "tpu.region"() ({
      %run_scoped3A = tpu.sem_alloc : memref<!tpu.dma_semaphore, #tpu.memory_space<semaphore_mem>>
      %dma_start3A_30 = arith.constant 0 : i32
      %dma_start3A_31 = tpu.memref_slice %arg14[%add3A_4, %dma_start3A_30] : memref<10240x128xf32, #tpu.memory_space<vmem_shared>> -> memref<128x128xf32, #tpu.memory_space<vmem_shared>>
      %dma_start3A_32 = arith.constant 0 : i32
      %dma_start3A_33 = tpu.memref_slice %arg14[%add3A_4, %dma_start3A_32] : memref<10240x128xf32, #tpu.memory_space<vmem_shared>> -> memref<128x128xf32, #tpu.memory_space<vmem_shared>>
      tpu.enqueue_dma source(%arg13 : memref<128x128xf32, #tpu.memory_space<vmem>>) target(%dma_start3A_33 : memref<128x128xf32, #tpu.memory_space<vmem_shared>>) target_semaphore(%run_scoped3A : memref<!tpu.dma_semaphore, #tpu.memory_space<semaphore_mem>>)
      %dma_wait3A = arith.constant 0 : i32
      %dma_wait3A_34 = tpu.memref_slice %arg14[%add3A_4, %dma_wait3A] : memref<10240x128xf32, #tpu.memory_space<vmem_shared>> -> memref<128x128xf32, #tpu.memory_space<vmem_shared>>
      %dma_wait3A_35 = arith.constant 0 : i32
      %dma_wait3A_36 = tpu.memref_slice %arg14[%add3A_4, %dma_wait3A_35] : memref<10240x128xf32, #tpu.memory_space<vmem_shared>> -> memref<128x128xf32, #tpu.memory_space<vmem_shared>>
      tpu.wait_dma2 semaphore(%run_scoped3A : memref<!tpu.dma_semaphore, #tpu.memory_space<semaphore_mem>>) src(%arg13 : memref<128x128xf32, #tpu.memory_space<vmem>>) dst(%dma_wait3A_36 : memref<128x128xf32, #tpu.memory_space<vmem_shared>>)
      tpu.yield
    }) : () -> ()
    %add3A_5 = arith.constant 128 : i32
    %add3A_6 = arith.addi %mul3A_2, %add3A_5 : i32
    "tpu.region"() ({
      %run_scoped3A = tpu.sem_alloc : memref<!tpu.dma_semaphore, #tpu.memory_space<semaphore_mem>>
      %dma_start3A_30 = arith.constant 0 : i32
      %dma_start3A_31 = tpu.memref_slice %arg14[%add3A_6, %dma_start3A_30] : memref<10240x128xf32, #tpu.memory_space<vmem_shared>> -> memref<128x128xf32, #tpu.memory_space<vmem_shared>>
      %dma_start3A_32 = arith.constant 0 : i32
      %dma_start3A_33 = tpu.memref_slice %arg14[%add3A_6, %dma_start3A_32] : memref<10240x128xf32, #tpu.memory_space<vmem_shared>> -> memref<128x128xf32, #tpu.memory_space<vmem_shared>>
      tpu.enqueue_dma source(%arg13 : memref<128x128xf32, #tpu.memory_space<vmem>>) target(%dma_start3A_33 : memref<128x128xf32, #tpu.memory_space<vmem_shared>>) target_semaphore(%run_scoped3A : memref<!tpu.dma_semaphore, #tpu.memory_space<semaphore_mem>>)
      %dma_wait3A = arith.constant 0 : i32
      %dma_wait3A_34 = tpu.memref_slice %arg14[%add3A_6, %dma_wait3A] : memref<10240x128xf32, #tpu.memory_space<vmem_shared>> -> memref<128x128xf32, #tpu.memory_space<vmem_shared>>
      %dma_wait3A_35 = arith.constant 0 : i32
      %dma_wait3A_36 = tpu.memref_slice %arg14[%add3A_6, %dma_wait3A_35] : memref<10240x128xf32, #tpu.memory_space<vmem_shared>> -> memref<128x128xf32, #tpu.memory_space<vmem_shared>>
      tpu.wait_dma2 semaphore(%run_scoped3A : memref<!tpu.dma_semaphore, #tpu.memory_space<semaphore_mem>>) src(%arg13 : memref<128x128xf32, #tpu.memory_space<vmem>>) dst(%dma_wait3A_36 : memref<128x128xf32, #tpu.memory_space<vmem_shared>>)
      tpu.yield
    }) : () -> ()
    %add3A_7 = arith.constant 256 : i32
    %add3A_8 = arith.addi %mul3A_2, %add3A_7 : i32
    "tpu.region"() ({
      %run_scoped3A = tpu.sem_alloc : memref<!tpu.dma_semaphore, #tpu.memory_space<semaphore_mem>>
      %dma_start3A_30 = arith.constant 0 : i32
      %dma_start3A_31 = tpu.memref_slice %arg14[%add3A_8, %dma_start3A_30] : memref<10240x128xf32, #tpu.memory_space<vmem_shared>> -> memref<128x128xf32, #tpu.memory_space<vmem_shared>>
      %dma_start3A_32 = arith.constant 0 : i32
      %dma_start3A_33 = tpu.memref_slice %arg14[%add3A_8, %dma_start3A_32] : memref<10240x128xf32, #tpu.memory_space<vmem_shared>> -> memref<128x128xf32, #tpu.memory_space<vmem_shared>>
      tpu.enqueue_dma source(%arg13 : memref<128x128xf32, #tpu.memory_space<vmem>>) target(%dma_start3A_33 : memref<128x128xf32, #tpu.memory_space<vmem_shared>>) target_semaphore(%run_scoped3A : memref<!tpu.dma_semaphore, #tpu.memory_space<semaphore_mem>>)
      %dma_wait3A = arith.constant 0 : i32
      %dma_wait3A_34 = tpu.memref_slice %arg14[%add3A_8, %dma_wait3A] : memref<10240x128xf32, #tpu.memory_space<vmem_shared>> -> memref<128x128xf32, #tpu.memory_space<vmem_shared>>
      %dma_wait3A_35 = arith.constant 0 : i32
      %dma_wait3A_36 = tpu.memref_slice %arg14[%add3A_8, %dma_wait3A_35] : memref<10240x128xf32, #tpu.memory_space<vmem_shared>> -> memref<128x128xf32, #tpu.memory_space<vmem_shared>>
      tpu.wait_dma2 semaphore(%run_scoped3A : memref<!tpu.dma_semaphore, #tpu.memory_space<semaphore_mem>>) src(%arg13 : memref<128x128xf32, #tpu.memory_space<vmem>>) dst(%dma_wait3A_36 : memref<128x128xf32, #tpu.memory_space<vmem_shared>>)
      tpu.yield
    }) : () -> ()
    %add3A_9 = arith.constant 384 : i32
    %add3A_10 = arith.addi %mul3A_2, %add3A_9 : i32
    "tpu.region"() ({
      %run_scoped3A = tpu.sem_alloc : memref<!tpu.dma_semaphore, #tpu.memory_space<semaphore_mem>>
      %dma_start3A_30 = arith.constant 0 : i32
      %dma_start3A_31 = tpu.memref_slice %arg14[%add3A_10, %dma_start3A_30] : memref<10240x128xf32, #tpu.memory_space<vmem_shared>> -> memref<128x128xf32, #tpu.memory_space<vmem_shared>>
      %dma_start3A_32 = arith.constant 0 : i32
      %dma_start3A_33 = tpu.memref_slice %arg14[%add3A_10, %dma_start3A_32] : memref<10240x128xf32, #tpu.memory_space<vmem_shared>> -> memref<128x128xf32, #tpu.memory_space<vmem_shared>>
      tpu.enqueue_dma source(%arg13 : memref<128x128xf32, #tpu.memory_space<vmem>>) target(%dma_start3A_33 : memref<128x128xf32, #tpu.memory_space<vmem_shared>>) target_semaphore(%run_scoped3A : memref<!tpu.dma_semaphore, #tpu.memory_space<semaphore_mem>>)
      %dma_wait3A = arith.constant 0 : i32
      %dma_wait3A_34 = tpu.memref_slice %arg14[%add3A_10, %dma_wait3A] : memref<10240x128xf32, #tpu.memory_space<vmem_shared>> -> memref<128x128xf32, #tpu.memory_space<vmem_shared>>
      %dma_wait3A_35 = arith.constant 0 : i32
      %dma_wait3A_36 = tpu.memref_slice %arg14[%add3A_10, %dma_wait3A_35] : memref<10240x128xf32, #tpu.memory_space<vmem_shared>> -> memref<128x128xf32, #tpu.memory_space<vmem_shared>>
      tpu.wait_dma2 semaphore(%run_scoped3A : memref<!tpu.dma_semaphore, #tpu.memory_space<semaphore_mem>>) src(%arg13 : memref<128x128xf32, #tpu.memory_space<vmem>>) dst(%dma_wait3A_36 : memref<128x128xf32, #tpu.memory_space<vmem_shared>>)
      tpu.yield
    }) : () -> ()
    %add3A_11 = arith.constant 512 : i32
    %add3A_12 = arith.addi %mul3A_2, %add3A_11 : i32
    "tpu.region"() ({
      %run_scoped3A = tpu.sem_alloc : memref<!tpu.dma_semaphore, #tpu.memory_space<semaphore_mem>>
      %dma_start3A_30 = arith.constant 0 : i32
      %dma_start3A_31 = tpu.memref_slice %arg14[%add3A_12, %dma_start3A_30] : memref<10240x128xf32, #tpu.memory_space<vmem_shared>> -> memref<128x128xf32, #tpu.memory_space<vmem_shared>>
      %dma_start3A_32 = arith.constant 0 : i32
      %dma_start3A_33 = tpu.memref_slice %arg14[%add3A_12, %dma_start3A_32] : memref<10240x128xf32, #tpu.memory_space<vmem_shared>> -> memref<128x128xf32, #tpu.memory_space<vmem_shared>>
      tpu.enqueue_dma source(%arg13 : memref<128x128xf32, #tpu.memory_space<vmem>>) target(%dma_start3A_33 : memref<128x128xf32, #tpu.memory_space<vmem_shared>>) target_semaphore(%run_scoped3A : memref<!tpu.dma_semaphore, #tpu.memory_space<semaphore_mem>>)
      %dma_wait3A = arith.constant 0 : i32
      %dma_wait3A_34 = tpu.memref_slice %arg14[%add3A_12, %dma_wait3A] : memref<10240x128xf32, #tpu.memory_space<vmem_shared>> -> memref<128x128xf32, #tpu.memory_space<vmem_shared>>
      %dma_wait3A_35 = arith.constant 0 : i32
      %dma_wait3A_36 = tpu.memref_slice %arg14[%add3A_12, %dma_wait3A_35] : memref<10240x128xf32, #tpu.memory_space<vmem_shared>> -> memref<128x128xf32, #tpu.memory_space<vmem_shared>>
      tpu.wait_dma2 semaphore(%run_scoped3A : memref<!tpu.dma_semaphore, #tpu.memory_space<semaphore_mem>>) src(%arg13 : memref<128x128xf32, #tpu.memory_space<vmem>>) dst(%dma_wait3A_36 : memref<128x128xf32, #tpu.memory_space<vmem_shared>>)
      tpu.yield
    }) : () -> ()
    %mul3A_13 = arith.constant 10080 : i32
    %mul3A_14 = arith.muli %add3A, %mul3A_13 : i32
    "tpu.region"() ({
      %run_scoped3A = tpu.sem_alloc : memref<!tpu.dma_semaphore, #tpu.memory_space<semaphore_mem>>
      %dma_start3A_30 = tpu.memref_slice %arg3[%mul3A_14] : memref<322560xi32, #tpu.memory_space<hbm>> -> memref<120xi32, #tpu.memory_space<hbm>>
      %dma_start3A_31 = tpu.memref_slice %arg3[%mul3A_14] : memref<322560xi32, #tpu.memory_space<hbm>> -> memref<120xi32, #tpu.memory_space<hbm>>
      tpu.enqueue_dma source(%dma_start3A_31 : memref<120xi32, #tpu.memory_space<hbm>>) target(%arg7 : memref<120xi32, #tpu.memory_space<vmem>>) target_semaphore(%run_scoped3A : memref<!tpu.dma_semaphore, #tpu.memory_space<semaphore_mem>>)
      %dma_wait3A = tpu.memref_slice %arg3[%mul3A_14] : memref<322560xi32, #tpu.memory_space<hbm>> -> memref<120xi32, #tpu.memory_space<hbm>>
      %dma_wait3A_32 = tpu.memref_slice %arg3[%mul3A_14] : memref<322560xi32, #tpu.memory_space<hbm>> -> memref<120xi32, #tpu.memory_space<hbm>>
      tpu.wait_dma2 semaphore(%run_scoped3A : memref<!tpu.dma_semaphore, #tpu.memory_space<semaphore_mem>>) src(%dma_wait3A_32 : memref<120xi32, #tpu.memory_space<hbm>>) dst(%arg7 : memref<120xi32, #tpu.memory_space<vmem>>)
      tpu.yield
    }) : () -> ()
    "tpu.region"() ({
      %run_scoped3A = tpu.sem_alloc : memref<!tpu.dma_semaphore, #tpu.memory_space<semaphore_mem>>
      %dma_start3A_30 = tpu.memref_slice %arg4[%mul3A_14] : memref<322560xi32, #tpu.memory_space<hbm>> -> memref<120xi32, #tpu.memory_space<hbm>>
      %dma_start3A_31 = tpu.memref_slice %arg4[%mul3A_14] : memref<322560xi32, #tpu.memory_space<hbm>> -> memref<120xi32, #tpu.memory_space<hbm>>
      tpu.enqueue_dma source(%dma_start3A_31 : memref<120xi32, #tpu.memory_space<hbm>>) target(%arg9 : memref<120xi32, #tpu.memory_space<vmem>>) target_semaphore(%run_scoped3A : memref<!tpu.dma_semaphore, #tpu.memory_space<semaphore_mem>>)
      %dma_wait3A = tpu.memref_slice %arg4[%mul3A_14] : memref<322560xi32, #tpu.memory_space<hbm>> -> memref<120xi32, #tpu.memory_space<hbm>>
      %dma_wait3A_32 = tpu.memref_slice %arg4[%mul3A_14] : memref<322560xi32, #tpu.memory_space<hbm>> -> memref<120xi32, #tpu.memory_space<hbm>>
      tpu.wait_dma2 semaphore(%run_scoped3A : memref<!tpu.dma_semaphore, #tpu.memory_space<semaphore_mem>>) src(%dma_wait3A_32 : memref<120xi32, #tpu.memory_space<hbm>>) dst(%arg9 : memref<120xi32, #tpu.memory_space<vmem>>)
      tpu.yield
    }) : () -> ()
    %add3A_15 = arith.constant 120 : i32
    %add3A_16 = arith.addi %mul3A_14, %add3A_15 : i32
    "tpu.region"() ({
      %run_scoped3A = tpu.sem_alloc : memref<!tpu.dma_semaphore, #tpu.memory_space<semaphore_mem>>
      %dma_start3A_30 = tpu.memref_slice %arg3[%add3A_16] : memref<322560xi32, #tpu.memory_space<hbm>> -> memref<120xi32, #tpu.memory_space<hbm>>
      %dma_start3A_31 = tpu.memref_slice %arg3[%add3A_16] : memref<322560xi32, #tpu.memory_space<hbm>> -> memref<120xi32, #tpu.memory_space<hbm>>
      tpu.enqueue_dma source(%dma_start3A_31 : memref<120xi32, #tpu.memory_space<hbm>>) target(%arg8 : memref<120xi32, #tpu.memory_space<vmem>>) target_semaphore(%run_scoped3A : memref<!tpu.dma_semaphore, #tpu.memory_space<semaphore_mem>>)
      %dma_wait3A = tpu.memref_slice %arg3[%add3A_16] : memref<322560xi32, #tpu.memory_space<hbm>> -> memref<120xi32, #tpu.memory_space<hbm>>
      %dma_wait3A_32 = tpu.memref_slice %arg3[%add3A_16] : memref<322560xi32, #tpu.memory_space<hbm>> -> memref<120xi32, #tpu.memory_space<hbm>>
      tpu.wait_dma2 semaphore(%run_scoped3A : memref<!tpu.dma_semaphore, #tpu.memory_space<semaphore_mem>>) src(%dma_wait3A_32 : memref<120xi32, #tpu.memory_space<hbm>>) dst(%arg8 : memref<120xi32, #tpu.memory_space<vmem>>)
      tpu.yield
    }) : () -> ()
    %add3A_17 = arith.constant 120 : i32
    %add3A_18 = arith.addi %mul3A_14, %add3A_17 : i32
    "tpu.region"() ({
      %run_scoped3A = tpu.sem_alloc : memref<!tpu.dma_semaphore, #tpu.memory_space<semaphore_mem>>
      %dma_start3A_30 = tpu.memref_slice %arg4[%add3A_18] : memref<322560xi32, #tpu.memory_space<hbm>> -> memref<120xi32, #tpu.memory_space<hbm>>
      %dma_start3A_31 = tpu.memref_slice %arg4[%add3A_18] : memref<322560xi32, #tpu.memory_space<hbm>> -> memref<120xi32, #tpu.memory_space<hbm>>
      tpu.enqueue_dma source(%dma_start3A_31 : memref<120xi32, #tpu.memory_space<hbm>>) target(%arg10 : memref<120xi32, #tpu.memory_space<vmem>>) target_semaphore(%run_scoped3A : memref<!tpu.dma_semaphore, #tpu.memory_space<semaphore_mem>>)
      %dma_wait3A = tpu.memref_slice %arg4[%add3A_18] : memref<322560xi32, #tpu.memory_space<hbm>> -> memref<120xi32, #tpu.memory_space<hbm>>
      %dma_wait3A_32 = tpu.memref_slice %arg4[%add3A_18] : memref<322560xi32, #tpu.memory_space<hbm>> -> memref<120xi32, #tpu.memory_space<hbm>>
      tpu.wait_dma2 semaphore(%run_scoped3A : memref<!tpu.dma_semaphore, #tpu.memory_space<semaphore_mem>>) src(%dma_wait3A_32 : memref<120xi32, #tpu.memory_space<hbm>>) dst(%arg10 : memref<120xi32, #tpu.memory_space<vmem>>)
      tpu.yield
    }) : () -> ()
    %barrier3A = arith.constant 0 : index
    tpu.barrier barrier_id(%barrier3A)
    %dma_start3A = arith.constant 0 : i32
    %dma_start3A_19 = arith.constant 0 : i32
    %dma_start3A_20 = tpu.memref_slice %arg2[%dma_start3A, %dma_start3A_19] : memref<10240x128xf32, #tpu.memory_space<hbm>> -> memref<10240x128xf32, #tpu.memory_space<hbm>>
    tpu.enqueue_indirect_dma source(%dma_start3A_20 : memref<10240x128xf32, #tpu.memory_space<hbm>>) target(%arg11 : memref<120x128xf32, #tpu.memory_space<vmem>>) offsets(%arg7 : memref<120xi32, #tpu.memory_space<vmem>>) semaphore(%arg15 : memref<!tpu.dma_semaphore, #tpu.memory_space<semaphore_mem>>)
    %dma_start3A_21 = arith.constant 0 : i32
    %dma_start3A_22 = arith.constant 0 : i32
    %dma_start3A_23 = tpu.memref_slice %arg2[%dma_start3A_21, %dma_start3A_22] : memref<10240x128xf32, #tpu.memory_space<hbm>> -> memref<10240x128xf32, #tpu.memory_space<hbm>>
    tpu.enqueue_indirect_dma source(%dma_start3A_23 : memref<10240x128xf32, #tpu.memory_space<hbm>>) target(%arg12 : memref<120x128xf32, #tpu.memory_space<vmem>>) offsets(%arg8 : memref<120xi32, #tpu.memory_space<vmem>>) semaphore(%arg16 : memref<!tpu.dma_semaphore, #tpu.memory_space<semaphore_mem>>)
    %scan3A = arith.constant 0 : i32
    %scan3A_24 = arith.constant 0 : i32
    %scan3A_25 = arith.constant 42 : i32
    %scan3A_26 = arith.addi %scan3A_24, %scan3A_25 : i32
    %scan3A_27 = arith.constant 1 : i32
    scf.for %scan3A_30 = %scan3A_24 to %scan3A_26 step %scan3A_27  : i32 {
      %mul3A_31 = arith.constant 2 : i32
      %mul3A_32 = arith.muli %mul3A_31, %scan3A_30 : i32
      %dma_wait3A = arith.constant 0 : i32
      %dma_wait3A_33 = arith.constant 0 : i32
      %dma_wait3A_34 = tpu.memref_slice %arg2[%dma_wait3A, %dma_wait3A_33] : memref<10240x128xf32, #tpu.memory_space<hbm>> -> memref<10240x128xf32, #tpu.memory_space<hbm>>
      tpu.wait_indirect_dma semaphore(%arg15 : memref<!tpu.dma_semaphore, #tpu.memory_space<semaphore_mem>>) src(%dma_wait3A_34 : memref<10240x128xf32, #tpu.memory_space<hbm>>) dst(%arg11 : memref<120x128xf32, #tpu.memory_space<vmem>>)
      "tpu.region"() ({
        %run_scoped3A = tpu.sem_alloc : memref<!tpu.dma_semaphore, #tpu.memory_space<semaphore_mem>>
        %dma_start3A_49 = arith.constant 0 : i32
        %dma_start3A_50 = arith.constant 0 : i32
        %dma_start3A_51 = tpu.memref_slice %arg14[%dma_start3A_49, %dma_start3A_50] : memref<10240x128xf32, #tpu.memory_space<vmem_shared>> -> memref<10240x128xf32, #tpu.memory_space<vmem_shared>>
        tpu.enqueue_indirect_dma source(%arg11 : memref<120x128xf32, #tpu.memory_space<vmem>>) target(%dma_start3A_51 : memref<10240x128xf32, #tpu.memory_space<vmem_shared>>) offsets(%arg9 : memref<120xi32, #tpu.memory_space<vmem>>) semaphore(%run_scoped3A : memref<!tpu.dma_semaphore, #tpu.memory_space<semaphore_mem>>) {add = true}
        %dma_wait3A_52 = arith.constant 0 : i32
        %dma_wait3A_53 = arith.constant 0 : i32
        %dma_wait3A_54 = tpu.memref_slice %arg14[%dma_wait3A_52, %dma_wait3A_53] : memref<10240x128xf32, #tpu.memory_space<vmem_shared>> -> memref<10240x128xf32, #tpu.memory_space<vmem_shared>>
        tpu.wait_indirect_dma semaphore(%run_scoped3A : memref<!tpu.dma_semaphore, #tpu.memory_space<semaphore_mem>>) src(%arg11 : memref<120x128xf32, #tpu.memory_space<vmem>>) dst(%dma_wait3A_54 : memref<10240x128xf32, #tpu.memory_space<vmem_shared>>)
        tpu.yield
      }) : () -> ()
      %add3A_35 = arith.constant 2 : i32
      %add3A_36 = arith.addi %mul3A_32, %add3A_35 : i32
      %lt3A = arith.constant 84 : i32
      %lt3A_37 = arith.cmpi slt, %add3A_36, %lt3A : i32
      %convert_element_type3A = arith.extui %lt3A_37 : i1 to i32
      %cond3A = arith.constant 0 : i32
      %cond3A_38 = arith.cmpi ne, %convert_element_type3A, %cond3A : i32
      scf.if %cond3A_38 {
        %add3A_49 = arith.constant 2 : i32
        %add3A_50 = arith.addi %mul3A_32, %add3A_49 : i32
        %mul3A_51 = arith.constant 120 : i32
        %mul3A_52 = arith.muli %add3A_50, %mul3A_51 : i32
        %add3A_53 = arith.addi %mul3A_14, %mul3A_52 : i32
        "tpu.region"() ({
          %run_scoped3A = tpu.sem_alloc : memref<!tpu.dma_semaphore, #tpu.memory_space<semaphore_mem>>
          %dma_start3A_62 = tpu.memref_slice %arg3[%add3A_53] : memref<322560xi32, #tpu.memory_space<hbm>> -> memref<120xi32, #tpu.memory_space<hbm>>
          %dma_start3A_63 = tpu.memref_slice %arg3[%add3A_53] : memref<322560xi32, #tpu.memory_space<hbm>> -> memref<120xi32, #tpu.memory_space<hbm>>
          tpu.enqueue_dma source(%dma_start3A_63 : memref<120xi32, #tpu.memory_space<hbm>>) target(%arg7 : memref<120xi32, #tpu.memory_space<vmem>>) target_semaphore(%run_scoped3A : memref<!tpu.dma_semaphore, #tpu.memory_space<semaphore_mem>>)
          %dma_wait3A_64 = tpu.memref_slice %arg3[%add3A_53] : memref<322560xi32, #tpu.memory_space<hbm>> -> memref<120xi32, #tpu.memory_space<hbm>>
          %dma_wait3A_65 = tpu.memref_slice %arg3[%add3A_53] : memref<322560xi32, #tpu.memory_space<hbm>> -> memref<120xi32, #tpu.memory_space<hbm>>
          tpu.wait_dma2 semaphore(%run_scoped3A : memref<!tpu.dma_semaphore, #tpu.memory_space<semaphore_mem>>) src(%dma_wait3A_65 : memref<120xi32, #tpu.memory_space<hbm>>) dst(%arg7 : memref<120xi32, #tpu.memory_space<vmem>>)
          tpu.yield
        }) : () -> ()
        %add3A_54 = arith.constant 2 : i32
        %add3A_55 = arith.addi %mul3A_32, %add3A_54 : i32
        %mul3A_56 = arith.constant 120 : i32
        %mul3A_57 = arith.muli %add3A_55, %mul3A_56 : i32
        %add3A_58 = arith.addi %mul3A_14, %mul3A_57 : i32
        "tpu.region"() ({
          %run_scoped3A = tpu.sem_alloc : memref<!tpu.dma_semaphore, #tpu.memory_space<semaphore_mem>>
          %dma_start3A_62 = tpu.memref_slice %arg4[%add3A_58] : memref<322560xi32, #tpu.memory_space<hbm>> -> memref<120xi32, #tpu.memory_space<hbm>>
          %dma_start3A_63 = tpu.memref_slice %arg4[%add3A_58] : memref<322560xi32, #tpu.memory_space<hbm>> -> memref<120xi32, #tpu.memory_space<hbm>>
          tpu.enqueue_dma source(%dma_start3A_63 : memref<120xi32, #tpu.memory_space<hbm>>) target(%arg9 : memref<120xi32, #tpu.memory_space<vmem>>) target_semaphore(%run_scoped3A : memref<!tpu.dma_semaphore, #tpu.memory_space<semaphore_mem>>)
          %dma_wait3A_64 = tpu.memref_slice %arg4[%add3A_58] : memref<322560xi32, #tpu.memory_space<hbm>> -> memref<120xi32, #tpu.memory_space<hbm>>
          %dma_wait3A_65 = tpu.memref_slice %arg4[%add3A_58] : memref<322560xi32, #tpu.memory_space<hbm>> -> memref<120xi32, #tpu.memory_space<hbm>>
          tpu.wait_dma2 semaphore(%run_scoped3A : memref<!tpu.dma_semaphore, #tpu.memory_space<semaphore_mem>>) src(%dma_wait3A_65 : memref<120xi32, #tpu.memory_space<hbm>>) dst(%arg9 : memref<120xi32, #tpu.memory_space<vmem>>)
          tpu.yield
        }) : () -> ()
        %dma_start3A_59 = arith.constant 0 : i32
        %dma_start3A_60 = arith.constant 0 : i32
        %dma_start3A_61 = tpu.memref_slice %arg2[%dma_start3A_59, %dma_start3A_60] : memref<10240x128xf32, #tpu.memory_space<hbm>> -> memref<10240x128xf32, #tpu.memory_space<hbm>>
        tpu.enqueue_indirect_dma source(%dma_start3A_61 : memref<10240x128xf32, #tpu.memory_space<hbm>>) target(%arg11 : memref<120x128xf32, #tpu.memory_space<vmem>>) offsets(%arg7 : memref<120xi32, #tpu.memory_space<vmem>>) semaphore(%arg15 : memref<!tpu.dma_semaphore, #tpu.memory_space<semaphore_mem>>)
      } else {
      }
      %dma_wait3A_39 = arith.constant 0 : i32
      %dma_wait3A_40 = arith.constant 0 : i32
      %dma_wait3A_41 = tpu.memref_slice %arg2[%dma_wait3A_39, %dma_wait3A_40] : memref<10240x128xf32, #tpu.memory_space<hbm>> -> memref<10240x128xf32, #tpu.memory_space<hbm>>
      tpu.wait_indirect_dma semaphore(%arg16 : memref<!tpu.dma_semaphore, #tpu.memory_space<semaphore_mem>>) src(%dma_wait3A_41 : memref<10240x128xf32, #tpu.memory_space<hbm>>) dst(%arg12 : memref<120x128xf32, #tpu.memory_space<vmem>>)
      "tpu.region"() ({
        %run_scoped3A = tpu.sem_alloc : memref<!tpu.dma_semaphore, #tpu.memory_space<semaphore_mem>>
        %dma_start3A_49 = arith.constant 0 : i32
        %dma_start3A_50 = arith.constant 0 : i32
        %dma_start3A_51 = tpu.memref_slice %arg14[%dma_start3A_49, %dma_start3A_50] : memref<10240x128xf32, #tpu.memory_space<vmem_shared>> -> memref<10240x128xf32, #tpu.memory_space<vmem_shared>>
        tpu.enqueue_indirect_dma source(%arg12 : memref<120x128xf32, #tpu.memory_space<vmem>>) target(%dma_start3A_51 : memref<10240x128xf32, #tpu.memory_space<vmem_shared>>) offsets(%arg10 : memref<120xi32, #tpu.memory_space<vmem>>) semaphore(%run_scoped3A : memref<!tpu.dma_semaphore, #tpu.memory_space<semaphore_mem>>) {add = true}
        %dma_wait3A_52 = arith.constant 0 : i32
        %dma_wait3A_53 = arith.constant 0 : i32
        %dma_wait3A_54 = tpu.memref_slice %arg14[%dma_wait3A_52, %dma_wait3A_53] : memref<10240x128xf32, #tpu.memory_space<vmem_shared>> -> memref<10240x128xf32, #tpu.memory_space<vmem_shared>>
        tpu.wait_indirect_dma semaphore(%run_scoped3A : memref<!tpu.dma_semaphore, #tpu.memory_space<semaphore_mem>>) src(%arg12 : memref<120x128xf32, #tpu.memory_space<vmem>>) dst(%dma_wait3A_54 : memref<10240x128xf32, #tpu.memory_space<vmem_shared>>)
        tpu.yield
      }) : () -> ()
      %add3A_42 = arith.constant 3 : i32
      %add3A_43 = arith.addi %mul3A_32, %add3A_42 : i32
      %lt3A_44 = arith.constant 84 : i32
      %lt3A_45 = arith.cmpi slt, %add3A_43, %lt3A_44 : i32
      %convert_element_type3A_46 = arith.extui %lt3A_45 : i1 to i32
      %cond3A_47 = arith.constant 0 : i32
      %cond3A_48 = arith.cmpi ne, %convert_element_type3A_46, %cond3A_47 : i32
      scf.if %cond3A_48 {
        %add3A_49 = arith.constant 3 : i32
        %add3A_50 = arith.addi %mul3A_32, %add3A_49 : i32
        %mul3A_51 = arith.constant 120 : i32
        %mul3A_52 = arith.muli %add3A_50, %mul3A_51 : i32
        %add3A_53 = arith.addi %mul3A_14, %mul3A_52 : i32
        "tpu.region"() ({
          %run_scoped3A = tpu.sem_alloc : memref<!tpu.dma_semaphore, #tpu.memory_space<semaphore_mem>>
          %dma_start3A_62 = tpu.memref_slice %arg3[%add3A_53] : memref<322560xi32, #tpu.memory_space<hbm>> -> memref<120xi32, #tpu.memory_space<hbm>>
          %dma_start3A_63 = tpu.memref_slice %arg3[%add3A_53] : memref<322560xi32, #tpu.memory_space<hbm>> -> memref<120xi32, #tpu.memory_space<hbm>>
          tpu.enqueue_dma source(%dma_start3A_63 : memref<120xi32, #tpu.memory_space<hbm>>) target(%arg8 : memref<120xi32, #tpu.memory_space<vmem>>) target_semaphore(%run_scoped3A : memref<!tpu.dma_semaphore, #tpu.memory_space<semaphore_mem>>)
          %dma_wait3A_64 = tpu.memref_slice %arg3[%add3A_53] : memref<322560xi32, #tpu.memory_space<hbm>> -> memref<120xi32, #tpu.memory_space<hbm>>
          %dma_wait3A_65 = tpu.memref_slice %arg3[%add3A_53] : memref<322560xi32, #tpu.memory_space<hbm>> -> memref<120xi32, #tpu.memory_space<hbm>>
          tpu.wait_dma2 semaphore(%run_scoped3A : memref<!tpu.dma_semaphore, #tpu.memory_space<semaphore_mem>>) src(%dma_wait3A_65 : memref<120xi32, #tpu.memory_space<hbm>>) dst(%arg8 : memref<120xi32, #tpu.memory_space<vmem>>)
          tpu.yield
        }) : () -> ()
        %add3A_54 = arith.constant 3 : i32
        %add3A_55 = arith.addi %mul3A_32, %add3A_54 : i32
        %mul3A_56 = arith.constant 120 : i32
        %mul3A_57 = arith.muli %add3A_55, %mul3A_56 : i32
        %add3A_58 = arith.addi %mul3A_14, %mul3A_57 : i32
        "tpu.region"() ({
          %run_scoped3A = tpu.sem_alloc : memref<!tpu.dma_semaphore, #tpu.memory_space<semaphore_mem>>
          %dma_start3A_62 = tpu.memref_slice %arg4[%add3A_58] : memref<322560xi32, #tpu.memory_space<hbm>> -> memref<120xi32, #tpu.memory_space<hbm>>
          %dma_start3A_63 = tpu.memref_slice %arg4[%add3A_58] : memref<322560xi32, #tpu.memory_space<hbm>> -> memref<120xi32, #tpu.memory_space<hbm>>
          tpu.enqueue_dma source(%dma_start3A_63 : memref<120xi32, #tpu.memory_space<hbm>>) target(%arg10 : memref<120xi32, #tpu.memory_space<vmem>>) target_semaphore(%run_scoped3A : memref<!tpu.dma_semaphore, #tpu.memory_space<semaphore_mem>>)
          %dma_wait3A_64 = tpu.memref_slice %arg4[%add3A_58] : memref<322560xi32, #tpu.memory_space<hbm>> -> memref<120xi32, #tpu.memory_space<hbm>>
          %dma_wait3A_65 = tpu.memref_slice %arg4[%add3A_58] : memref<322560xi32, #tpu.memory_space<hbm>> -> memref<120xi32, #tpu.memory_space<hbm>>
          tpu.wait_dma2 semaphore(%run_scoped3A : memref<!tpu.dma_semaphore, #tpu.memory_space<semaphore_mem>>) src(%dma_wait3A_65 : memref<120xi32, #tpu.memory_space<hbm>>) dst(%arg10 : memref<120xi32, #tpu.memory_space<vmem>>)
          tpu.yield
        }) : () -> ()
        %dma_start3A_59 = arith.constant 0 : i32
        %dma_start3A_60 = arith.constant 0 : i32
        %dma_start3A_61 = tpu.memref_slice %arg2[%dma_start3A_59, %dma_start3A_60] : memref<10240x128xf32, #tpu.memory_space<hbm>> -> memref<10240x128xf32, #tpu.memory_space<hbm>>
        tpu.enqueue_indirect_dma source(%dma_start3A_61 : memref<10240x128xf32, #tpu.memory_space<hbm>>) target(%arg12 : memref<120x128xf32, #tpu.memory_space<vmem>>) offsets(%arg8 : memref<120xi32, #tpu.memory_space<vmem>>) semaphore(%arg16 : memref<!tpu.dma_semaphore, #tpu.memory_space<semaphore_mem>>)
      } else {
      }
    }
    %scan3A_28 = arith.constant 42 : i32
    %barrier3A_29 = arith.constant 0 : index
    tpu.barrier barrier_id(%barrier3A_29)
    "tpu.region"() ({
      %run_scoped3A = tpu.sem_alloc : memref<!tpu.dma_semaphore, #tpu.memory_space<semaphore_mem>>
      %dma_start3A_30 = arith.constant 0 : i32
      %dma_start3A_31 = tpu.memref_slice %arg6[%arg0, %mul3A_2, %dma_start3A_30] : memref<2x10240x128xf32, #tpu.memory_space<hbm>> -> memref<1x640x128xf32, #tpu.memory_space<hbm>>
      %dma_start3A_32 = tpu.memref_squeeze %dma_start3A_31 : memref<1x640x128xf32, #tpu.memory_space<hbm>> -> memref<640x128xf32, #tpu.memory_space<hbm>>
      %dma_start3A_33 = arith.constant 0 : i32
      %dma_start3A_34 = tpu.memref_slice %arg14[%mul3A_2, %dma_start3A_33] : memref<10240x128xf32, #tpu.memory_space<vmem_shared>> -> memref<640x128xf32, #tpu.memory_space<vmem_shared>>
      tpu.enqueue_dma source(%dma_start3A_34 : memref<640x128xf32, #tpu.memory_space<vmem_shared>>) target(%dma_start3A_32 : memref<640x128xf32, #tpu.memory_space<hbm>>) target_semaphore(%run_scoped3A : memref<!tpu.dma_semaphore, #tpu.memory_space<semaphore_mem>>)
      %dma_wait3A = arith.constant 0 : i32
      %dma_wait3A_35 = tpu.memref_slice %arg6[%arg0, %mul3A_2, %dma_wait3A] : memref<2x10240x128xf32, #tpu.memory_space<hbm>> -> memref<1x640x128xf32, #tpu.memory_space<hbm>>
      %dma_wait3A_36 = tpu.memref_squeeze %dma_wait3A_35 : memref<1x640x128xf32, #tpu.memory_space<hbm>> -> memref<640x128xf32, #tpu.memory_space<hbm>>
      %dma_wait3A_37 = arith.constant 0 : i32
      %dma_wait3A_38 = tpu.memref_slice %arg14[%mul3A_2, %dma_wait3A_37] : memref<10240x128xf32, #tpu.memory_space<vmem_shared>> -> memref<640x128xf32, #tpu.memory_space<vmem_shared>>
      tpu.wait_dma2 semaphore(%run_scoped3A : memref<!tpu.dma_semaphore, #tpu.memory_space<semaphore_mem>>) src(%dma_wait3A_38 : memref<640x128xf32, #tpu.memory_space<vmem_shared>>) dst(%dma_wait3A_36 : memref<640x128xf32, #tpu.memory_space<hbm>>)
      tpu.yield
    }) : () -> ()
    return
  }
}

#map = affine_map<(d0, d1) -> (0, 0)>
#map1 = affine_map<(d0, d1) -> (0)>
#map2 = affine_map<(d0, d1) -> (0, 0, 0)>
module attributes {stable_mosaic.version = 14 : i64} {
  func.func @_sc_pass(%arg0: i32, %arg1: i32, %arg2: memref<10240x128xf32, #tpu.memory_space<hbm>>, %arg3: memref<322560xi32, #tpu.memory_space<hbm>>, %arg4: memref<322560xi32, #tpu.memory_space<hbm>>, %arg5: memref<128x128xf32, #tpu.memory_space<hbm>>, %arg6: memref<2x10240x128xf32, #tpu.memory_space<hbm>>, %arg7: memref<120xi32, #tpu.memory_space<vmem>>, %arg8: memref<120xi32, #tpu.memory_space<vmem>>, %arg9: memref<120xi32, #tpu.memory_space<vmem>>, %arg10: memref<120xi32, #tpu.memory_space<vmem>>, %arg11: memref<120x128xf32, #tpu.memory_space<vmem>>, %arg12: memref<120x128xf32, #tpu.memory_space<vmem>>, %arg13: memref<128x128xf32, #tpu.memory_space<vmem>>, %arg14: memref<10240x128xf32, #tpu.memory_space<vmem_shared>>, %arg15: memref<!tpu.dma_semaphore, #tpu.memory_space<semaphore_mem>>, %arg16: memref<!tpu.dma_semaphore, #tpu.memory_space<semaphore_mem>>) attributes {dimension_semantics = [#tpu.dimension_semantics<core_parallel>, #tpu.dimension_semantics<subcore_parallel>], iteration_bounds = array<i64: 2, 16>, scalar_prefetch = 0 : i64, scratch_operands = 10 : i64, tpu.core_type = #tpu.core_type<sc_vector_subcore>, window_params = [{transform_indices = #map}, {transform_indices = #map1}, {transform_indices = #map1}, {transform_indices = #map}, {transform_indices = #map2}]} {
    %mul3A = arith.constant 16 : i32
    %mul3A_0 = arith.muli %arg0, %mul3A : i32
    %add3A = arith.addi %mul3A_0, %arg1 : i32
    "tpu.region"() ({
      %run_scoped3A = tpu.sem_alloc : memref<!tpu.dma_semaphore, #tpu.memory_space<semaphore_mem>>
      tpu.enqueue_dma source(%arg5 : memref<128x128xf32, #tpu.memory_space<hbm>>) target(%arg13 : memref<128x128xf32, #tpu.memory_space<vmem>>) target_semaphore(%run_scoped3A : memref<!tpu.dma_semaphore, #tpu.memory_space<semaphore_mem>>)
      tpu.wait_dma2 semaphore(%run_scoped3A : memref<!tpu.dma_semaphore, #tpu.memory_space<semaphore_mem>>) src(%arg5 : memref<128x128xf32, #tpu.memory_space<hbm>>) dst(%arg13 : memref<128x128xf32, #tpu.memory_space<vmem>>)
      tpu.yield
    }) : () -> ()
    %mul3A_1 = arith.constant 640 : i32
    %mul3A_2 = arith.muli %arg1, %mul3A_1 : i32
    %add3A_3 = arith.constant 0 : i32
    %add3A_4 = arith.addi %mul3A_2, %add3A_3 : i32
    "tpu.region"() ({
      %run_scoped3A = tpu.sem_alloc : memref<!tpu.dma_semaphore, #tpu.memory_space<semaphore_mem>>
      %dma_start3A_30 = arith.constant 0 : i32
      %dma_start3A_31 = tpu.memref_slice %arg14[%add3A_4, %dma_start3A_30] : memref<10240x128xf32, #tpu.memory_space<vmem_shared>> -> memref<128x128xf32, #tpu.memory_space<vmem_shared>>
      %dma_start3A_32 = arith.constant 0 : i32
      %dma_start3A_33 = tpu.memref_slice %arg14[%add3A_4, %dma_start3A_32] : memref<10240x128xf32, #tpu.memory_space<vmem_shared>> -> memref<128x128xf32, #tpu.memory_space<vmem_shared>>
      tpu.enqueue_dma source(%arg13 : memref<128x128xf32, #tpu.memory_space<vmem>>) target(%dma_start3A_33 : memref<128x128xf32, #tpu.memory_space<vmem_shared>>) target_semaphore(%run_scoped3A : memref<!tpu.dma_semaphore, #tpu.memory_space<semaphore_mem>>)
      %dma_wait3A = arith.constant 0 : i32
      %dma_wait3A_34 = tpu.memref_slice %arg14[%add3A_4, %dma_wait3A] : memref<10240x128xf32, #tpu.memory_space<vmem_shared>> -> memref<128x128xf32, #tpu.memory_space<vmem_shared>>
      %dma_wait3A_35 = arith.constant 0 : i32
      %dma_wait3A_36 = tpu.memref_slice %arg14[%add3A_4, %dma_wait3A_35] : memref<10240x128xf32, #tpu.memory_space<vmem_shared>> -> memref<128x128xf32, #tpu.memory_space<vmem_shared>>
      tpu.wait_dma2 semaphore(%run_scoped3A : memref<!tpu.dma_semaphore, #tpu.memory_space<semaphore_mem>>) src(%arg13 : memref<128x128xf32, #tpu.memory_space<vmem>>) dst(%dma_wait3A_36 : memref<128x128xf32, #tpu.memory_space<vmem_shared>>)
      tpu.yield
    }) : () -> ()
    %add3A_5 = arith.constant 128 : i32
    %add3A_6 = arith.addi %mul3A_2, %add3A_5 : i32
    "tpu.region"() ({
      %run_scoped3A = tpu.sem_alloc : memref<!tpu.dma_semaphore, #tpu.memory_space<semaphore_mem>>
      %dma_start3A_30 = arith.constant 0 : i32
      %dma_start3A_31 = tpu.memref_slice %arg14[%add3A_6, %dma_start3A_30] : memref<10240x128xf32, #tpu.memory_space<vmem_shared>> -> memref<128x128xf32, #tpu.memory_space<vmem_shared>>
      %dma_start3A_32 = arith.constant 0 : i32
      %dma_start3A_33 = tpu.memref_slice %arg14[%add3A_6, %dma_start3A_32] : memref<10240x128xf32, #tpu.memory_space<vmem_shared>> -> memref<128x128xf32, #tpu.memory_space<vmem_shared>>
      tpu.enqueue_dma source(%arg13 : memref<128x128xf32, #tpu.memory_space<vmem>>) target(%dma_start3A_33 : memref<128x128xf32, #tpu.memory_space<vmem_shared>>) target_semaphore(%run_scoped3A : memref<!tpu.dma_semaphore, #tpu.memory_space<semaphore_mem>>)
      %dma_wait3A = arith.constant 0 : i32
      %dma_wait3A_34 = tpu.memref_slice %arg14[%add3A_6, %dma_wait3A] : memref<10240x128xf32, #tpu.memory_space<vmem_shared>> -> memref<128x128xf32, #tpu.memory_space<vmem_shared>>
      %dma_wait3A_35 = arith.constant 0 : i32
      %dma_wait3A_36 = tpu.memref_slice %arg14[%add3A_6, %dma_wait3A_35] : memref<10240x128xf32, #tpu.memory_space<vmem_shared>> -> memref<128x128xf32, #tpu.memory_space<vmem_shared>>
      tpu.wait_dma2 semaphore(%run_scoped3A : memref<!tpu.dma_semaphore, #tpu.memory_space<semaphore_mem>>) src(%arg13 : memref<128x128xf32, #tpu.memory_space<vmem>>) dst(%dma_wait3A_36 : memref<128x128xf32, #tpu.memory_space<vmem_shared>>)
      tpu.yield
    }) : () -> ()
    %add3A_7 = arith.constant 256 : i32
    %add3A_8 = arith.addi %mul3A_2, %add3A_7 : i32
    "tpu.region"() ({
      %run_scoped3A = tpu.sem_alloc : memref<!tpu.dma_semaphore, #tpu.memory_space<semaphore_mem>>
      %dma_start3A_30 = arith.constant 0 : i32
      %dma_start3A_31 = tpu.memref_slice %arg14[%add3A_8, %dma_start3A_30] : memref<10240x128xf32, #tpu.memory_space<vmem_shared>> -> memref<128x128xf32, #tpu.memory_space<vmem_shared>>
      %dma_start3A_32 = arith.constant 0 : i32
      %dma_start3A_33 = tpu.memref_slice %arg14[%add3A_8, %dma_start3A_32] : memref<10240x128xf32, #tpu.memory_space<vmem_shared>> -> memref<128x128xf32, #tpu.memory_space<vmem_shared>>
      tpu.enqueue_dma source(%arg13 : memref<128x128xf32, #tpu.memory_space<vmem>>) target(%dma_start3A_33 : memref<128x128xf32, #tpu.memory_space<vmem_shared>>) target_semaphore(%run_scoped3A : memref<!tpu.dma_semaphore, #tpu.memory_space<semaphore_mem>>)
      %dma_wait3A = arith.constant 0 : i32
      %dma_wait3A_34 = tpu.memref_slice %arg14[%add3A_8, %dma_wait3A] : memref<10240x128xf32, #tpu.memory_space<vmem_shared>> -> memref<128x128xf32, #tpu.memory_space<vmem_shared>>
      %dma_wait3A_35 = arith.constant 0 : i32
      %dma_wait3A_36 = tpu.memref_slice %arg14[%add3A_8, %dma_wait3A_35] : memref<10240x128xf32, #tpu.memory_space<vmem_shared>> -> memref<128x128xf32, #tpu.memory_space<vmem_shared>>
      tpu.wait_dma2 semaphore(%run_scoped3A : memref<!tpu.dma_semaphore, #tpu.memory_space<semaphore_mem>>) src(%arg13 : memref<128x128xf32, #tpu.memory_space<vmem>>) dst(%dma_wait3A_36 : memref<128x128xf32, #tpu.memory_space<vmem_shared>>)
      tpu.yield
    }) : () -> ()
    %add3A_9 = arith.constant 384 : i32
    %add3A_10 = arith.addi %mul3A_2, %add3A_9 : i32
    "tpu.region"() ({
      %run_scoped3A = tpu.sem_alloc : memref<!tpu.dma_semaphore, #tpu.memory_space<semaphore_mem>>
      %dma_start3A_30 = arith.constant 0 : i32
      %dma_start3A_31 = tpu.memref_slice %arg14[%add3A_10, %dma_start3A_30] : memref<10240x128xf32, #tpu.memory_space<vmem_shared>> -> memref<128x128xf32, #tpu.memory_space<vmem_shared>>
      %dma_start3A_32 = arith.constant 0 : i32
      %dma_start3A_33 = tpu.memref_slice %arg14[%add3A_10, %dma_start3A_32] : memref<10240x128xf32, #tpu.memory_space<vmem_shared>> -> memref<128x128xf32, #tpu.memory_space<vmem_shared>>
      tpu.enqueue_dma source(%arg13 : memref<128x128xf32, #tpu.memory_space<vmem>>) target(%dma_start3A_33 : memref<128x128xf32, #tpu.memory_space<vmem_shared>>) target_semaphore(%run_scoped3A : memref<!tpu.dma_semaphore, #tpu.memory_space<semaphore_mem>>)
      %dma_wait3A = arith.constant 0 : i32
      %dma_wait3A_34 = tpu.memref_slice %arg14[%add3A_10, %dma_wait3A] : memref<10240x128xf32, #tpu.memory_space<vmem_shared>> -> memref<128x128xf32, #tpu.memory_space<vmem_shared>>
      %dma_wait3A_35 = arith.constant 0 : i32
      %dma_wait3A_36 = tpu.memref_slice %arg14[%add3A_10, %dma_wait3A_35] : memref<10240x128xf32, #tpu.memory_space<vmem_shared>> -> memref<128x128xf32, #tpu.memory_space<vmem_shared>>
      tpu.wait_dma2 semaphore(%run_scoped3A : memref<!tpu.dma_semaphore, #tpu.memory_space<semaphore_mem>>) src(%arg13 : memref<128x128xf32, #tpu.memory_space<vmem>>) dst(%dma_wait3A_36 : memref<128x128xf32, #tpu.memory_space<vmem_shared>>)
      tpu.yield
    }) : () -> ()
    %add3A_11 = arith.constant 512 : i32
    %add3A_12 = arith.addi %mul3A_2, %add3A_11 : i32
    "tpu.region"() ({
      %run_scoped3A = tpu.sem_alloc : memref<!tpu.dma_semaphore, #tpu.memory_space<semaphore_mem>>
      %dma_start3A_30 = arith.constant 0 : i32
      %dma_start3A_31 = tpu.memref_slice %arg14[%add3A_12, %dma_start3A_30] : memref<10240x128xf32, #tpu.memory_space<vmem_shared>> -> memref<128x128xf32, #tpu.memory_space<vmem_shared>>
      %dma_start3A_32 = arith.constant 0 : i32
      %dma_start3A_33 = tpu.memref_slice %arg14[%add3A_12, %dma_start3A_32] : memref<10240x128xf32, #tpu.memory_space<vmem_shared>> -> memref<128x128xf32, #tpu.memory_space<vmem_shared>>
      tpu.enqueue_dma source(%arg13 : memref<128x128xf32, #tpu.memory_space<vmem>>) target(%dma_start3A_33 : memref<128x128xf32, #tpu.memory_space<vmem_shared>>) target_semaphore(%run_scoped3A : memref<!tpu.dma_semaphore, #tpu.memory_space<semaphore_mem>>)
      %dma_wait3A = arith.constant 0 : i32
      %dma_wait3A_34 = tpu.memref_slice %arg14[%add3A_12, %dma_wait3A] : memref<10240x128xf32, #tpu.memory_space<vmem_shared>> -> memref<128x128xf32, #tpu.memory_space<vmem_shared>>
      %dma_wait3A_35 = arith.constant 0 : i32
      %dma_wait3A_36 = tpu.memref_slice %arg14[%add3A_12, %dma_wait3A_35] : memref<10240x128xf32, #tpu.memory_space<vmem_shared>> -> memref<128x128xf32, #tpu.memory_space<vmem_shared>>
      tpu.wait_dma2 semaphore(%run_scoped3A : memref<!tpu.dma_semaphore, #tpu.memory_space<semaphore_mem>>) src(%arg13 : memref<128x128xf32, #tpu.memory_space<vmem>>) dst(%dma_wait3A_36 : memref<128x128xf32, #tpu.memory_space<vmem_shared>>)
      tpu.yield
    }) : () -> ()
    %mul3A_13 = arith.constant 10080 : i32
    %mul3A_14 = arith.muli %add3A, %mul3A_13 : i32
    "tpu.region"() ({
      %run_scoped3A = tpu.sem_alloc : memref<!tpu.dma_semaphore, #tpu.memory_space<semaphore_mem>>
      %dma_start3A_30 = tpu.memref_slice %arg3[%mul3A_14] : memref<322560xi32, #tpu.memory_space<hbm>> -> memref<120xi32, #tpu.memory_space<hbm>>
      %dma_start3A_31 = tpu.memref_slice %arg3[%mul3A_14] : memref<322560xi32, #tpu.memory_space<hbm>> -> memref<120xi32, #tpu.memory_space<hbm>>
      tpu.enqueue_dma source(%dma_start3A_31 : memref<120xi32, #tpu.memory_space<hbm>>) target(%arg7 : memref<120xi32, #tpu.memory_space<vmem>>) target_semaphore(%run_scoped3A : memref<!tpu.dma_semaphore, #tpu.memory_space<semaphore_mem>>)
      %dma_wait3A = tpu.memref_slice %arg3[%mul3A_14] : memref<322560xi32, #tpu.memory_space<hbm>> -> memref<120xi32, #tpu.memory_space<hbm>>
      %dma_wait3A_32 = tpu.memref_slice %arg3[%mul3A_14] : memref<322560xi32, #tpu.memory_space<hbm>> -> memref<120xi32, #tpu.memory_space<hbm>>
      tpu.wait_dma2 semaphore(%run_scoped3A : memref<!tpu.dma_semaphore, #tpu.memory_space<semaphore_mem>>) src(%dma_wait3A_32 : memref<120xi32, #tpu.memory_space<hbm>>) dst(%arg7 : memref<120xi32, #tpu.memory_space<vmem>>)
      tpu.yield
    }) : () -> ()
    "tpu.region"() ({
      %run_scoped3A = tpu.sem_alloc : memref<!tpu.dma_semaphore, #tpu.memory_space<semaphore_mem>>
      %dma_start3A_30 = tpu.memref_slice %arg4[%mul3A_14] : memref<322560xi32, #tpu.memory_space<hbm>> -> memref<120xi32, #tpu.memory_space<hbm>>
      %dma_start3A_31 = tpu.memref_slice %arg4[%mul3A_14] : memref<322560xi32, #tpu.memory_space<hbm>> -> memref<120xi32, #tpu.memory_space<hbm>>
      tpu.enqueue_dma source(%dma_start3A_31 : memref<120xi32, #tpu.memory_space<hbm>>) target(%arg9 : memref<120xi32, #tpu.memory_space<vmem>>) target_semaphore(%run_scoped3A : memref<!tpu.dma_semaphore, #tpu.memory_space<semaphore_mem>>)
      %dma_wait3A = tpu.memref_slice %arg4[%mul3A_14] : memref<322560xi32, #tpu.memory_space<hbm>> -> memref<120xi32, #tpu.memory_space<hbm>>
      %dma_wait3A_32 = tpu.memref_slice %arg4[%mul3A_14] : memref<322560xi32, #tpu.memory_space<hbm>> -> memref<120xi32, #tpu.memory_space<hbm>>
      tpu.wait_dma2 semaphore(%run_scoped3A : memref<!tpu.dma_semaphore, #tpu.memory_space<semaphore_mem>>) src(%dma_wait3A_32 : memref<120xi32, #tpu.memory_space<hbm>>) dst(%arg9 : memref<120xi32, #tpu.memory_space<vmem>>)
      tpu.yield
    }) : () -> ()
    %add3A_15 = arith.constant 120 : i32
    %add3A_16 = arith.addi %mul3A_14, %add3A_15 : i32
    "tpu.region"() ({
      %run_scoped3A = tpu.sem_alloc : memref<!tpu.dma_semaphore, #tpu.memory_space<semaphore_mem>>
      %dma_start3A_30 = tpu.memref_slice %arg3[%add3A_16] : memref<322560xi32, #tpu.memory_space<hbm>> -> memref<120xi32, #tpu.memory_space<hbm>>
      %dma_start3A_31 = tpu.memref_slice %arg3[%add3A_16] : memref<322560xi32, #tpu.memory_space<hbm>> -> memref<120xi32, #tpu.memory_space<hbm>>
      tpu.enqueue_dma source(%dma_start3A_31 : memref<120xi32, #tpu.memory_space<hbm>>) target(%arg8 : memref<120xi32, #tpu.memory_space<vmem>>) target_semaphore(%run_scoped3A : memref<!tpu.dma_semaphore, #tpu.memory_space<semaphore_mem>>)
      %dma_wait3A = tpu.memref_slice %arg3[%add3A_16] : memref<322560xi32, #tpu.memory_space<hbm>> -> memref<120xi32, #tpu.memory_space<hbm>>
      %dma_wait3A_32 = tpu.memref_slice %arg3[%add3A_16] : memref<322560xi32, #tpu.memory_space<hbm>> -> memref<120xi32, #tpu.memory_space<hbm>>
      tpu.wait_dma2 semaphore(%run_scoped3A : memref<!tpu.dma_semaphore, #tpu.memory_space<semaphore_mem>>) src(%dma_wait3A_32 : memref<120xi32, #tpu.memory_space<hbm>>) dst(%arg8 : memref<120xi32, #tpu.memory_space<vmem>>)
      tpu.yield
    }) : () -> ()
    %add3A_17 = arith.constant 120 : i32
    %add3A_18 = arith.addi %mul3A_14, %add3A_17 : i32
    "tpu.region"() ({
      %run_scoped3A = tpu.sem_alloc : memref<!tpu.dma_semaphore, #tpu.memory_space<semaphore_mem>>
      %dma_start3A_30 = tpu.memref_slice %arg4[%add3A_18] : memref<322560xi32, #tpu.memory_space<hbm>> -> memref<120xi32, #tpu.memory_space<hbm>>
      %dma_start3A_31 = tpu.memref_slice %arg4[%add3A_18] : memref<322560xi32, #tpu.memory_space<hbm>> -> memref<120xi32, #tpu.memory_space<hbm>>
      tpu.enqueue_dma source(%dma_start3A_31 : memref<120xi32, #tpu.memory_space<hbm>>) target(%arg10 : memref<120xi32, #tpu.memory_space<vmem>>) target_semaphore(%run_scoped3A : memref<!tpu.dma_semaphore, #tpu.memory_space<semaphore_mem>>)
      %dma_wait3A = tpu.memref_slice %arg4[%add3A_18] : memref<322560xi32, #tpu.memory_space<hbm>> -> memref<120xi32, #tpu.memory_space<hbm>>
      %dma_wait3A_32 = tpu.memref_slice %arg4[%add3A_18] : memref<322560xi32, #tpu.memory_space<hbm>> -> memref<120xi32, #tpu.memory_space<hbm>>
      tpu.wait_dma2 semaphore(%run_scoped3A : memref<!tpu.dma_semaphore, #tpu.memory_space<semaphore_mem>>) src(%dma_wait3A_32 : memref<120xi32, #tpu.memory_space<hbm>>) dst(%arg10 : memref<120xi32, #tpu.memory_space<vmem>>)
      tpu.yield
    }) : () -> ()
    %barrier3A = arith.constant 0 : index
    tpu.barrier barrier_id(%barrier3A)
    %dma_start3A = arith.constant 0 : i32
    %dma_start3A_19 = arith.constant 0 : i32
    %dma_start3A_20 = tpu.memref_slice %arg2[%dma_start3A, %dma_start3A_19] : memref<10240x128xf32, #tpu.memory_space<hbm>> -> memref<10240x128xf32, #tpu.memory_space<hbm>>
    tpu.enqueue_indirect_dma source(%dma_start3A_20 : memref<10240x128xf32, #tpu.memory_space<hbm>>) target(%arg11 : memref<120x128xf32, #tpu.memory_space<vmem>>) offsets(%arg7 : memref<120xi32, #tpu.memory_space<vmem>>) semaphore(%arg15 : memref<!tpu.dma_semaphore, #tpu.memory_space<semaphore_mem>>)
    %dma_start3A_21 = arith.constant 0 : i32
    %dma_start3A_22 = arith.constant 0 : i32
    %dma_start3A_23 = tpu.memref_slice %arg2[%dma_start3A_21, %dma_start3A_22] : memref<10240x128xf32, #tpu.memory_space<hbm>> -> memref<10240x128xf32, #tpu.memory_space<hbm>>
    tpu.enqueue_indirect_dma source(%dma_start3A_23 : memref<10240x128xf32, #tpu.memory_space<hbm>>) target(%arg12 : memref<120x128xf32, #tpu.memory_space<vmem>>) offsets(%arg8 : memref<120xi32, #tpu.memory_space<vmem>>) semaphore(%arg16 : memref<!tpu.dma_semaphore, #tpu.memory_space<semaphore_mem>>)
    %scan3A = arith.constant 0 : i32
    %scan3A_24 = arith.constant 0 : i32
    %scan3A_25 = arith.constant 42 : i32
    %scan3A_26 = arith.addi %scan3A_24, %scan3A_25 : i32
    %scan3A_27 = arith.constant 1 : i32
    scf.for %scan3A_30 = %scan3A_24 to %scan3A_26 step %scan3A_27  : i32 {
      %mul3A_31 = arith.constant 2 : i32
      %mul3A_32 = arith.muli %mul3A_31, %scan3A_30 : i32
      %dma_wait3A = arith.constant 0 : i32
      %dma_wait3A_33 = arith.constant 0 : i32
      %dma_wait3A_34 = tpu.memref_slice %arg2[%dma_wait3A, %dma_wait3A_33] : memref<10240x128xf32, #tpu.memory_space<hbm>> -> memref<10240x128xf32, #tpu.memory_space<hbm>>
      tpu.wait_indirect_dma semaphore(%arg15 : memref<!tpu.dma_semaphore, #tpu.memory_space<semaphore_mem>>) src(%dma_wait3A_34 : memref<10240x128xf32, #tpu.memory_space<hbm>>) dst(%arg11 : memref<120x128xf32, #tpu.memory_space<vmem>>)
      "tpu.region"() ({
        %run_scoped3A = tpu.sem_alloc : memref<!tpu.dma_semaphore, #tpu.memory_space<semaphore_mem>>
        %dma_start3A_49 = arith.constant 0 : i32
        %dma_start3A_50 = arith.constant 0 : i32
        %dma_start3A_51 = tpu.memref_slice %arg14[%dma_start3A_49, %dma_start3A_50] : memref<10240x128xf32, #tpu.memory_space<vmem_shared>> -> memref<10240x128xf32, #tpu.memory_space<vmem_shared>>
        tpu.enqueue_indirect_dma source(%arg11 : memref<120x128xf32, #tpu.memory_space<vmem>>) target(%dma_start3A_51 : memref<10240x128xf32, #tpu.memory_space<vmem_shared>>) offsets(%arg9 : memref<120xi32, #tpu.memory_space<vmem>>) semaphore(%run_scoped3A : memref<!tpu.dma_semaphore, #tpu.memory_space<semaphore_mem>>) {add = true}
        %dma_wait3A_52 = arith.constant 0 : i32
        %dma_wait3A_53 = arith.constant 0 : i32
        %dma_wait3A_54 = tpu.memref_slice %arg14[%dma_wait3A_52, %dma_wait3A_53] : memref<10240x128xf32, #tpu.memory_space<vmem_shared>> -> memref<10240x128xf32, #tpu.memory_space<vmem_shared>>
        tpu.wait_indirect_dma semaphore(%run_scoped3A : memref<!tpu.dma_semaphore, #tpu.memory_space<semaphore_mem>>) src(%arg11 : memref<120x128xf32, #tpu.memory_space<vmem>>) dst(%dma_wait3A_54 : memref<10240x128xf32, #tpu.memory_space<vmem_shared>>)
        tpu.yield
      }) : () -> ()
      %add3A_35 = arith.constant 2 : i32
      %add3A_36 = arith.addi %mul3A_32, %add3A_35 : i32
      %lt3A = arith.constant 84 : i32
      %lt3A_37 = arith.cmpi slt, %add3A_36, %lt3A : i32
      %convert_element_type3A = arith.extui %lt3A_37 : i1 to i32
      %cond3A = arith.constant 0 : i32
      %cond3A_38 = arith.cmpi ne, %convert_element_type3A, %cond3A : i32
      scf.if %cond3A_38 {
        %add3A_49 = arith.constant 2 : i32
        %add3A_50 = arith.addi %mul3A_32, %add3A_49 : i32
        %mul3A_51 = arith.constant 120 : i32
        %mul3A_52 = arith.muli %add3A_50, %mul3A_51 : i32
        %add3A_53 = arith.addi %mul3A_14, %mul3A_52 : i32
        "tpu.region"() ({
          %run_scoped3A = tpu.sem_alloc : memref<!tpu.dma_semaphore, #tpu.memory_space<semaphore_mem>>
          %dma_start3A_62 = tpu.memref_slice %arg3[%add3A_53] : memref<322560xi32, #tpu.memory_space<hbm>> -> memref<120xi32, #tpu.memory_space<hbm>>
          %dma_start3A_63 = tpu.memref_slice %arg3[%add3A_53] : memref<322560xi32, #tpu.memory_space<hbm>> -> memref<120xi32, #tpu.memory_space<hbm>>
          tpu.enqueue_dma source(%dma_start3A_63 : memref<120xi32, #tpu.memory_space<hbm>>) target(%arg7 : memref<120xi32, #tpu.memory_space<vmem>>) target_semaphore(%run_scoped3A : memref<!tpu.dma_semaphore, #tpu.memory_space<semaphore_mem>>)
          %dma_wait3A_64 = tpu.memref_slice %arg3[%add3A_53] : memref<322560xi32, #tpu.memory_space<hbm>> -> memref<120xi32, #tpu.memory_space<hbm>>
          %dma_wait3A_65 = tpu.memref_slice %arg3[%add3A_53] : memref<322560xi32, #tpu.memory_space<hbm>> -> memref<120xi32, #tpu.memory_space<hbm>>
          tpu.wait_dma2 semaphore(%run_scoped3A : memref<!tpu.dma_semaphore, #tpu.memory_space<semaphore_mem>>) src(%dma_wait3A_65 : memref<120xi32, #tpu.memory_space<hbm>>) dst(%arg7 : memref<120xi32, #tpu.memory_space<vmem>>)
          tpu.yield
        }) : () -> ()
        %add3A_54 = arith.constant 2 : i32
        %add3A_55 = arith.addi %mul3A_32, %add3A_54 : i32
        %mul3A_56 = arith.constant 120 : i32
        %mul3A_57 = arith.muli %add3A_55, %mul3A_56 : i32
        %add3A_58 = arith.addi %mul3A_14, %mul3A_57 : i32
        "tpu.region"() ({
          %run_scoped3A = tpu.sem_alloc : memref<!tpu.dma_semaphore, #tpu.memory_space<semaphore_mem>>
          %dma_start3A_62 = tpu.memref_slice %arg4[%add3A_58] : memref<322560xi32, #tpu.memory_space<hbm>> -> memref<120xi32, #tpu.memory_space<hbm>>
          %dma_start3A_63 = tpu.memref_slice %arg4[%add3A_58] : memref<322560xi32, #tpu.memory_space<hbm>> -> memref<120xi32, #tpu.memory_space<hbm>>
          tpu.enqueue_dma source(%dma_start3A_63 : memref<120xi32, #tpu.memory_space<hbm>>) target(%arg9 : memref<120xi32, #tpu.memory_space<vmem>>) target_semaphore(%run_scoped3A : memref<!tpu.dma_semaphore, #tpu.memory_space<semaphore_mem>>)
          %dma_wait3A_64 = tpu.memref_slice %arg4[%add3A_58] : memref<322560xi32, #tpu.memory_space<hbm>> -> memref<120xi32, #tpu.memory_space<hbm>>
          %dma_wait3A_65 = tpu.memref_slice %arg4[%add3A_58] : memref<322560xi32, #tpu.memory_space<hbm>> -> memref<120xi32, #tpu.memory_space<hbm>>
          tpu.wait_dma2 semaphore(%run_scoped3A : memref<!tpu.dma_semaphore, #tpu.memory_space<semaphore_mem>>) src(%dma_wait3A_65 : memref<120xi32, #tpu.memory_space<hbm>>) dst(%arg9 : memref<120xi32, #tpu.memory_space<vmem>>)
          tpu.yield
        }) : () -> ()
        %dma_start3A_59 = arith.constant 0 : i32
        %dma_start3A_60 = arith.constant 0 : i32
        %dma_start3A_61 = tpu.memref_slice %arg2[%dma_start3A_59, %dma_start3A_60] : memref<10240x128xf32, #tpu.memory_space<hbm>> -> memref<10240x128xf32, #tpu.memory_space<hbm>>
        tpu.enqueue_indirect_dma source(%dma_start3A_61 : memref<10240x128xf32, #tpu.memory_space<hbm>>) target(%arg11 : memref<120x128xf32, #tpu.memory_space<vmem>>) offsets(%arg7 : memref<120xi32, #tpu.memory_space<vmem>>) semaphore(%arg15 : memref<!tpu.dma_semaphore, #tpu.memory_space<semaphore_mem>>)
      } else {
      }
      %dma_wait3A_39 = arith.constant 0 : i32
      %dma_wait3A_40 = arith.constant 0 : i32
      %dma_wait3A_41 = tpu.memref_slice %arg2[%dma_wait3A_39, %dma_wait3A_40] : memref<10240x128xf32, #tpu.memory_space<hbm>> -> memref<10240x128xf32, #tpu.memory_space<hbm>>
      tpu.wait_indirect_dma semaphore(%arg16 : memref<!tpu.dma_semaphore, #tpu.memory_space<semaphore_mem>>) src(%dma_wait3A_41 : memref<10240x128xf32, #tpu.memory_space<hbm>>) dst(%arg12 : memref<120x128xf32, #tpu.memory_space<vmem>>)
      "tpu.region"() ({
        %run_scoped3A = tpu.sem_alloc : memref<!tpu.dma_semaphore, #tpu.memory_space<semaphore_mem>>
        %dma_start3A_49 = arith.constant 0 : i32
        %dma_start3A_50 = arith.constant 0 : i32
        %dma_start3A_51 = tpu.memref_slice %arg14[%dma_start3A_49, %dma_start3A_50] : memref<10240x128xf32, #tpu.memory_space<vmem_shared>> -> memref<10240x128xf32, #tpu.memory_space<vmem_shared>>
        tpu.enqueue_indirect_dma source(%arg12 : memref<120x128xf32, #tpu.memory_space<vmem>>) target(%dma_start3A_51 : memref<10240x128xf32, #tpu.memory_space<vmem_shared>>) offsets(%arg10 : memref<120xi32, #tpu.memory_space<vmem>>) semaphore(%run_scoped3A : memref<!tpu.dma_semaphore, #tpu.memory_space<semaphore_mem>>) {add = true}
        %dma_wait3A_52 = arith.constant 0 : i32
        %dma_wait3A_53 = arith.constant 0 : i32
        %dma_wait3A_54 = tpu.memref_slice %arg14[%dma_wait3A_52, %dma_wait3A_53] : memref<10240x128xf32, #tpu.memory_space<vmem_shared>> -> memref<10240x128xf32, #tpu.memory_space<vmem_shared>>
        tpu.wait_indirect_dma semaphore(%run_scoped3A : memref<!tpu.dma_semaphore, #tpu.memory_space<semaphore_mem>>) src(%arg12 : memref<120x128xf32, #tpu.memory_space<vmem>>) dst(%dma_wait3A_54 : memref<10240x128xf32, #tpu.memory_space<vmem_shared>>)
        tpu.yield
      }) : () -> ()
      %add3A_42 = arith.constant 3 : i32
      %add3A_43 = arith.addi %mul3A_32, %add3A_42 : i32
      %lt3A_44 = arith.constant 84 : i32
      %lt3A_45 = arith.cmpi slt, %add3A_43, %lt3A_44 : i32
      %convert_element_type3A_46 = arith.extui %lt3A_45 : i1 to i32
      %cond3A_47 = arith.constant 0 : i32
      %cond3A_48 = arith.cmpi ne, %convert_element_type3A_46, %cond3A_47 : i32
      scf.if %cond3A_48 {
        %add3A_49 = arith.constant 3 : i32
        %add3A_50 = arith.addi %mul3A_32, %add3A_49 : i32
        %mul3A_51 = arith.constant 120 : i32
        %mul3A_52 = arith.muli %add3A_50, %mul3A_51 : i32
        %add3A_53 = arith.addi %mul3A_14, %mul3A_52 : i32
        "tpu.region"() ({
          %run_scoped3A = tpu.sem_alloc : memref<!tpu.dma_semaphore, #tpu.memory_space<semaphore_mem>>
          %dma_start3A_62 = tpu.memref_slice %arg3[%add3A_53] : memref<322560xi32, #tpu.memory_space<hbm>> -> memref<120xi32, #tpu.memory_space<hbm>>
          %dma_start3A_63 = tpu.memref_slice %arg3[%add3A_53] : memref<322560xi32, #tpu.memory_space<hbm>> -> memref<120xi32, #tpu.memory_space<hbm>>
          tpu.enqueue_dma source(%dma_start3A_63 : memref<120xi32, #tpu.memory_space<hbm>>) target(%arg8 : memref<120xi32, #tpu.memory_space<vmem>>) target_semaphore(%run_scoped3A : memref<!tpu.dma_semaphore, #tpu.memory_space<semaphore_mem>>)
          %dma_wait3A_64 = tpu.memref_slice %arg3[%add3A_53] : memref<322560xi32, #tpu.memory_space<hbm>> -> memref<120xi32, #tpu.memory_space<hbm>>
          %dma_wait3A_65 = tpu.memref_slice %arg3[%add3A_53] : memref<322560xi32, #tpu.memory_space<hbm>> -> memref<120xi32, #tpu.memory_space<hbm>>
          tpu.wait_dma2 semaphore(%run_scoped3A : memref<!tpu.dma_semaphore, #tpu.memory_space<semaphore_mem>>) src(%dma_wait3A_65 : memref<120xi32, #tpu.memory_space<hbm>>) dst(%arg8 : memref<120xi32, #tpu.memory_space<vmem>>)
          tpu.yield
        }) : () -> ()
        %add3A_54 = arith.constant 3 : i32
        %add3A_55 = arith.addi %mul3A_32, %add3A_54 : i32
        %mul3A_56 = arith.constant 120 : i32
        %mul3A_57 = arith.muli %add3A_55, %mul3A_56 : i32
        %add3A_58 = arith.addi %mul3A_14, %mul3A_57 : i32
        "tpu.region"() ({
          %run_scoped3A = tpu.sem_alloc : memref<!tpu.dma_semaphore, #tpu.memory_space<semaphore_mem>>
          %dma_start3A_62 = tpu.memref_slice %arg4[%add3A_58] : memref<322560xi32, #tpu.memory_space<hbm>> -> memref<120xi32, #tpu.memory_space<hbm>>
          %dma_start3A_63 = tpu.memref_slice %arg4[%add3A_58] : memref<322560xi32, #tpu.memory_space<hbm>> -> memref<120xi32, #tpu.memory_space<hbm>>
          tpu.enqueue_dma source(%dma_start3A_63 : memref<120xi32, #tpu.memory_space<hbm>>) target(%arg10 : memref<120xi32, #tpu.memory_space<vmem>>) target_semaphore(%run_scoped3A : memref<!tpu.dma_semaphore, #tpu.memory_space<semaphore_mem>>)
          %dma_wait3A_64 = tpu.memref_slice %arg4[%add3A_58] : memref<322560xi32, #tpu.memory_space<hbm>> -> memref<120xi32, #tpu.memory_space<hbm>>
          %dma_wait3A_65 = tpu.memref_slice %arg4[%add3A_58] : memref<322560xi32, #tpu.memory_space<hbm>> -> memref<120xi32, #tpu.memory_space<hbm>>
          tpu.wait_dma2 semaphore(%run_scoped3A : memref<!tpu.dma_semaphore, #tpu.memory_space<semaphore_mem>>) src(%dma_wait3A_65 : memref<120xi32, #tpu.memory_space<hbm>>) dst(%arg10 : memref<120xi32, #tpu.memory_space<vmem>>)
          tpu.yield
        }) : () -> ()
        %dma_start3A_59 = arith.constant 0 : i32
        %dma_start3A_60 = arith.constant 0 : i32
        %dma_start3A_61 = tpu.memref_slice %arg2[%dma_start3A_59, %dma_start3A_60] : memref<10240x128xf32, #tpu.memory_space<hbm>> -> memref<10240x128xf32, #tpu.memory_space<hbm>>
        tpu.enqueue_indirect_dma source(%dma_start3A_61 : memref<10240x128xf32, #tpu.memory_space<hbm>>) target(%arg12 : memref<120x128xf32, #tpu.memory_space<vmem>>) offsets(%arg8 : memref<120xi32, #tpu.memory_space<vmem>>) semaphore(%arg16 : memref<!tpu.dma_semaphore, #tpu.memory_space<semaphore_mem>>)
      } else {
      }
    }
    %scan3A_28 = arith.constant 42 : i32
    %barrier3A_29 = arith.constant 0 : index
    tpu.barrier barrier_id(%barrier3A_29)
    "tpu.region"() ({
      %run_scoped3A = tpu.sem_alloc : memref<!tpu.dma_semaphore, #tpu.memory_space<semaphore_mem>>
      %dma_start3A_30 = arith.constant 0 : i32
      %dma_start3A_31 = tpu.memref_slice %arg6[%arg0, %mul3A_2, %dma_start3A_30] : memref<2x10240x128xf32, #tpu.memory_space<hbm>> -> memref<1x640x128xf32, #tpu.memory_space<hbm>>
      %dma_start3A_32 = tpu.memref_squeeze %dma_start3A_31 : memref<1x640x128xf32, #tpu.memory_space<hbm>> -> memref<640x128xf32, #tpu.memory_space<hbm>>
      %dma_start3A_33 = arith.constant 0 : i32
      %dma_start3A_34 = tpu.memref_slice %arg14[%mul3A_2, %dma_start3A_33] : memref<10240x128xf32, #tpu.memory_space<vmem_shared>> -> memref<640x128xf32, #tpu.memory_space<vmem_shared>>
      tpu.enqueue_dma source(%dma_start3A_34 : memref<640x128xf32, #tpu.memory_space<vmem_shared>>) target(%dma_start3A_32 : memref<640x128xf32, #tpu.memory_space<hbm>>) target_semaphore(%run_scoped3A : memref<!tpu.dma_semaphore, #tpu.memory_space<semaphore_mem>>)
      %dma_wait3A = arith.constant 0 : i32
      %dma_wait3A_35 = tpu.memref_slice %arg6[%arg0, %mul3A_2, %dma_wait3A] : memref<2x10240x128xf32, #tpu.memory_space<hbm>> -> memref<1x640x128xf32, #tpu.memory_space<hbm>>
      %dma_wait3A_36 = tpu.memref_squeeze %dma_wait3A_35 : memref<1x640x128xf32, #tpu.memory_space<hbm>> -> memref<640x128xf32, #tpu.memory_space<hbm>>
      %dma_wait3A_37 = arith.constant 0 : i32
      %dma_wait3A_38 = tpu.memref_slice %arg14[%mul3A_2, %dma_wait3A_37] : memref<10240x128xf32, #tpu.memory_space<vmem_shared>> -> memref<640x128xf32, #tpu.memory_space<vmem_shared>>
      tpu.wait_dma2 semaphore(%run_scoped3A : memref<!tpu.dma_semaphore, #tpu.memory_space<semaphore_mem>>) src(%dma_wait3A_38 : memref<640x128xf32, #tpu.memory_space<vmem_shared>>) dst(%dma_wait3A_36 : memref<640x128xf32, #tpu.memory_space<hbm>>)
      tpu.yield
    }) : () -> ()
    return
  }
}

#map = affine_map<(d0, d1) -> (0, 0)>
#map1 = affine_map<(d0, d1) -> (0)>
#map2 = affine_map<(d0, d1) -> (0, 0, 0)>
module attributes {stable_mosaic.version = 14 : i64} {
  func.func @_sc_pass(%arg0: i32, %arg1: i32, %arg2: memref<10240x128xf32, #tpu.memory_space<hbm>>, %arg3: memref<322560xi32, #tpu.memory_space<hbm>>, %arg4: memref<322560xi32, #tpu.memory_space<hbm>>, %arg5: memref<128x128xf32, #tpu.memory_space<hbm>>, %arg6: memref<2x10240x128xf32, #tpu.memory_space<hbm>>, %arg7: memref<120xi32, #tpu.memory_space<vmem>>, %arg8: memref<120xi32, #tpu.memory_space<vmem>>, %arg9: memref<120xi32, #tpu.memory_space<vmem>>, %arg10: memref<120xi32, #tpu.memory_space<vmem>>, %arg11: memref<120x128xf32, #tpu.memory_space<vmem>>, %arg12: memref<120x128xf32, #tpu.memory_space<vmem>>, %arg13: memref<128x128xf32, #tpu.memory_space<vmem>>, %arg14: memref<10240x128xf32, #tpu.memory_space<vmem_shared>>, %arg15: memref<!tpu.dma_semaphore, #tpu.memory_space<semaphore_mem>>, %arg16: memref<!tpu.dma_semaphore, #tpu.memory_space<semaphore_mem>>) attributes {dimension_semantics = [#tpu.dimension_semantics<core_parallel>, #tpu.dimension_semantics<subcore_parallel>], iteration_bounds = array<i64: 2, 16>, scalar_prefetch = 0 : i64, scratch_operands = 10 : i64, tpu.core_type = #tpu.core_type<sc_vector_subcore>, window_params = [{transform_indices = #map}, {transform_indices = #map1}, {transform_indices = #map1}, {transform_indices = #map}, {transform_indices = #map2}]} {
    %mul3A = arith.constant 16 : i32
    %mul3A_0 = arith.muli %arg0, %mul3A : i32
    %add3A = arith.addi %mul3A_0, %arg1 : i32
    "tpu.region"() ({
      %run_scoped3A = tpu.sem_alloc : memref<!tpu.dma_semaphore, #tpu.memory_space<semaphore_mem>>
      tpu.enqueue_dma source(%arg5 : memref<128x128xf32, #tpu.memory_space<hbm>>) target(%arg13 : memref<128x128xf32, #tpu.memory_space<vmem>>) target_semaphore(%run_scoped3A : memref<!tpu.dma_semaphore, #tpu.memory_space<semaphore_mem>>)
      tpu.wait_dma2 semaphore(%run_scoped3A : memref<!tpu.dma_semaphore, #tpu.memory_space<semaphore_mem>>) src(%arg5 : memref<128x128xf32, #tpu.memory_space<hbm>>) dst(%arg13 : memref<128x128xf32, #tpu.memory_space<vmem>>)
      tpu.yield
    }) : () -> ()
    %mul3A_1 = arith.constant 640 : i32
    %mul3A_2 = arith.muli %arg1, %mul3A_1 : i32
    %add3A_3 = arith.constant 0 : i32
    %add3A_4 = arith.addi %mul3A_2, %add3A_3 : i32
    "tpu.region"() ({
      %run_scoped3A = tpu.sem_alloc : memref<!tpu.dma_semaphore, #tpu.memory_space<semaphore_mem>>
      %dma_start3A_30 = arith.constant 0 : i32
      %dma_start3A_31 = tpu.memref_slice %arg14[%add3A_4, %dma_start3A_30] : memref<10240x128xf32, #tpu.memory_space<vmem_shared>> -> memref<128x128xf32, #tpu.memory_space<vmem_shared>>
      %dma_start3A_32 = arith.constant 0 : i32
      %dma_start3A_33 = tpu.memref_slice %arg14[%add3A_4, %dma_start3A_32] : memref<10240x128xf32, #tpu.memory_space<vmem_shared>> -> memref<128x128xf32, #tpu.memory_space<vmem_shared>>
      tpu.enqueue_dma source(%arg13 : memref<128x128xf32, #tpu.memory_space<vmem>>) target(%dma_start3A_33 : memref<128x128xf32, #tpu.memory_space<vmem_shared>>) target_semaphore(%run_scoped3A : memref<!tpu.dma_semaphore, #tpu.memory_space<semaphore_mem>>)
      %dma_wait3A = arith.constant 0 : i32
      %dma_wait3A_34 = tpu.memref_slice %arg14[%add3A_4, %dma_wait3A] : memref<10240x128xf32, #tpu.memory_space<vmem_shared>> -> memref<128x128xf32, #tpu.memory_space<vmem_shared>>
      %dma_wait3A_35 = arith.constant 0 : i32
      %dma_wait3A_36 = tpu.memref_slice %arg14[%add3A_4, %dma_wait3A_35] : memref<10240x128xf32, #tpu.memory_space<vmem_shared>> -> memref<128x128xf32, #tpu.memory_space<vmem_shared>>
      tpu.wait_dma2 semaphore(%run_scoped3A : memref<!tpu.dma_semaphore, #tpu.memory_space<semaphore_mem>>) src(%arg13 : memref<128x128xf32, #tpu.memory_space<vmem>>) dst(%dma_wait3A_36 : memref<128x128xf32, #tpu.memory_space<vmem_shared>>)
      tpu.yield
    }) : () -> ()
    %add3A_5 = arith.constant 128 : i32
    %add3A_6 = arith.addi %mul3A_2, %add3A_5 : i32
    "tpu.region"() ({
      %run_scoped3A = tpu.sem_alloc : memref<!tpu.dma_semaphore, #tpu.memory_space<semaphore_mem>>
      %dma_start3A_30 = arith.constant 0 : i32
      %dma_start3A_31 = tpu.memref_slice %arg14[%add3A_6, %dma_start3A_30] : memref<10240x128xf32, #tpu.memory_space<vmem_shared>> -> memref<128x128xf32, #tpu.memory_space<vmem_shared>>
      %dma_start3A_32 = arith.constant 0 : i32
      %dma_start3A_33 = tpu.memref_slice %arg14[%add3A_6, %dma_start3A_32] : memref<10240x128xf32, #tpu.memory_space<vmem_shared>> -> memref<128x128xf32, #tpu.memory_space<vmem_shared>>
      tpu.enqueue_dma source(%arg13 : memref<128x128xf32, #tpu.memory_space<vmem>>) target(%dma_start3A_33 : memref<128x128xf32, #tpu.memory_space<vmem_shared>>) target_semaphore(%run_scoped3A : memref<!tpu.dma_semaphore, #tpu.memory_space<semaphore_mem>>)
      %dma_wait3A = arith.constant 0 : i32
      %dma_wait3A_34 = tpu.memref_slice %arg14[%add3A_6, %dma_wait3A] : memref<10240x128xf32, #tpu.memory_space<vmem_shared>> -> memref<128x128xf32, #tpu.memory_space<vmem_shared>>
      %dma_wait3A_35 = arith.constant 0 : i32
      %dma_wait3A_36 = tpu.memref_slice %arg14[%add3A_6, %dma_wait3A_35] : memref<10240x128xf32, #tpu.memory_space<vmem_shared>> -> memref<128x128xf32, #tpu.memory_space<vmem_shared>>
      tpu.wait_dma2 semaphore(%run_scoped3A : memref<!tpu.dma_semaphore, #tpu.memory_space<semaphore_mem>>) src(%arg13 : memref<128x128xf32, #tpu.memory_space<vmem>>) dst(%dma_wait3A_36 : memref<128x128xf32, #tpu.memory_space<vmem_shared>>)
      tpu.yield
    }) : () -> ()
    %add3A_7 = arith.constant 256 : i32
    %add3A_8 = arith.addi %mul3A_2, %add3A_7 : i32
    "tpu.region"() ({
      %run_scoped3A = tpu.sem_alloc : memref<!tpu.dma_semaphore, #tpu.memory_space<semaphore_mem>>
      %dma_start3A_30 = arith.constant 0 : i32
      %dma_start3A_31 = tpu.memref_slice %arg14[%add3A_8, %dma_start3A_30] : memref<10240x128xf32, #tpu.memory_space<vmem_shared>> -> memref<128x128xf32, #tpu.memory_space<vmem_shared>>
      %dma_start3A_32 = arith.constant 0 : i32
      %dma_start3A_33 = tpu.memref_slice %arg14[%add3A_8, %dma_start3A_32] : memref<10240x128xf32, #tpu.memory_space<vmem_shared>> -> memref<128x128xf32, #tpu.memory_space<vmem_shared>>
      tpu.enqueue_dma source(%arg13 : memref<128x128xf32, #tpu.memory_space<vmem>>) target(%dma_start3A_33 : memref<128x128xf32, #tpu.memory_space<vmem_shared>>) target_semaphore(%run_scoped3A : memref<!tpu.dma_semaphore, #tpu.memory_space<semaphore_mem>>)
      %dma_wait3A = arith.constant 0 : i32
      %dma_wait3A_34 = tpu.memref_slice %arg14[%add3A_8, %dma_wait3A] : memref<10240x128xf32, #tpu.memory_space<vmem_shared>> -> memref<128x128xf32, #tpu.memory_space<vmem_shared>>
      %dma_wait3A_35 = arith.constant 0 : i32
      %dma_wait3A_36 = tpu.memref_slice %arg14[%add3A_8, %dma_wait3A_35] : memref<10240x128xf32, #tpu.memory_space<vmem_shared>> -> memref<128x128xf32, #tpu.memory_space<vmem_shared>>
      tpu.wait_dma2 semaphore(%run_scoped3A : memref<!tpu.dma_semaphore, #tpu.memory_space<semaphore_mem>>) src(%arg13 : memref<128x128xf32, #tpu.memory_space<vmem>>) dst(%dma_wait3A_36 : memref<128x128xf32, #tpu.memory_space<vmem_shared>>)
      tpu.yield
    }) : () -> ()
    %add3A_9 = arith.constant 384 : i32
    %add3A_10 = arith.addi %mul3A_2, %add3A_9 : i32
    "tpu.region"() ({
      %run_scoped3A = tpu.sem_alloc : memref<!tpu.dma_semaphore, #tpu.memory_space<semaphore_mem>>
      %dma_start3A_30 = arith.constant 0 : i32
      %dma_start3A_31 = tpu.memref_slice %arg14[%add3A_10, %dma_start3A_30] : memref<10240x128xf32, #tpu.memory_space<vmem_shared>> -> memref<128x128xf32, #tpu.memory_space<vmem_shared>>
      %dma_start3A_32 = arith.constant 0 : i32
      %dma_start3A_33 = tpu.memref_slice %arg14[%add3A_10, %dma_start3A_32] : memref<10240x128xf32, #tpu.memory_space<vmem_shared>> -> memref<128x128xf32, #tpu.memory_space<vmem_shared>>
      tpu.enqueue_dma source(%arg13 : memref<128x128xf32, #tpu.memory_space<vmem>>) target(%dma_start3A_33 : memref<128x128xf32, #tpu.memory_space<vmem_shared>>) target_semaphore(%run_scoped3A : memref<!tpu.dma_semaphore, #tpu.memory_space<semaphore_mem>>)
      %dma_wait3A = arith.constant 0 : i32
      %dma_wait3A_34 = tpu.memref_slice %arg14[%add3A_10, %dma_wait3A] : memref<10240x128xf32, #tpu.memory_space<vmem_shared>> -> memref<128x128xf32, #tpu.memory_space<vmem_shared>>
      %dma_wait3A_35 = arith.constant 0 : i32
      %dma_wait3A_36 = tpu.memref_slice %arg14[%add3A_10, %dma_wait3A_35] : memref<10240x128xf32, #tpu.memory_space<vmem_shared>> -> memref<128x128xf32, #tpu.memory_space<vmem_shared>>
      tpu.wait_dma2 semaphore(%run_scoped3A : memref<!tpu.dma_semaphore, #tpu.memory_space<semaphore_mem>>) src(%arg13 : memref<128x128xf32, #tpu.memory_space<vmem>>) dst(%dma_wait3A_36 : memref<128x128xf32, #tpu.memory_space<vmem_shared>>)
      tpu.yield
    }) : () -> ()
    %add3A_11 = arith.constant 512 : i32
    %add3A_12 = arith.addi %mul3A_2, %add3A_11 : i32
    "tpu.region"() ({
      %run_scoped3A = tpu.sem_alloc : memref<!tpu.dma_semaphore, #tpu.memory_space<semaphore_mem>>
      %dma_start3A_30 = arith.constant 0 : i32
      %dma_start3A_31 = tpu.memref_slice %arg14[%add3A_12, %dma_start3A_30] : memref<10240x128xf32, #tpu.memory_space<vmem_shared>> -> memref<128x128xf32, #tpu.memory_space<vmem_shared>>
      %dma_start3A_32 = arith.constant 0 : i32
      %dma_start3A_33 = tpu.memref_slice %arg14[%add3A_12, %dma_start3A_32] : memref<10240x128xf32, #tpu.memory_space<vmem_shared>> -> memref<128x128xf32, #tpu.memory_space<vmem_shared>>
      tpu.enqueue_dma source(%arg13 : memref<128x128xf32, #tpu.memory_space<vmem>>) target(%dma_start3A_33 : memref<128x128xf32, #tpu.memory_space<vmem_shared>>) target_semaphore(%run_scoped3A : memref<!tpu.dma_semaphore, #tpu.memory_space<semaphore_mem>>)
      %dma_wait3A = arith.constant 0 : i32
      %dma_wait3A_34 = tpu.memref_slice %arg14[%add3A_12, %dma_wait3A] : memref<10240x128xf32, #tpu.memory_space<vmem_shared>> -> memref<128x128xf32, #tpu.memory_space<vmem_shared>>
      %dma_wait3A_35 = arith.constant 0 : i32
      %dma_wait3A_36 = tpu.memref_slice %arg14[%add3A_12, %dma_wait3A_35] : memref<10240x128xf32, #tpu.memory_space<vmem_shared>> -> memref<128x128xf32, #tpu.memory_space<vmem_shared>>
      tpu.wait_dma2 semaphore(%run_scoped3A : memref<!tpu.dma_semaphore, #tpu.memory_space<semaphore_mem>>) src(%arg13 : memref<128x128xf32, #tpu.memory_space<vmem>>) dst(%dma_wait3A_36 : memref<128x128xf32, #tpu.memory_space<vmem_shared>>)
      tpu.yield
    }) : () -> ()
    %mul3A_13 = arith.constant 10080 : i32
    %mul3A_14 = arith.muli %add3A, %mul3A_13 : i32
    "tpu.region"() ({
      %run_scoped3A = tpu.sem_alloc : memref<!tpu.dma_semaphore, #tpu.memory_space<semaphore_mem>>
      %dma_start3A_30 = tpu.memref_slice %arg3[%mul3A_14] : memref<322560xi32, #tpu.memory_space<hbm>> -> memref<120xi32, #tpu.memory_space<hbm>>
      %dma_start3A_31 = tpu.memref_slice %arg3[%mul3A_14] : memref<322560xi32, #tpu.memory_space<hbm>> -> memref<120xi32, #tpu.memory_space<hbm>>
      tpu.enqueue_dma source(%dma_start3A_31 : memref<120xi32, #tpu.memory_space<hbm>>) target(%arg7 : memref<120xi32, #tpu.memory_space<vmem>>) target_semaphore(%run_scoped3A : memref<!tpu.dma_semaphore, #tpu.memory_space<semaphore_mem>>)
      %dma_wait3A = tpu.memref_slice %arg3[%mul3A_14] : memref<322560xi32, #tpu.memory_space<hbm>> -> memref<120xi32, #tpu.memory_space<hbm>>
      %dma_wait3A_32 = tpu.memref_slice %arg3[%mul3A_14] : memref<322560xi32, #tpu.memory_space<hbm>> -> memref<120xi32, #tpu.memory_space<hbm>>
      tpu.wait_dma2 semaphore(%run_scoped3A : memref<!tpu.dma_semaphore, #tpu.memory_space<semaphore_mem>>) src(%dma_wait3A_32 : memref<120xi32, #tpu.memory_space<hbm>>) dst(%arg7 : memref<120xi32, #tpu.memory_space<vmem>>)
      tpu.yield
    }) : () -> ()
    "tpu.region"() ({
      %run_scoped3A = tpu.sem_alloc : memref<!tpu.dma_semaphore, #tpu.memory_space<semaphore_mem>>
      %dma_start3A_30 = tpu.memref_slice %arg4[%mul3A_14] : memref<322560xi32, #tpu.memory_space<hbm>> -> memref<120xi32, #tpu.memory_space<hbm>>
      %dma_start3A_31 = tpu.memref_slice %arg4[%mul3A_14] : memref<322560xi32, #tpu.memory_space<hbm>> -> memref<120xi32, #tpu.memory_space<hbm>>
      tpu.enqueue_dma source(%dma_start3A_31 : memref<120xi32, #tpu.memory_space<hbm>>) target(%arg9 : memref<120xi32, #tpu.memory_space<vmem>>) target_semaphore(%run_scoped3A : memref<!tpu.dma_semaphore, #tpu.memory_space<semaphore_mem>>)
      %dma_wait3A = tpu.memref_slice %arg4[%mul3A_14] : memref<322560xi32, #tpu.memory_space<hbm>> -> memref<120xi32, #tpu.memory_space<hbm>>
      %dma_wait3A_32 = tpu.memref_slice %arg4[%mul3A_14] : memref<322560xi32, #tpu.memory_space<hbm>> -> memref<120xi32, #tpu.memory_space<hbm>>
      tpu.wait_dma2 semaphore(%run_scoped3A : memref<!tpu.dma_semaphore, #tpu.memory_space<semaphore_mem>>) src(%dma_wait3A_32 : memref<120xi32, #tpu.memory_space<hbm>>) dst(%arg9 : memref<120xi32, #tpu.memory_space<vmem>>)
      tpu.yield
    }) : () -> ()
    %add3A_15 = arith.constant 120 : i32
    %add3A_16 = arith.addi %mul3A_14, %add3A_15 : i32
    "tpu.region"() ({
      %run_scoped3A = tpu.sem_alloc : memref<!tpu.dma_semaphore, #tpu.memory_space<semaphore_mem>>
      %dma_start3A_30 = tpu.memref_slice %arg3[%add3A_16] : memref<322560xi32, #tpu.memory_space<hbm>> -> memref<120xi32, #tpu.memory_space<hbm>>
      %dma_start3A_31 = tpu.memref_slice %arg3[%add3A_16] : memref<322560xi32, #tpu.memory_space<hbm>> -> memref<120xi32, #tpu.memory_space<hbm>>
      tpu.enqueue_dma source(%dma_start3A_31 : memref<120xi32, #tpu.memory_space<hbm>>) target(%arg8 : memref<120xi32, #tpu.memory_space<vmem>>) target_semaphore(%run_scoped3A : memref<!tpu.dma_semaphore, #tpu.memory_space<semaphore_mem>>)
      %dma_wait3A = tpu.memref_slice %arg3[%add3A_16] : memref<322560xi32, #tpu.memory_space<hbm>> -> memref<120xi32, #tpu.memory_space<hbm>>
      %dma_wait3A_32 = tpu.memref_slice %arg3[%add3A_16] : memref<322560xi32, #tpu.memory_space<hbm>> -> memref<120xi32, #tpu.memory_space<hbm>>
      tpu.wait_dma2 semaphore(%run_scoped3A : memref<!tpu.dma_semaphore, #tpu.memory_space<semaphore_mem>>) src(%dma_wait3A_32 : memref<120xi32, #tpu.memory_space<hbm>>) dst(%arg8 : memref<120xi32, #tpu.memory_space<vmem>>)
      tpu.yield
    }) : () -> ()
    %add3A_17 = arith.constant 120 : i32
    %add3A_18 = arith.addi %mul3A_14, %add3A_17 : i32
    "tpu.region"() ({
      %run_scoped3A = tpu.sem_alloc : memref<!tpu.dma_semaphore, #tpu.memory_space<semaphore_mem>>
      %dma_start3A_30 = tpu.memref_slice %arg4[%add3A_18] : memref<322560xi32, #tpu.memory_space<hbm>> -> memref<120xi32, #tpu.memory_space<hbm>>
      %dma_start3A_31 = tpu.memref_slice %arg4[%add3A_18] : memref<322560xi32, #tpu.memory_space<hbm>> -> memref<120xi32, #tpu.memory_space<hbm>>
      tpu.enqueue_dma source(%dma_start3A_31 : memref<120xi32, #tpu.memory_space<hbm>>) target(%arg10 : memref<120xi32, #tpu.memory_space<vmem>>) target_semaphore(%run_scoped3A : memref<!tpu.dma_semaphore, #tpu.memory_space<semaphore_mem>>)
      %dma_wait3A = tpu.memref_slice %arg4[%add3A_18] : memref<322560xi32, #tpu.memory_space<hbm>> -> memref<120xi32, #tpu.memory_space<hbm>>
      %dma_wait3A_32 = tpu.memref_slice %arg4[%add3A_18] : memref<322560xi32, #tpu.memory_space<hbm>> -> memref<120xi32, #tpu.memory_space<hbm>>
      tpu.wait_dma2 semaphore(%run_scoped3A : memref<!tpu.dma_semaphore, #tpu.memory_space<semaphore_mem>>) src(%dma_wait3A_32 : memref<120xi32, #tpu.memory_space<hbm>>) dst(%arg10 : memref<120xi32, #tpu.memory_space<vmem>>)
      tpu.yield
    }) : () -> ()
    %barrier3A = arith.constant 0 : index
    tpu.barrier barrier_id(%barrier3A)
    %dma_start3A = arith.constant 0 : i32
    %dma_start3A_19 = arith.constant 0 : i32
    %dma_start3A_20 = tpu.memref_slice %arg2[%dma_start3A, %dma_start3A_19] : memref<10240x128xf32, #tpu.memory_space<hbm>> -> memref<10240x128xf32, #tpu.memory_space<hbm>>
    tpu.enqueue_indirect_dma source(%dma_start3A_20 : memref<10240x128xf32, #tpu.memory_space<hbm>>) target(%arg11 : memref<120x128xf32, #tpu.memory_space<vmem>>) offsets(%arg7 : memref<120xi32, #tpu.memory_space<vmem>>) semaphore(%arg15 : memref<!tpu.dma_semaphore, #tpu.memory_space<semaphore_mem>>)
    %dma_start3A_21 = arith.constant 0 : i32
    %dma_start3A_22 = arith.constant 0 : i32
    %dma_start3A_23 = tpu.memref_slice %arg2[%dma_start3A_21, %dma_start3A_22] : memref<10240x128xf32, #tpu.memory_space<hbm>> -> memref<10240x128xf32, #tpu.memory_space<hbm>>
    tpu.enqueue_indirect_dma source(%dma_start3A_23 : memref<10240x128xf32, #tpu.memory_space<hbm>>) target(%arg12 : memref<120x128xf32, #tpu.memory_space<vmem>>) offsets(%arg8 : memref<120xi32, #tpu.memory_space<vmem>>) semaphore(%arg16 : memref<!tpu.dma_semaphore, #tpu.memory_space<semaphore_mem>>)
    %scan3A = arith.constant 0 : i32
    %scan3A_24 = arith.constant 0 : i32
    %scan3A_25 = arith.constant 42 : i32
    %scan3A_26 = arith.addi %scan3A_24, %scan3A_25 : i32
    %scan3A_27 = arith.constant 1 : i32
    scf.for %scan3A_30 = %scan3A_24 to %scan3A_26 step %scan3A_27  : i32 {
      %mul3A_31 = arith.constant 2 : i32
      %mul3A_32 = arith.muli %mul3A_31, %scan3A_30 : i32
      %dma_wait3A = arith.constant 0 : i32
      %dma_wait3A_33 = arith.constant 0 : i32
      %dma_wait3A_34 = tpu.memref_slice %arg2[%dma_wait3A, %dma_wait3A_33] : memref<10240x128xf32, #tpu.memory_space<hbm>> -> memref<10240x128xf32, #tpu.memory_space<hbm>>
      tpu.wait_indirect_dma semaphore(%arg15 : memref<!tpu.dma_semaphore, #tpu.memory_space<semaphore_mem>>) src(%dma_wait3A_34 : memref<10240x128xf32, #tpu.memory_space<hbm>>) dst(%arg11 : memref<120x128xf32, #tpu.memory_space<vmem>>)
      "tpu.region"() ({
        %run_scoped3A = tpu.sem_alloc : memref<!tpu.dma_semaphore, #tpu.memory_space<semaphore_mem>>
        %dma_start3A_49 = arith.constant 0 : i32
        %dma_start3A_50 = arith.constant 0 : i32
        %dma_start3A_51 = tpu.memref_slice %arg14[%dma_start3A_49, %dma_start3A_50] : memref<10240x128xf32, #tpu.memory_space<vmem_shared>> -> memref<10240x128xf32, #tpu.memory_space<vmem_shared>>
        tpu.enqueue_indirect_dma source(%arg11 : memref<120x128xf32, #tpu.memory_space<vmem>>) target(%dma_start3A_51 : memref<10240x128xf32, #tpu.memory_space<vmem_shared>>) offsets(%arg9 : memref<120xi32, #tpu.memory_space<vmem>>) semaphore(%run_scoped3A : memref<!tpu.dma_semaphore, #tpu.memory_space<semaphore_mem>>) {add = true}
        %dma_wait3A_52 = arith.constant 0 : i32
        %dma_wait3A_53 = arith.constant 0 : i32
        %dma_wait3A_54 = tpu.memref_slice %arg14[%dma_wait3A_52, %dma_wait3A_53] : memref<10240x128xf32, #tpu.memory_space<vmem_shared>> -> memref<10240x128xf32, #tpu.memory_space<vmem_shared>>
        tpu.wait_indirect_dma semaphore(%run_scoped3A : memref<!tpu.dma_semaphore, #tpu.memory_space<semaphore_mem>>) src(%arg11 : memref<120x128xf32, #tpu.memory_space<vmem>>) dst(%dma_wait3A_54 : memref<10240x128xf32, #tpu.memory_space<vmem_shared>>)
        tpu.yield
      }) : () -> ()
      %add3A_35 = arith.constant 2 : i32
      %add3A_36 = arith.addi %mul3A_32, %add3A_35 : i32
      %lt3A = arith.constant 84 : i32
      %lt3A_37 = arith.cmpi slt, %add3A_36, %lt3A : i32
      %convert_element_type3A = arith.extui %lt3A_37 : i1 to i32
      %cond3A = arith.constant 0 : i32
      %cond3A_38 = arith.cmpi ne, %convert_element_type3A, %cond3A : i32
      scf.if %cond3A_38 {
        %add3A_49 = arith.constant 2 : i32
        %add3A_50 = arith.addi %mul3A_32, %add3A_49 : i32
        %mul3A_51 = arith.constant 120 : i32
        %mul3A_52 = arith.muli %add3A_50, %mul3A_51 : i32
        %add3A_53 = arith.addi %mul3A_14, %mul3A_52 : i32
        "tpu.region"() ({
          %run_scoped3A = tpu.sem_alloc : memref<!tpu.dma_semaphore, #tpu.memory_space<semaphore_mem>>
          %dma_start3A_62 = tpu.memref_slice %arg3[%add3A_53] : memref<322560xi32, #tpu.memory_space<hbm>> -> memref<120xi32, #tpu.memory_space<hbm>>
          %dma_start3A_63 = tpu.memref_slice %arg3[%add3A_53] : memref<322560xi32, #tpu.memory_space<hbm>> -> memref<120xi32, #tpu.memory_space<hbm>>
          tpu.enqueue_dma source(%dma_start3A_63 : memref<120xi32, #tpu.memory_space<hbm>>) target(%arg7 : memref<120xi32, #tpu.memory_space<vmem>>) target_semaphore(%run_scoped3A : memref<!tpu.dma_semaphore, #tpu.memory_space<semaphore_mem>>)
          %dma_wait3A_64 = tpu.memref_slice %arg3[%add3A_53] : memref<322560xi32, #tpu.memory_space<hbm>> -> memref<120xi32, #tpu.memory_space<hbm>>
          %dma_wait3A_65 = tpu.memref_slice %arg3[%add3A_53] : memref<322560xi32, #tpu.memory_space<hbm>> -> memref<120xi32, #tpu.memory_space<hbm>>
          tpu.wait_dma2 semaphore(%run_scoped3A : memref<!tpu.dma_semaphore, #tpu.memory_space<semaphore_mem>>) src(%dma_wait3A_65 : memref<120xi32, #tpu.memory_space<hbm>>) dst(%arg7 : memref<120xi32, #tpu.memory_space<vmem>>)
          tpu.yield
        }) : () -> ()
        %add3A_54 = arith.constant 2 : i32
        %add3A_55 = arith.addi %mul3A_32, %add3A_54 : i32
        %mul3A_56 = arith.constant 120 : i32
        %mul3A_57 = arith.muli %add3A_55, %mul3A_56 : i32
        %add3A_58 = arith.addi %mul3A_14, %mul3A_57 : i32
        "tpu.region"() ({
          %run_scoped3A = tpu.sem_alloc : memref<!tpu.dma_semaphore, #tpu.memory_space<semaphore_mem>>
          %dma_start3A_62 = tpu.memref_slice %arg4[%add3A_58] : memref<322560xi32, #tpu.memory_space<hbm>> -> memref<120xi32, #tpu.memory_space<hbm>>
          %dma_start3A_63 = tpu.memref_slice %arg4[%add3A_58] : memref<322560xi32, #tpu.memory_space<hbm>> -> memref<120xi32, #tpu.memory_space<hbm>>
          tpu.enqueue_dma source(%dma_start3A_63 : memref<120xi32, #tpu.memory_space<hbm>>) target(%arg9 : memref<120xi32, #tpu.memory_space<vmem>>) target_semaphore(%run_scoped3A : memref<!tpu.dma_semaphore, #tpu.memory_space<semaphore_mem>>)
          %dma_wait3A_64 = tpu.memref_slice %arg4[%add3A_58] : memref<322560xi32, #tpu.memory_space<hbm>> -> memref<120xi32, #tpu.memory_space<hbm>>
          %dma_wait3A_65 = tpu.memref_slice %arg4[%add3A_58] : memref<322560xi32, #tpu.memory_space<hbm>> -> memref<120xi32, #tpu.memory_space<hbm>>
          tpu.wait_dma2 semaphore(%run_scoped3A : memref<!tpu.dma_semaphore, #tpu.memory_space<semaphore_mem>>) src(%dma_wait3A_65 : memref<120xi32, #tpu.memory_space<hbm>>) dst(%arg9 : memref<120xi32, #tpu.memory_space<vmem>>)
          tpu.yield
        }) : () -> ()
        %dma_start3A_59 = arith.constant 0 : i32
        %dma_start3A_60 = arith.constant 0 : i32
        %dma_start3A_61 = tpu.memref_slice %arg2[%dma_start3A_59, %dma_start3A_60] : memref<10240x128xf32, #tpu.memory_space<hbm>> -> memref<10240x128xf32, #tpu.memory_space<hbm>>
        tpu.enqueue_indirect_dma source(%dma_start3A_61 : memref<10240x128xf32, #tpu.memory_space<hbm>>) target(%arg11 : memref<120x128xf32, #tpu.memory_space<vmem>>) offsets(%arg7 : memref<120xi32, #tpu.memory_space<vmem>>) semaphore(%arg15 : memref<!tpu.dma_semaphore, #tpu.memory_space<semaphore_mem>>)
      } else {
      }
      %dma_wait3A_39 = arith.constant 0 : i32
      %dma_wait3A_40 = arith.constant 0 : i32
      %dma_wait3A_41 = tpu.memref_slice %arg2[%dma_wait3A_39, %dma_wait3A_40] : memref<10240x128xf32, #tpu.memory_space<hbm>> -> memref<10240x128xf32, #tpu.memory_space<hbm>>
      tpu.wait_indirect_dma semaphore(%arg16 : memref<!tpu.dma_semaphore, #tpu.memory_space<semaphore_mem>>) src(%dma_wait3A_41 : memref<10240x128xf32, #tpu.memory_space<hbm>>) dst(%arg12 : memref<120x128xf32, #tpu.memory_space<vmem>>)
      "tpu.region"() ({
        %run_scoped3A = tpu.sem_alloc : memref<!tpu.dma_semaphore, #tpu.memory_space<semaphore_mem>>
        %dma_start3A_49 = arith.constant 0 : i32
        %dma_start3A_50 = arith.constant 0 : i32
        %dma_start3A_51 = tpu.memref_slice %arg14[%dma_start3A_49, %dma_start3A_50] : memref<10240x128xf32, #tpu.memory_space<vmem_shared>> -> memref<10240x128xf32, #tpu.memory_space<vmem_shared>>
        tpu.enqueue_indirect_dma source(%arg12 : memref<120x128xf32, #tpu.memory_space<vmem>>) target(%dma_start3A_51 : memref<10240x128xf32, #tpu.memory_space<vmem_shared>>) offsets(%arg10 : memref<120xi32, #tpu.memory_space<vmem>>) semaphore(%run_scoped3A : memref<!tpu.dma_semaphore, #tpu.memory_space<semaphore_mem>>) {add = true}
        %dma_wait3A_52 = arith.constant 0 : i32
        %dma_wait3A_53 = arith.constant 0 : i32
        %dma_wait3A_54 = tpu.memref_slice %arg14[%dma_wait3A_52, %dma_wait3A_53] : memref<10240x128xf32, #tpu.memory_space<vmem_shared>> -> memref<10240x128xf32, #tpu.memory_space<vmem_shared>>
        tpu.wait_indirect_dma semaphore(%run_scoped3A : memref<!tpu.dma_semaphore, #tpu.memory_space<semaphore_mem>>) src(%arg12 : memref<120x128xf32, #tpu.memory_space<vmem>>) dst(%dma_wait3A_54 : memref<10240x128xf32, #tpu.memory_space<vmem_shared>>)
        tpu.yield
      }) : () -> ()
      %add3A_42 = arith.constant 3 : i32
      %add3A_43 = arith.addi %mul3A_32, %add3A_42 : i32
      %lt3A_44 = arith.constant 84 : i32
      %lt3A_45 = arith.cmpi slt, %add3A_43, %lt3A_44 : i32
      %convert_element_type3A_46 = arith.extui %lt3A_45 : i1 to i32
      %cond3A_47 = arith.constant 0 : i32
      %cond3A_48 = arith.cmpi ne, %convert_element_type3A_46, %cond3A_47 : i32
      scf.if %cond3A_48 {
        %add3A_49 = arith.constant 3 : i32
        %add3A_50 = arith.addi %mul3A_32, %add3A_49 : i32
        %mul3A_51 = arith.constant 120 : i32
        %mul3A_52 = arith.muli %add3A_50, %mul3A_51 : i32
        %add3A_53 = arith.addi %mul3A_14, %mul3A_52 : i32
        "tpu.region"() ({
          %run_scoped3A = tpu.sem_alloc : memref<!tpu.dma_semaphore, #tpu.memory_space<semaphore_mem>>
          %dma_start3A_62 = tpu.memref_slice %arg3[%add3A_53] : memref<322560xi32, #tpu.memory_space<hbm>> -> memref<120xi32, #tpu.memory_space<hbm>>
          %dma_start3A_63 = tpu.memref_slice %arg3[%add3A_53] : memref<322560xi32, #tpu.memory_space<hbm>> -> memref<120xi32, #tpu.memory_space<hbm>>
          tpu.enqueue_dma source(%dma_start3A_63 : memref<120xi32, #tpu.memory_space<hbm>>) target(%arg8 : memref<120xi32, #tpu.memory_space<vmem>>) target_semaphore(%run_scoped3A : memref<!tpu.dma_semaphore, #tpu.memory_space<semaphore_mem>>)
          %dma_wait3A_64 = tpu.memref_slice %arg3[%add3A_53] : memref<322560xi32, #tpu.memory_space<hbm>> -> memref<120xi32, #tpu.memory_space<hbm>>
          %dma_wait3A_65 = tpu.memref_slice %arg3[%add3A_53] : memref<322560xi32, #tpu.memory_space<hbm>> -> memref<120xi32, #tpu.memory_space<hbm>>
          tpu.wait_dma2 semaphore(%run_scoped3A : memref<!tpu.dma_semaphore, #tpu.memory_space<semaphore_mem>>) src(%dma_wait3A_65 : memref<120xi32, #tpu.memory_space<hbm>>) dst(%arg8 : memref<120xi32, #tpu.memory_space<vmem>>)
          tpu.yield
        }) : () -> ()
        %add3A_54 = arith.constant 3 : i32
        %add3A_55 = arith.addi %mul3A_32, %add3A_54 : i32
        %mul3A_56 = arith.constant 120 : i32
        %mul3A_57 = arith.muli %add3A_55, %mul3A_56 : i32
        %add3A_58 = arith.addi %mul3A_14, %mul3A_57 : i32
        "tpu.region"() ({
          %run_scoped3A = tpu.sem_alloc : memref<!tpu.dma_semaphore, #tpu.memory_space<semaphore_mem>>
          %dma_start3A_62 = tpu.memref_slice %arg4[%add3A_58] : memref<322560xi32, #tpu.memory_space<hbm>> -> memref<120xi32, #tpu.memory_space<hbm>>
          %dma_start3A_63 = tpu.memref_slice %arg4[%add3A_58] : memref<322560xi32, #tpu.memory_space<hbm>> -> memref<120xi32, #tpu.memory_space<hbm>>
          tpu.enqueue_dma source(%dma_start3A_63 : memref<120xi32, #tpu.memory_space<hbm>>) target(%arg10 : memref<120xi32, #tpu.memory_space<vmem>>) target_semaphore(%run_scoped3A : memref<!tpu.dma_semaphore, #tpu.memory_space<semaphore_mem>>)
          %dma_wait3A_64 = tpu.memref_slice %arg4[%add3A_58] : memref<322560xi32, #tpu.memory_space<hbm>> -> memref<120xi32, #tpu.memory_space<hbm>>
          %dma_wait3A_65 = tpu.memref_slice %arg4[%add3A_58] : memref<322560xi32, #tpu.memory_space<hbm>> -> memref<120xi32, #tpu.memory_space<hbm>>
          tpu.wait_dma2 semaphore(%run_scoped3A : memref<!tpu.dma_semaphore, #tpu.memory_space<semaphore_mem>>) src(%dma_wait3A_65 : memref<120xi32, #tpu.memory_space<hbm>>) dst(%arg10 : memref<120xi32, #tpu.memory_space<vmem>>)
          tpu.yield
        }) : () -> ()
        %dma_start3A_59 = arith.constant 0 : i32
        %dma_start3A_60 = arith.constant 0 : i32
        %dma_start3A_61 = tpu.memref_slice %arg2[%dma_start3A_59, %dma_start3A_60] : memref<10240x128xf32, #tpu.memory_space<hbm>> -> memref<10240x128xf32, #tpu.memory_space<hbm>>
        tpu.enqueue_indirect_dma source(%dma_start3A_61 : memref<10240x128xf32, #tpu.memory_space<hbm>>) target(%arg12 : memref<120x128xf32, #tpu.memory_space<vmem>>) offsets(%arg8 : memref<120xi32, #tpu.memory_space<vmem>>) semaphore(%arg16 : memref<!tpu.dma_semaphore, #tpu.memory_space<semaphore_mem>>)
      } else {
      }
    }
    %scan3A_28 = arith.constant 42 : i32
    %barrier3A_29 = arith.constant 0 : index
    tpu.barrier barrier_id(%barrier3A_29)
    "tpu.region"() ({
      %run_scoped3A = tpu.sem_alloc : memref<!tpu.dma_semaphore, #tpu.memory_space<semaphore_mem>>
      %dma_start3A_30 = arith.constant 0 : i32
      %dma_start3A_31 = tpu.memref_slice %arg6[%arg0, %mul3A_2, %dma_start3A_30] : memref<2x10240x128xf32, #tpu.memory_space<hbm>> -> memref<1x640x128xf32, #tpu.memory_space<hbm>>
      %dma_start3A_32 = tpu.memref_squeeze %dma_start3A_31 : memref<1x640x128xf32, #tpu.memory_space<hbm>> -> memref<640x128xf32, #tpu.memory_space<hbm>>
      %dma_start3A_33 = arith.constant 0 : i32
      %dma_start3A_34 = tpu.memref_slice %arg14[%mul3A_2, %dma_start3A_33] : memref<10240x128xf32, #tpu.memory_space<vmem_shared>> -> memref<640x128xf32, #tpu.memory_space<vmem_shared>>
      tpu.enqueue_dma source(%dma_start3A_34 : memref<640x128xf32, #tpu.memory_space<vmem_shared>>) target(%dma_start3A_32 : memref<640x128xf32, #tpu.memory_space<hbm>>) target_semaphore(%run_scoped3A : memref<!tpu.dma_semaphore, #tpu.memory_space<semaphore_mem>>)
      %dma_wait3A = arith.constant 0 : i32
      %dma_wait3A_35 = tpu.memref_slice %arg6[%arg0, %mul3A_2, %dma_wait3A] : memref<2x10240x128xf32, #tpu.memory_space<hbm>> -> memref<1x640x128xf32, #tpu.memory_space<hbm>>
      %dma_wait3A_36 = tpu.memref_squeeze %dma_wait3A_35 : memref<1x640x128xf32, #tpu.memory_space<hbm>> -> memref<640x128xf32, #tpu.memory_space<hbm>>
      %dma_wait3A_37 = arith.constant 0 : i32
      %dma_wait3A_38 = tpu.memref_slice %arg14[%mul3A_2, %dma_wait3A_37] : memref<10240x128xf32, #tpu.memory_space<vmem_shared>> -> memref<640x128xf32, #tpu.memory_space<vmem_shared>>
      tpu.wait_dma2 semaphore(%run_scoped3A : memref<!tpu.dma_semaphore, #tpu.memory_space<semaphore_mem>>) src(%dma_wait3A_38 : memref<640x128xf32, #tpu.memory_space<vmem_shared>>) dst(%dma_wait3A_36 : memref<640x128xf32, #tpu.memory_space<hbm>>)
      tpu.yield
    }) : () -> ()
    return
  }
}

module attributes {stable_mosaic.version = 14 : i64} {
  func.func @body(%arg0: i32, %arg1: memref<1024x128xf32, #tpu.memory_space<vmem>>, %arg2: memref<1024x128xf32, #tpu.memory_space<vmem>>, %arg3: memref<1024x128xf32, #tpu.memory_space<vmem>>, %arg4: memref<1024x128xf32, #tpu.memory_space<vmem>>, %arg5: memref<128x128xf32, #tpu.memory_space<vmem>>, %arg6: memref<1024x128xf32, #tpu.memory_space<vmem>>) attributes {dimension_semantics = [#tpu.dimension_semantics<arbitrary>], iteration_bounds = array<i64: 10>, scalar_prefetch = 0 : i64, scratch_operands = 0 : i64, tpu.core_type = #tpu.core_type<tc>, window_params = [{transform_indices = @transform_0, window_bounds = array<i64: 1024, 128>}, {transform_indices = @transform_1, window_bounds = array<i64: 1024, 128>}, {transform_indices = @transform_2, window_bounds = array<i64: 1024, 128>}, {transform_indices = @transform_3, window_bounds = array<i64: 1024, 128>}, {pipeline_mode = #tpu.pipeline_mode<synchronous>, transform_indices = @transform_4, window_bounds = array<i64: 128, 128>}, {transform_indices = @transform_5, window_bounds = array<i64: 1024, 128>}]} {
    %get3A = arith.constant 0 : index
    %get3A_0 = arith.constant 0 : index
    %get3A_1 = vector.load %arg1[%get3A, %get3A_0] : memref<1024x128xf32, #tpu.memory_space<vmem>>, vector<1024x128xf32>
    %get3A_2 = arith.constant 0 : index
    %get3A_3 = arith.constant 0 : index
    %get3A_4 = vector.load %arg2[%get3A_2, %get3A_3] : memref<1024x128xf32, #tpu.memory_space<vmem>>, vector<1024x128xf32>
    %add3A = arith.addf %get3A_1, %get3A_4 : vector<1024x128xf32>
    %get3A_5 = arith.constant 0 : index
    %get3A_6 = arith.constant 0 : index
    %get3A_7 = vector.load %arg5[%get3A_5, %get3A_6] : memref<128x128xf32, #tpu.memory_space<vmem>>, vector<128x128xf32>
    %dot_general3A = arith.constant dense<0.000000e+00> : vector<1024x128xf32>
    %dot_general3A_8 = tpu.matmul %add3A, %get3A_7, %dot_general3A {dimension_numbers = #tpu.dot_dimension_numbers<[1], [0], [0], [1], [0, 0, 1, 1], [], []>, transpose_lhs_hint = false} : vector<1024x128xf32>, vector<128x128xf32>, vector<1024x128xf32> -> vector<1024x128xf32>
    %get3A_9 = arith.constant 0 : index
    %get3A_10 = arith.constant 0 : index
    %get3A_11 = vector.load %arg3[%get3A_9, %get3A_10] : memref<1024x128xf32, #tpu.memory_space<vmem>>, vector<1024x128xf32>
    %get3A_12 = arith.constant 0 : index
    %get3A_13 = arith.constant 0 : index
    %get3A_14 = vector.load %arg4[%get3A_12, %get3A_13] : memref<1024x128xf32, #tpu.memory_space<vmem>>, vector<1024x128xf32>
    %add3A_15 = arith.addf %get3A_11, %get3A_14 : vector<1024x128xf32>
    %reduce_sum3A = arith.constant dense<0.000000e+00> : vector<1024xf32>
    %reduce_sum3A_16 = vector.multi_reduction <add>, %add3A_15, %reduce_sum3A [1] : vector<1024x128xf32> to vector<1024xf32>
    %broadcast_in_dim3A = vector.shape_cast %reduce_sum3A_16 : vector<1024xf32> to vector<1024x1xf32>
    %mul3A = arith.constant 7.812500e-03 : f32
    %mul3A_17 = vector.broadcast %mul3A : f32 to vector<1024x1xf32>
    %mul3A_18 = arith.mulf %broadcast_in_dim3A, %mul3A_17 : vector<1024x1xf32>
    %gt3A = arith.constant 0.000000e+00 : f32
    %gt3A_19 = vector.broadcast %gt3A : f32 to vector<1024x1xf32>
    %gt3A_20 = arith.cmpf ogt, %mul3A_18, %gt3A_19 : vector<1024x1xf32>
    %div3A = arith.constant 1.000000e+00 : f32
    %div3A_21 = vector.broadcast %div3A : f32 to vector<1024x1xf32>
    %div3A_22 = arith.divf %div3A_21, %mul3A_18 : vector<1024x1xf32>
    %jit3A = arith.constant 0.000000e+00 : f32
    %broadcast_in_dim3A_23 = vector.broadcast %jit3A : f32 to vector<1024x1xf32>
    %select_n3A = arith.select %gt3A_20, %div3A_22, %broadcast_in_dim3A_23 : vector<1024x1xi1>, vector<1024x1xf32>
    %mul3A_24 = vector.broadcast %select_n3A : vector<1024x1xf32> to vector<1024x128xf32>
    %mul3A_25 = arith.mulf %mul3A_24, %dot_general3A_8 : vector<1024x128xf32>
    %swap3A = arith.constant 0 : index
    %swap3A_26 = arith.constant 0 : index
    %swap3A_27 = vector.load %arg6[%swap3A, %swap3A_26] : memref<1024x128xf32, #tpu.memory_space<vmem>>, vector<1024x128xf32>
    tpu.vector_store %arg6[%swap3A, %swap3A_26], %mul3A_25 {strides = array<i32>} : memref<1024x128xf32, #tpu.memory_space<vmem>>, vector<1024x128xf32>,
    return
  }
  func.func @transform_0(%arg0: i32) -> (i32, i32) {
    %c0_i32 = arith.constant 0 : i32
    %c0_i32_0 = arith.constant 0 : i32
    return %arg0, %c0_i32 : i32, i32
  }
  func.func @transform_1(%arg0: i32) -> (i32, i32) {
    %c0_i32 = arith.constant 0 : i32
    %c0_i32_0 = arith.constant 0 : i32
    return %arg0, %c0_i32 : i32, i32
  }
  func.func @transform_2(%arg0: i32) -> (i32, i32) {
    %c0_i32 = arith.constant 0 : i32
    %c0_i32_0 = arith.constant 0 : i32
    return %arg0, %c0_i32 : i32, i32
  }
  func.func @transform_3(%arg0: i32) -> (i32, i32) {
    %c0_i32 = arith.constant 0 : i32
    %c0_i32_0 = arith.constant 0 : i32
    return %arg0, %c0_i32 : i32, i32
  }
  func.func @transform_4(%arg0: i32) -> (i32, i32) {
    %c0_i32 = arith.constant 0 : i32
    %c0_i32_0 = arith.constant 0 : i32
    %c0_i32_1 = arith.constant 0 : i32
    return %c0_i32, %c0_i32_0 : i32, i32
  }
  func.func @transform_5(%arg0: i32) -> (i32, i32) {
    %c0_i32 = arith.constant 0 : i32
    %c0_i32_0 = arith.constant 0 : i32
    return %arg0, %c0_i32 : i32, i32
  }
}

module attributes {stable_mosaic.version = 14 : i64} {
  func.func @body(%arg0: i32, %arg1: memref<1024x128xf32, #tpu.memory_space<vmem>>, %arg2: memref<1024x128xf32, #tpu.memory_space<vmem>>, %arg3: memref<1024x128xf32, #tpu.memory_space<vmem>>, %arg4: memref<1024x128xf32, #tpu.memory_space<vmem>>, %arg5: memref<1x128xf32, #tpu.memory_space<vmem>>, %arg6: memref<1024x128xf32, #tpu.memory_space<vmem>>) attributes {dimension_semantics = [#tpu.dimension_semantics<arbitrary>], iteration_bounds = array<i64: 10>, scalar_prefetch = 0 : i64, scratch_operands = 0 : i64, tpu.core_type = #tpu.core_type<tc>, window_params = [{transform_indices = @transform_0, window_bounds = array<i64: 1024, 128>}, {transform_indices = @transform_1, window_bounds = array<i64: 1024, 128>}, {transform_indices = @transform_2, window_bounds = array<i64: 1024, 128>}, {transform_indices = @transform_3, window_bounds = array<i64: 1024, 128>}, {pipeline_mode = #tpu.pipeline_mode<synchronous>, transform_indices = @transform_4, window_bounds = array<i64: 1, 128>}, {transform_indices = @transform_5, window_bounds = array<i64: 1024, 128>}]} {
    %get3A = arith.constant 0 : index
    %get3A_0 = arith.constant 0 : index
    %get3A_1 = vector.load %arg1[%get3A, %get3A_0] : memref<1024x128xf32, #tpu.memory_space<vmem>>, vector<1024x128xf32>
    %get3A_2 = arith.constant 0 : index
    %get3A_3 = arith.constant 0 : index
    %get3A_4 = vector.load %arg2[%get3A_2, %get3A_3] : memref<1024x128xf32, #tpu.memory_space<vmem>>, vector<1024x128xf32>
    %add3A = arith.addf %get3A_1, %get3A_4 : vector<1024x128xf32>
    %get3A_5 = arith.constant 0 : index
    %get3A_6 = arith.constant 0 : index
    %get3A_7 = vector.load %arg3[%get3A_5, %get3A_6] : memref<1024x128xf32, #tpu.memory_space<vmem>>, vector<1024x128xf32>
    %get3A_8 = arith.constant 0 : index
    %get3A_9 = arith.constant 0 : index
    %get3A_10 = vector.load %arg4[%get3A_8, %get3A_9] : memref<1024x128xf32, #tpu.memory_space<vmem>>, vector<1024x128xf32>
    %add3A_11 = arith.addf %get3A_7, %get3A_10 : vector<1024x128xf32>
    %reduce_sum3A = arith.constant dense<0.000000e+00> : vector<1024xf32>
    %reduce_sum3A_12 = vector.multi_reduction <add>, %add3A_11, %reduce_sum3A [1] : vector<1024x128xf32> to vector<1024xf32>
    %broadcast_in_dim3A = vector.shape_cast %reduce_sum3A_12 : vector<1024xf32> to vector<1024x1xf32>
    %mul3A = arith.constant 7.812500e-03 : f32
    %mul3A_13 = vector.broadcast %mul3A : f32 to vector<1024x1xf32>
    %mul3A_14 = arith.mulf %broadcast_in_dim3A, %mul3A_13 : vector<1024x1xf32>
    %gt3A = arith.constant 0.000000e+00 : f32
    %gt3A_15 = vector.broadcast %gt3A : f32 to vector<1024x1xf32>
    %gt3A_16 = arith.cmpf ogt, %mul3A_14, %gt3A_15 : vector<1024x1xf32>
    %div3A = arith.constant 1.000000e+00 : f32
    %div3A_17 = vector.broadcast %div3A : f32 to vector<1024x1xf32>
    %div3A_18 = arith.divf %div3A_17, %mul3A_14 : vector<1024x1xf32>
    %jit3A = arith.constant 0.000000e+00 : f32
    %broadcast_in_dim3A_19 = vector.broadcast %jit3A : f32 to vector<1024x1xf32>
    %select_n3A = arith.select %gt3A_16, %div3A_18, %broadcast_in_dim3A_19 : vector<1024x1xi1>, vector<1024x1xf32>
    %mul3A_20 = vector.broadcast %select_n3A : vector<1024x1xf32> to vector<1024x128xf32>
    %mul3A_21 = arith.mulf %mul3A_20, %add3A : vector<1024x128xf32>
    %get3A_22 = arith.constant 0 : index
    %get3A_23 = arith.constant 0 : index
    %get3A_24 = vector.load %arg5[%get3A_22, %get3A_23] : memref<1x128xf32, #tpu.memory_space<vmem>>, vector<1x128xf32>
    %add3A_25 = vector.broadcast %get3A_24 : vector<1x128xf32> to vector<1024x128xf32>
    %add3A_26 = arith.addf %mul3A_21, %add3A_25 : vector<1024x128xf32>
    %swap3A = arith.constant 0 : index
    %swap3A_27 = arith.constant 0 : index
    %swap3A_28 = vector.load %arg6[%swap3A, %swap3A_27] : memref<1024x128xf32, #tpu.memory_space<vmem>>, vector<1024x128xf32>
    tpu.vector_store %arg6[%swap3A, %swap3A_27], %add3A_26 {strides = array<i32>} : memref<1024x128xf32, #tpu.memory_space<vmem>>, vector<1024x128xf32>,
    return
  }
  func.func @transform_0(%arg0: i32) -> (i32, i32) {
    %c0_i32 = arith.constant 0 : i32
    %c0_i32_0 = arith.constant 0 : i32
    return %arg0, %c0_i32 : i32, i32
  }
  func.func @transform_1(%arg0: i32) -> (i32, i32) {
    %c0_i32 = arith.constant 0 : i32
    %c0_i32_0 = arith.constant 0 : i32
    return %arg0, %c0_i32 : i32, i32
  }
  func.func @transform_2(%arg0: i32) -> (i32, i32) {
    %c0_i32 = arith.constant 0 : i32
    %c0_i32_0 = arith.constant 0 : i32
    return %arg0, %c0_i32 : i32, i32
  }
  func.func @transform_3(%arg0: i32) -> (i32, i32) {
    %c0_i32 = arith.constant 0 : i32
    %c0_i32_0 = arith.constant 0 : i32
    return %arg0, %c0_i32 : i32, i32
  }
  func.func @transform_4(%arg0: i32) -> (i32, i32) {
    %c0_i32 = arith.constant 0 : i32
    %c0_i32_0 = arith.constant 0 : i32
    %c0_i32_1 = arith.constant 0 : i32
    return %c0_i32, %c0_i32_0 : i32, i32
  }
  func.func @transform_5(%arg0: i32) -> (i32, i32) {
    %c0_i32 = arith.constant 0 : i32
    %c0_i32_0 = arith.constant 0 : i32
    return %arg0, %c0_i32 : i32, i32
  }
}

</mosaic_0001>

<sc_bundles>
// kernel: kernel.11.cloned.1.call-start
scs
__scs_entry_jumppad:
0x0: {  	(pc) =	sbr.rel $0x88, $3  }
0x1: {  	(tag) =	ssettag $0x0;
	lr =	simm.s32 $0x1  }
0x2: {  	[smem:$0x3F9D] =	sst lr;
	_ =	strace $0xD0000000  }
0x3: {  	_ = 	snop  }
0x4: {  	_ = 	snop  }
0x5: {  	_ = 	snop  }
0x6: {  	_ = 	snop  }
0x7: {  	_ = 	snop  }
__scs_overlays_trampoline_lowered:
0x8: {  	[smem:$0x3FAC] =	sst s0  }
0x9: {  	[smem:$0x3FAD] =	sst s1  }
0xa: {  	[smem:$0x3FAE] =	sst s2  }
0xb: {  	[smem:$0x3FAF] =	sst s3  }
0xc: {  	[smem:$0x3FB0] =	sst s4  }
0xd: {  	[smem:$0x3FB1] =	sst s5  }
0xe: {  	[smem:$0x3FB2] =	sst s6  }
0xf: {  	[smem:$0x3FB3] =	sst s7  }
0x10: {  	[smem:$0x3FB4] =	sst s8  }
0x11: {  	[smem:$0x3FB5] =	sst s9;
	s0 =	simm.s32 @!p0 $0x0  }
0x12: {  	s1 =	sld [smem:$0x3F9B];
	s0 =	simm.s32 @p0 $0x1  }
0x13: {  	[smem:$0x3FB6] =	sst s0;
	s0 =	simm.s32 @!p1 $0x0  }
0x14: {  	s2 =	sld [smem:$0x3F9A];
	s0 =	simm.s32 @p1 $0x1  }
0x15: {  	[smem:$0x3FB7] =	sst s0;
	s0 =	simm.s32 @!p2 $0x0  }
0x16: {  	s3 =	sld [smem:$0x3FDB];
	s0 =	simm.s32 @p2 $0x1  }
0x17: {  	s4 =	simm.s32 $0x1BF5;
	[smem:$0x3FB9] =	sst s0  }
0x18: {  	s0 =	sld [smem:$0x3F9C];
	_ =	swait.ge [sflag:s4], $0x0  }
0x19: {  	s7 =	sld [smem:$0x3F9D]  }
0x1a: {  	s8 =	sadd.s32 $0xFFFFE003, lr  }
0x1b: {  	s9 =	sadd.s32 $0xFFFFFEF7, lr;
	s5 =	simm.s32 $0xFFFFFFFF;
	p2 =	slt.u32 s8, $0xFFFFF086  }
0x1c: {  	p1 =	slt.u32 s9, $0xF7A;
	s5 =	simm.s32 @!p2 $0x0  }
0x1d: {  	s5 =	simm.s32 @p1 $0x1;
	p0 =	seq.s32 s7, s2  }
0x1e: {  	s7 =	smul.u32 @!p0 $0xF7A, s2;
	p2 =	seq.s32 @!p0 s5, $0x0  }
0x1f: {  	s9 =	smul.u32 $0xF7A, s1;
	s8 =	simm.s32 @!p0 $0x1BF5;
	p2 =	por !p2, p0  }
0x20: {  	[sflag:s8] =	ssyncset.s32 @!p0 $0xFFFFF086;
	s6 =	sadd.s32 @!p0 s3, s7;
	s7 =	simm.s32 @!p0 $0x108  }
0x21: {  	s3 =	sadd.s32 s3, s9;
	s6 =	sadd.s32 @!p0 $0x88, s6;
	s7 =	simm.s32 @p2 $0x1082  }
0x22: {  	[simem:s7], [sflag:s8] =	dma.local @!p0 [hbm:s6], $0xF7A  }
0x23: {  	s9 =	sor.u32 $0xD0000000, s2;
	s6 =	simm.s32 $0x108;
	_ =	swait.ge @!p0 [sflag:s8], $0x0  }
0x24: {  	s3 =	sadd.s32 $0x88, s3;
	s6 =	simm.s32 @!p1 $0x1082;
	[sflag:s4] =	ssyncset.s32 $0xFFFFF086  }
0x25: {  	[simem:s6], [sflag:s4] =	dma.local [hbm:s3], $0xF7A  }
0x26: {  	[smem:$0x3F9D] =	sst s1;
	(tag) =	ssettag s2;
	_ =	strace s9  }
0x27: {  	s1 =	sld [smem:$0x3FAD]  }
0x28: {  	s2 =	sld [smem:$0x3FAE]  }
0x29: {  	s4 =	sld [smem:$0x3FB0]  }
0x2a: {  	p0 =	seq.s32 s5, $0x0;
	s5 =	sld [smem:$0x3FB1]  }
0x2b: {  	s6 =	sld [smem:$0x3FB2]  }
0x2c: {  	s7 =	sld [smem:$0x3FB3]  }
0x2d: {  	s3 =	simm.s32 $0x108;
	s8 =	sld [smem:$0x3FB4]  }
0x2e: {  	s3 =	simm.s32 @!p0 $0x1082;
	s9 =	sld [smem:$0x3FB5]  }
0x2f: {  	lr =	sadd.s32 s0, s3;
	s0 =	sld [smem:$0x3FAC]  }
0x30: {  	s3 =	sld [smem:$0x3FAF]  }
0x31: {  	[smem:$0x3FB8] =	sst s10  }
0x32: {  	s10 =	sld [smem:$0x3FB6];
	_ =	sdelay $0x3  }
0x33: {  	p0 =	seq.s32 s10, $0x1;
	s10 =	sld [smem:$0x3FB8];
	_ =	sdelay $0x3  }
0x34: {  	[smem:$0x3FB8] =	sst s10  }
0x35: {  	s10 =	sld [smem:$0x3FB7];
	_ =	sdelay $0x3  }
0x36: {  	p1 =	seq.s32 s10, $0x1;
	s10 =	sld [smem:$0x3FB8];
	_ =	sdelay $0x3  }
0x37: {  	[smem:$0x3FB8] =	sst s10  }
0x38: {  	s10 =	sld [smem:$0x3FB9]  }
0x39: {  	_ = 	snop;
	(pc) =	sbr.ind lr, $3  }
0x3a: {  	_ = 	snop  }
0x3b: {  	_ = 	snop  }
0x3c: {  	p2 =	seq.s32 s10, $0x1;
	s10 =	sld [smem:$0x3FB8]  }
0x3d: {  	_ =	shalt  }
0x3e: {  	_ =	shalt  }
0x3f: {  	_ =	shalt  }
0x40: {  	_ =	shalt  }
0x41: {  	_ =	shalt  }
0x42: {  	_ =	shalt  }
0x43: {  	_ =	shalt  }
0x44: {  	_ =	shalt  }
0x45: {  	_ =	shalt  }
0x46: {  	_ =	shalt  }
0x47: {  	_ =	shalt  }
0x48: {  	_ =	shalt  }
0x49: {  	_ =	shalt  }
0x4a: {  	_ =	shalt  }
0x4b: {  	_ =	shalt  }
0x4c: {  	_ =	shalt  }
0x4d: {  	_ =	shalt  }
0x4e: {  	_ =	shalt  }
0x4f: {  	_ =	shalt  }
0x50: {  	_ =	shalt  }
0x51: {  	_ =	shalt  }
0x52: {  	_ =	shalt  }
0x53: {  	_ =	shalt  }
0x54: {  	_ =	shalt  }
0x55: {  	_ =	shalt  }
0x56: {  	_ =	shalt  }
0x57: {  	_ =	shalt  }
0x58: {  	_ =	shalt  }
0x59: {  	_ =	shalt  }
0x5a: {  	_ =	shalt  }
0x5b: {  	_ =	shalt  }
0x5c: {  	_ =	shalt  }
0x5d: {  	_ =	shalt  }
0x5e: {  	_ =	shalt  }
0x5f: {  	_ =	shalt  }
0x60: {  	_ =	shalt  }
0x61: {  	_ =	shalt  }
0x62: {  	_ =	shalt  }
0x63: {  	_ =	shalt  }
0x64: {  	_ =	shalt  }
0x65: {  	_ =	shalt  }
0x66: {  	_ =	shalt  }
0x67: {  	_ =	shalt  }
0x68: {  	_ =	shalt  }
0x69: {  	_ =	shalt  }
0x6a: {  	_ =	shalt  }
0x6b: {  	_ =	shalt  }
0x6c: {  	_ =	shalt  }
0x6d: {  	_ =	shalt  }
0x6e: {  	_ =	shalt  }
0x6f: {  	_ =	shalt  }
0x70: {  	_ =	shalt  }
0x71: {  	_ =	shalt  }
0x72: {  	_ =	shalt  }
0x73: {  	_ =	shalt  }
0x74: {  	_ =	shalt  }
0x75: {  	_ =	shalt  }
0x76: {  	_ =	shalt  }
0x77: {  	_ =	shalt  }
0x78: {  	_ =	shalt  }
0x79: {  	_ =	shalt  }
0x7a: {  	_ =	shalt  }
0x7b: {  	_ =	shalt  }
0x7c: {  	_ =	shalt  }
0x7d: {  	_ =	shalt  }
0x7e: {  	_ =	shalt  }
0x7f: {  	_ =	shalt  }
0x80: {  	_ =	shalt  }
0x81: {  	_ =	shalt  }
0x82: {  	_ =	shalt  }
0x83: {  	_ =	shalt  }
0x84: {  	_ =	shalt  }
0x85: {  	_ =	shalt  }
0x86: {  	_ =	shalt  }
0x87: {  	_ =	shalt  }
.Lfunc_end0:
.L_simem_size_0:
called_computation.1_lowered:
.L_overlay_start_0:
0x88: {  	s2 =	sld [smem:$0x3FD9]  }
0x89: {  	s3 =	sld [smem:$0x3FFE];
	_ =	sdelay $0x1  }
0x8a: {  	s1 =	srdreg.scid  }
0x8b: {  	s0 =	sand.u32 $0x1, s1  }
0x8c: {  	s17 =	sshll.u32 s0, $0xA;
	s2 =	sadd.s32 s3, s2  }
0x8d: {  	s2 =	sadd.s32 s2, s17  }
0x8e: {  	[smem:$0x3FC4] =	sst s2  }
0x8f: {  	_ = 	snop  }
0x90: {  	(tm) =	ssettm $0x1  }
0x91: {  	s18 =	sld [smem:$0x3FFB];
	_ =	sdelay $0x3  }
0x92: {  	_ =	strace s18  }
0x93: {  	s2 =	sld [smem:$0x3FFC];
	_ =	sdelay $0x3  }
0x94: {  	_ =	strace s2  }
0x95: {  	s2 =	sld [smem:$0x3FFD];
	_ =	sdelay $0x3  }
0x96: {  	_ =	strace s2  }
0x97: {  	_ =	strace $0x8FFFFFFF  }
0x98: {  	s19 =	sld [smem:$0x3FDB];
	_ =	sdelay $0x1  }
0x99: {  	s20 =	simm.s32 $_scs_section_size  }
0x9a: {  	s4 =	simm.s32 $_size__tile_overlayer_lowered;
	s5 =	simm.s32 $_tile_overlayer_lowered  }
0x9b: {  	s6 =	simm.s32 $0x1BFF;
	s21 =	sshll.u32 s5, $0x1;
	s3 =	sadd.s32 s20, s19  }
0x9c: {  	s22 =	simm.s32 $0x0;
	s4 =	sshll.u32 s4, $0x1;
	s5 =	sadd.s32 s21, s3  }
0x9d: {  	[timem:s22], [sflag:s6] =	dma.local [hbm:s5], s4  }
0x9e: {  	_ =	swait.ge [sflag:s6], s4  }
0x9f: {  	s4 =	ssub.s32 $0x0, s4;
	[sflag:s6] =	ssyncset.done $0x0  }
0xa0: {  	[sflag:s6] =	ssyncadd.s32 s4;
	_ =	sdelay $0x1  }
0xa1: {  	s23 =	simm.s32 $0x1B8B  }
0xa2: {  	_ =	swait.ge [sflag:s23], $0x1  }
0xa3: {  	[sflag:s23] =	ssyncset.done $0x0  }
0xa4: {  	[sflag:s23] =	ssyncadd.s32 $0xFFFFFFFF  }
0xa5: {  	s4 =	sld [smem:$0x0]  }
0xa6: {  	s5 =	sand.u32 $0xFFFFFFFE, s1  }
0xa7: {  	p0 =	sne.s32 s1, s5  }
0xa8: {  	s5 =	sshll.u32 @p0 s5, $0xE  }
0xa9: {  	s5 =	sadd.s32 @p0 $0x11B8D, s5;
	s6 =	sshll.u32 @p0 s4, $0x11  }
0xaa: {  	s5 =	sor.u32 @p0 s6, s5  }
0xab: {  	[sflag:s5] =	ssyncadd.remote.s32 @p0 $0x1;
	_ =	sdelay $0x1  }
0xac: {  	s5 =	simm.s32 @p0 $0x1B8D  }
0xad: {  	_ =	swait.eq @p0 [sflag:s5], $0x1  }
0xae: {  	[sflag:s5] =	ssyncadd.s32 @p0 $0xFFFFFFFF  }
0xaf: {  	s6 =	sshll.u32 @!p0 s1, $0xE  }
0xb0: {  	s6 =	sor.u32 @!p0 $0x4000, s6;
	s5 =	simm.s32 @!p0 $0x1B8D  }
0xb1: {  	s4 =	sshll.u32 @!p0 s4, $0x11;
	s6 =	sadd.s32 @!p0 $0x11B8D, s6;
	_ =	swait.eq @!p0 [sflag:s5], $0x1  }
0xb2: {  	s4 =	sor.u32 @!p0 s4, s6;
	[sflag:s5] =	ssyncadd.s32 @!p0 $0xFFFFFFFF  }
0xb3: {  	s25 =	simm.s32 $0x1B8E;
	s24 =	sld [smem:$0x3FFE];
	[sflag:s4] =	ssyncadd.remote.s32 @!p0 $0x1  }
0xb4: {  	s26 =	simm.s32 $execute0_lowered;
	[smem:$0x3FD2] =	sst s25  }
0xb5: {  	s5 =	sshll.u32 s26, $0x1;
	_ =	strace $0x8000004C;
	[dreg:$0x1] =	wrdreg $0xFFFFFFFF  }
0xb6: {  	s28 =	simm.s32 $_size_execute0_lowered;
	s3 =	sadd.s32 s3, s5;
	[dreg:$0x0] =	wrdreg $0x0  }
0xb7: {  	s5 =	sshll.u32 s28, $0x1;
	[dreg:$0x2] =	wrdreg s3  }
0xb8: {  	[dreg:$0x3] =	wrdreg s5  }
0xb9: {  	[dreg:$0x4] =	wrdreg $0xC0  }
0xba: {  	_ =	task [dreg:s22], $0x5FFFF  }
0xbb: {  	[dreg:$0x1] =	wrdreg $0xFFFFFFFF  }
0xbc: {  	[dreg:$0x0] =	wrdreg $0x60  }
0xbd: {  	[dreg:$0x2] =	wrdreg s24  }
0xbe: {  	[dreg:$0x3] =	wrdreg $0xBA000  }
0xbf: {  	[dreg:$0x4] =	wrdreg $0x9  }
0xc0: {  	_ =	task.clear_ibuf [dreg:s22], $0x5FFFF;
	_ =	strace $0x9000004C  }
0xc1: {  	s29 =	simm.s32 $0x9;
	_ =	strace $0x8000004E  }
0xc2: {  	_ =	swait.ge [sflag:s29], $0x1  }
0xc3: {  	[sflag:s29] =	ssyncadd.s32 $0xFFFFFFFF  }
0xc4: {  	_ =	strace $0x9000004E  }
0xc5: {  	_ =	sfence  }
0xc6: {  	s30 =	sld [smem:$0x0];
	_ =	sdelay $0x2  }
0xc7: {  	s31 =	sshll.u32 s1, $0xD;
	s1 =	sshrl.u32 s1, $0x2  }
0xc8: {  	s4 =	sand.u32 $0x4000, s31;
	s1 =	sadd.s32 s1, s30  }
0xc9: {  	s0 =	sor.u32 s4, s0;
	s1 =	sshll.u32 s1, $0x11  }
0xca: {  	s0 =	sor.u32 s1, s0  }
0xcb: {  	s0 =	sadd.s32 $0x8F2B, s0  }
0xcc: {  	[sflag:s0] =	ssyncadd.remote.s32 $0x1  }
0xcd: {  	_ =	sfence.sel $0xFFFF  }
0xce: {  	[dreg:$0x0] =	wrdreg $0xFFFFFFFF;
	(pc) =	sbr.abs _section_cstart, $3  }
0xcf: {  	[dreg:$0x1] =	wrdreg $0xFFFFFFFF  }
0xd0: {  	_ =	task.clear_ibuf [dreg:s22], $0x2FFFF;
	_ =	strace $0x9FFFFFFF  }
0xd1: {  	(tm) =	ssettm $0x7FFFFFFF  }
tec
execute0_lowered:
.L_overlay_start_1:
0x0: {  	(tag) =	ssettag $0x1  }
0x1: {  	s0 =	rddreg [dreg:$0x0]  }
0x2: {  	s1 =	rddreg [dreg:$0x1];
	s2 =	srdreg.scid  }
0x3: {  	s3 =	simm.s32 $0x0;
	s11 =	stileid.u32;
	s28 =	simm.s32 $0x78  }
0x4: {  	s29 =	simm.s32 $0x200;
	s30 =	simm.s32 $0x3E00;
	s7 =	smul.u32 $0x14000, s11  }
0x5: {  	s31 =	simm.s32 $0x1;
	s2 =	sand.u32 $0x1, s2;
	s8 =	smul.u32 $0x50000, s11  }
0x6: {  	[smem:$0x7FF] =	sst s3;
	s4 =	sadd.s32 $0x16400, s0;
	s14 =	smul.u32 $0x2760, s11  }
0x7: {  	s5 =	sadd.s32 $0x2000, s0;
	s9 =	sadd.s32 $0x15C00, s0;
	s6 =	smul.u32 $0x140000, s2  }
0x8: {  	_ =	strace $0x8000004D;
	[dreg:$0x3] =	wrdreg s9;
	s20 =	sshll.u32 s2, $0x4  }
0x9: {  	s21 =	ssub.s32 $0x2, s2;
	s2 =	smul.u32 $0x27600, s2;
	s8 =	sshrl.u32 s8, $0x2  }
0xa: {  	s10 =	sshrl.u32 s21, $0x1;
	s7 =	sadd.s32 s7, s6;
	s6 =	sadd.s32 $0xBE00, s0  }
0xb: {  	s8 =	sadd.s32 s8, s1;
	s9 =	ssub.s32 s21, s10;
	s2 =	sadd.s32 s14, s2  }
0xc: {  	s7 =	sshrl.u32 s7, $0x3;
	s22 =	sadd.s32 $0x4000, s8;
	s23 =	sadd.s32 $0x8000, s8  }
0xd: {  	s24 =	sadd.s32 $0xC000, s8;
	s25 =	sadd.s32 $0x10000, s8;
	[dreg:$0x4] =	wrdreg s22  }
0xe: {  	s18 =	sadd.s32 $0x168, s2;
	s21 =	sadd.s32 $0xF0, s2;
	[dreg:$0x5] =	wrdreg s23  }
0xf: {  	s2 =	simm.s32 $0x0;
	s0 =	sadd.s32 s7, s0;
	[dreg:$0x6] =	wrdreg s24  }
0x10: {  	s7 =	sor.u32 s11, s20;
	[dreg:$0x7] =	wrdreg s25;
	s26 =	sshrl.u32 s18, $0x3  }
0x11: {  	s18 =	smax.u32 s9, $0x1;
	s22 =	simm.s32 $0x7A00;
	s23 =	simm.s32 $0x3  }
0x12: {  	s24 =	simm.s32 $0x100;
	s25 =	simm.s32 $0x80;
	s7 =	smul.u32 $0x2760, s7  }
0x13: {  	s17 =	sadd.s32 $0x106400, s0;
	s19 =	sadd.s32 s26, s6;
	s20 =	sadd.s32 s26, s5  }
0x14: {  	s26 =	simm.s32 $0x180;
	s15 =	sshrl.u32 s7, $0x3;
	s7 =	sadd.s32 $0x78, s7  }
0x15: {  	s0 =	simm.s32 $0x2;
	s13 =	sadd.s32 s5, s15;
	s7 =	sshrl.u32 s7, $0x3  }
0x16: {  	s14 =	sadd.s32 s6, s15;
	s15 =	sadd.s32 s5, s7;
	s16 =	sadd.s32 s6, s7  }
.LBB2_1:
0x17: {  	s7 =	rddreg [dreg:$0x3]  }
0x18: {  	[tilespmem:s22], [sflag:$0x3] =	stream.linear.gather [hbm4b:s7+s3], $0x4000, $0x38;
	[tilespmem:$0x1FA00] =	vst v63  }
0x19: {  	_ =	swait.ge [sflag:s23], $0x4000  }
0x1a: {  	[sflag:s23] =	ssyncset.done $0x0  }
0x1b: {  	[sflag:s23] =	ssyncadd.s32 $0xFFFFC000  }
0x1c: {  	[spmem:s8] =	stream.linear.scatter [tilespmem:s22], [sflag:$0x3], $0x4000, $0x38;
	[tilespmem:$0x1FA00] =	vst v63  }
0x1d: {  	_ =	swait.ge [sflag:s23], $0x4000  }
0x1e: {  	[sflag:s23] =	ssyncset.done $0x0  }
0x1f: {  	s10 =	rddreg [dreg:$0x4];
	[sflag:s23] =	ssyncadd.s32 $0xFFFFC000  }
0x20: {  	[spmem:s10] =	stream.linear.scatter [tilespmem:s22], [sflag:$0x3], $0x4000, $0x38;
	[tilespmem:$0x1FA00] =	vst v63  }
0x21: {  	_ =	swait.ge [sflag:s23], $0x4000  }
0x22: {  	[sflag:s23] =	ssyncset.done $0x0  }
0x23: {  	s11 =	rddreg [dreg:$0x5];
	[sflag:s23] =	ssyncadd.s32 $0xFFFFC000  }
0x24: {  	[spmem:s11] =	stream.linear.scatter [tilespmem:s22], [sflag:$0x3], $0x4000, $0x38;
	[tilespmem:$0x1FA00] =	vst v63  }
0x25: {  	_ =	swait.ge [sflag:s23], $0x4000  }
0x26: {  	[sflag:s23] =	ssyncset.done $0x0  }
0x27: {  	s12 =	rddreg [dreg:$0x6];
	[sflag:s23] =	ssyncadd.s32 $0xFFFFC000  }
0x28: {  	[spmem:s12] =	stream.linear.scatter [tilespmem:s22], [sflag:$0x3], $0x4000, $0x38;
	[tilespmem:$0x1FA00] =	vst v63  }
0x29: {  	_ =	swait.ge [sflag:s23], $0x4000  }
0x2a: {  	[sflag:s23] =	ssyncset.done $0x0  }
0x2b: {  	s9 =	rddreg [dreg:$0x7];
	[sflag:s23] =	ssyncadd.s32 $0xFFFFC000  }
0x2c: {  	[spmem:s9] =	stream.linear.scatter [tilespmem:s22], [sflag:$0x3], $0x4000, $0x38;
	[tilespmem:$0x1FA00] =	vst v63  }
0x2d: {  	_ =	swait.ge [sflag:s23], $0x4000  }
0x2e: {  	[sflag:s23] =	ssyncset.done $0x0  }
0x2f: {  	[sflag:s23] =	ssyncadd.s32 $0xFFFFC000  }
0x30: {  	[tilespmem:s3], [sflag:$0x3] =	stream.linear.gather [hbm4b:s13+s3], $0x78, $0x38;
	[tilespmem:$0x1FA00] =	vst v63  }
0x31: {  	_ =	swait.ge [sflag:s23], $0x78  }
0x32: {  	[sflag:s23] =	ssyncset.done $0x0  }
0x33: {  	[sflag:s23] =	ssyncadd.s32 $0xFFFFFF88  }
0x34: {  	[tilespmem:s24], [sflag:$0x3] =	stream.linear.gather [hbm4b:s14+s3], $0x78, $0x38;
	[tilespmem:$0x1FA00] =	vst v63  }
0x35: {  	_ =	swait.ge [sflag:s23], $0x78  }
0x36: {  	[sflag:s23] =	ssyncset.done $0x0  }
0x37: {  	[sflag:s23] =	ssyncadd.s32 $0xFFFFFF88  }
0x38: {  	[tilespmem:s25], [sflag:$0x3] =	stream.linear.gather [hbm4b:s15+s3], $0x78, $0x38;
	[tilespmem:$0x1FA00] =	vst v63  }
0x39: {  	_ =	swait.ge [sflag:s23], $0x78  }
0x3a: {  	[sflag:s23] =	ssyncset.done $0x0  }
0x3b: {  	[sflag:s23] =	ssyncadd.s32 $0xFFFFFF88  }
0x3c: {  	[tilespmem:s26], [sflag:$0x3] =	stream.linear.gather [hbm4b:s16+s3], $0x78, $0x38;
	[tilespmem:$0x1FA00] =	vst v63  }
0x3d: {  	_ =	swait.ge [sflag:s23], $0x78  }
0x3e: {  	[sflag:s23] =	ssyncset.done $0x0  }
0x3f: {  	[sflag:s23] =	ssyncadd.s32 $0xFFFFFF88  }
0x40: {  	[bflag:$0x0] =	sbarrier.arrive $0xFFFF  }
0x41: {  	[tilespmem:s29], [sflag:$0x1] =	stream.indirect.gather [hbm4b:s4+s28], $0x80, s3, s28, $0xb8;
	[tilespmem:$0x1FA00] =	vst v63  }
0x42: {  	_ = 	snop  }
0x43: {  	[tilespmem:s30], [sflag:$0x2] =	stream.indirect.gather [hbm4b:s4+s28], $0x80, s25, s28, $0xb8;
	[tilespmem:$0x1FA00] =	vst v63  }
0x44: {  	_ =	swait.ge [sflag:s31], $0x3C00  }
0x45: {  	[sflag:s31] =	ssyncset.done $0x0  }
0x46: {  	[sflag:s31] =	ssyncadd.s32 $0xFFFFC400  }
0x47: {  	[spmem:s1] =	stream.indirect.scatter.add.f32 [tilespmem:s29], [sflag:$0x3], $0x80, s24, s28, $0xb8;
	[tilespmem:$0x1FA00] =	vst v63  }
0x48: {  	_ =	swait.ge [sflag:s23], $0x3C00  }
0x49: {  	s10 =	sshrl.u32 s21, $0x3;
	[sflag:s23] =	ssyncset.done $0x0  }
0x4a: {  	s9 =	sadd.s32 s5, s10;
	[sflag:s23] =	ssyncadd.s32 $0xFFFFC400  }
0x4b: {  	[tilespmem:s3], [sflag:$0x3] =	stream.linear.gather [hbm4b:s9+s3], $0x78, $0x38;
	[tilespmem:$0x1FA00] =	vst v63  }
0x4c: {  	_ =	swait.ge [sflag:s23], $0x78  }
0x4d: {  	[sflag:s23] =	ssyncset.done $0x0  }
0x4e: {  	s7 =	sadd.s32 s6, s10;
	[sflag:s23] =	ssyncadd.s32 $0xFFFFFF88  }
0x4f: {  	[tilespmem:s24], [sflag:$0x3] =	stream.linear.gather [hbm4b:s7+s3], $0x78, $0x38;
	[tilespmem:$0x1FA00] =	vst v63  }
0x50: {  	_ =	swait.ge [sflag:s23], $0x78  }
0x51: {  	[sflag:s23] =	ssyncset.done $0x0  }
0x52: {  	[sflag:s23] =	ssyncadd.s32 $0xFFFFFF88  }
0x53: {  	[tilespmem:s29], [sflag:$0x1] =	stream.indirect.gather [hbm4b:s4+s28], $0x80, s3, s28, $0xb8;
	[tilespmem:$0x1FA00] =	vst v63  }
0x54: {  	_ =	swait.ge [sflag:s0], $0x3C00  }
0x55: {  	[sflag:s0] =	ssyncset.done $0x0  }
0x56: {  	[sflag:s0] =	ssyncadd.s32 $0xFFFFC400  }
0x57: {  	[spmem:s1] =	stream.indirect.scatter.add.f32 [tilespmem:s30], [sflag:$0x3], $0x80, s26, s28, $0xb8;
	[tilespmem:$0x1FA00] =	vst v63  }
0x58: {  	_ =	swait.ge [sflag:s23], $0x3C00  }
0x59: {  	[sflag:s23] =	ssyncset.done $0x0  }
0x5a: {  	s11 =	sadd.s32 $0x0, s20;
	[sflag:s23] =	ssyncadd.s32 $0xFFFFC400  }
0x5b: {  	[tilespmem:s25], [sflag:$0x3] =	stream.linear.gather [hbm4b:s11+s3], $0x78, $0x38;
	[tilespmem:$0x1FA00] =	vst v63  }
0x5c: {  	_ =	swait.ge [sflag:s23], $0x78  }
0x5d: {  	[sflag:s23] =	ssyncset.done $0x0  }
0x5e: {  	s12 =	sadd.s32 $0x0, s19;
	[sflag:s23] =	ssyncadd.s32 $0xFFFFFF88  }
0x5f: {  	[tilespmem:s26], [sflag:$0x3] =	stream.linear.gather [hbm4b:s12+s3], $0x78, $0x38;
	[tilespmem:$0x1FA00] =	vst v63  }
0x60: {  	_ =	swait.ge [sflag:s23], $0x78  }
0x61: {  	[sflag:s23] =	ssyncset.done $0x0  }
0x62: {  	s9 =	sadd.s32 $0xF0, s21;
	s7 =	simm.s32 $0x1E;
	[sflag:s23] =	ssyncadd.s32 $0xFFFFFF88  }
.LBB2_2:
0x63: {  	[tilespmem:s30], [sflag:$0x2] =	stream.indirect.gather [hbm4b:s4+s28], $0x80, s25, s28, $0xb8;
	[tilespmem:$0x1FA00] =	vst v63  }
0x64: {  	s10 =	smov.u32 s7  }
0x65: {  	p0 =	sne.s32 s7, $0x4B0;
	s7 =	sadd.s32 $0x1E, s7;
	_ =	swait.ge [sflag:s31], $0x3C00  }
0x66: {  	[sflag:s31] =	ssyncset.done $0x0  }
0x67: {  	[sflag:s31] =	ssyncadd.s32 $0xFFFFC400  }
0x68: {  	[spmem:s1] =	stream.indirect.scatter.add.f32 [tilespmem:s29], [sflag:$0x3], $0x80, s24, s28, $0xb8;
	[tilespmem:$0x1FA00] =	vst v63  }
0x69: {  	_ =	swait.ge [sflag:s23], $0x3C00  }
0x6a: {  	s11 =	sshrl.u32 s9, $0x3;
	[sflag:s23] =	ssyncset.done $0x0  }
0x6b: {  	s12 =	sadd.s32 s5, s11;
	[sflag:s23] =	ssyncadd.s32 $0xFFFFC400  }
0x6c: {  	[tilespmem:s3], [sflag:$0x3] =	stream.linear.gather [hbm4b:s12+s3], $0x78, $0x38;
	[tilespmem:$0x1FA00] =	vst v63  }
0x6d: {  	_ =	swait.ge [sflag:s23], $0x78  }
0x6e: {  	[sflag:s23] =	ssyncset.done $0x0  }
0x6f: {  	s11 =	sadd.s32 s6, s11;
	[sflag:s23] =	ssyncadd.s32 $0xFFFFFF88  }
0x70: {  	[tilespmem:s24], [sflag:$0x3] =	stream.linear.gather [hbm4b:s11+s3], $0x78, $0x38;
	[tilespmem:$0x1FA00] =	vst v63  }
0x71: {  	_ =	swait.ge [sflag:s23], $0x78  }
0x72: {  	[sflag:s23] =	ssyncset.done $0x0  }
0x73: {  	[sflag:s23] =	ssyncadd.s32 $0xFFFFFF88  }
0x74: {  	[tilespmem:s29], [sflag:$0x1] =	stream.indirect.gather [hbm4b:s4+s28], $0x80, s3, s28, $0xb8;
	[tilespmem:$0x1FA00] =	vst v63  }
0x75: {  	_ =	swait.ge [sflag:s0], $0x3C00  }
0x76: {  	[sflag:s0] =	ssyncset.done $0x0  }
0x77: {  	[sflag:s0] =	ssyncadd.s32 $0xFFFFC400  }
0x78: {  	[spmem:s1] =	stream.indirect.scatter.add.f32 [tilespmem:s30], [sflag:$0x3], $0x80, s26, s28, $0xb8;
	[tilespmem:$0x1FA00] =	vst v63  }
0x79: {  	_ =	swait.ge [sflag:s23], $0x3C00  }
0x7a: {  	[sflag:s23] =	ssyncset.done $0x0  }
0x7b: {  	s11 =	sadd.s32 s10, s20;
	[sflag:s23] =	ssyncadd.s32 $0xFFFFC400  }
0x7c: {  	[tilespmem:s25], [sflag:$0x3] =	stream.linear.gather [hbm4b:s11+s3], $0x78, $0x38;
	[tilespmem:$0x1FA00] =	vst v63  }
0x7d: {  	_ =	swait.ge [sflag:s23], $0x78  }
0x7e: {  	[sflag:s23] =	ssyncset.done $0x0  }
.Ltmp0:
0x7f: {  	s10 =	sadd.s32 s10, s19;
	[sflag:s23] =	ssyncadd.s32 $0xFFFFFF88;
	(pc) =	sbr.rel @p0 .LBB2_2-.Ltmp0, $4  }
0x80: {  	[tilespmem:s26], [sflag:$0x3] =	stream.linear.gather [hbm4b:s10+s3], $0x78, $0x38;
	[tilespmem:$0x1FA00] =	vst v63  }
0x81: {  	_ =	swait.ge [sflag:s23], $0x78  }
0x82: {  	[sflag:s23] =	ssyncset.done $0x0  }
0x83: {  	s9 =	sadd.s32 $0xF0, s9;
	[sflag:s23] =	ssyncadd.s32 $0xFFFFFF88  }
0x84: {  	[tilespmem:s30], [sflag:$0x2] =	stream.indirect.gather [hbm4b:s4+s28], $0x80, s25, s28, $0xb8;
	[tilespmem:$0x1FA00] =	vst v63  }
0x85: {  	_ =	swait.ge [sflag:s31], $0x3C00  }
0x86: {  	[sflag:s31] =	ssyncset.done $0x0  }
0x87: {  	[sflag:s31] =	ssyncadd.s32 $0xFFFFC400  }
0x88: {  	[spmem:s1] =	stream.indirect.scatter.add.f32 [tilespmem:s29], [sflag:$0x3], $0x80, s24, s28, $0xb8;
	[tilespmem:$0x1FA00] =	vst v63  }
0x89: {  	_ =	swait.ge [sflag:s23], $0x3C00  }
0x8a: {  	[sflag:s23] =	ssyncset.done $0x0  }
0x8b: {  	[sflag:s23] =	ssyncadd.s32 $0xFFFFC400  }
0x8c: {  	_ =	swait.ge [sflag:s0], $0x3C00  }
0x8d: {  	[sflag:s0] =	ssyncset.done $0x0  }
0x8e: {  	[sflag:s0] =	ssyncadd.s32 $0xFFFFC400  }
0x8f: {  	[spmem:s1] =	stream.indirect.scatter.add.f32 [tilespmem:s30], [sflag:$0x3], $0x80, s26, s28, $0xb8;
	[tilespmem:$0x1FA00] =	vst v63  }
0x90: {  	s7 =	stileid.u32;
	_ =	swait.ge [sflag:s23], $0x3C00  }
0x91: {  	s9 =	sshrl.u32 s8, $0x3;
	s2 =	sadd.s32 $0x1, s2;
	[sflag:s23] =	ssyncset.done $0x0  }
0x92: {  	s7 =	sshll.u32 s7, $0x6;
	p0 =	sne.s32 s2, s18;
	[sflag:s23] =	ssyncadd.s32 $0xFFFFC400  }
.Ltmp1:
0x93: {  	s7 =	sor.u32 $0x1C03, s7;
	[bflag:$0x0] =	sbarrier.arrive $0xFFFF;
	(pc) =	sbr.rel @p0 .LBB2_1-.Ltmp1, $4  }
0x94: {  	[hbm:s17], [sflag:s7] =	dma.local [spmem:s9], $0x2800  }
0x95: {  	_ =	swait.ge [sflag:s23], $0x2800  }
0x96: {  	[sflag:s23] =	ssyncset.done $0x0  }
0x97: {  	[sflag:s23] =	ssyncadd.s32 $0xFFFFD800  }
0x98: {  	_ =	sfence.sel $0x180000  }
0x99: {  	[bflag:$0x0] =	sbarrier.arrive $0xFFFF  }
0x9a: {  	_ =	strace $0x9000004D  }
0x9b: {  	s0 =	stileid.u32;
	[bflag:$0x2] =	sbarrier.arrive $0xFFFF  }
0x9c: {  	p0 =	sne.s32 s0, $0x0;
	s0 =	rddreg [dreg:$0x2]  }
0x9d: {  	s0 =	sadd.s32 @!p0 $0x100000, s0  }
0x9e: {  	[sflag:s0] =	ssyncadd.tile.s32 @!p0 $0x1;
	_ =	shalt  }
.Lfunc_end2:
_tile_overlayer_lowered:
.L_overlay_start_2:
0x9f: {  	(tag) =	ssettag $0x2  }
0xa0: {  	s0 =	rddreg [dreg:$0x0];
	s2 =	stileid.u32  }
0xa1: {  	s1 =	rddreg [dreg:$0x1];
	p0 =	sne.s32 s2, $0x0  }
0xa2: {  	s3 =	rddreg [dreg:$0x2];
	[bflag:$0x3] =	sbarrier.arrive $0xFFFF;
	s2 =	simm.s32 @!p0 $0x1C03  }
0xa3: {  	[timem:s3], [sflag:s2] =	dma.local @!p0 [hbm:s0], s1  }
0xa4: {  	s0 =	simm.s32 @!p0 $0x3  }
0xa5: {  	_ =	swait.ge @!p0 [sflag:s0], s1  }
0xa6: {  	s1 =	ssub.s32 @!p0 $0x0, s1;
	[sflag:s0] =	ssyncset.done @!p0 $0x0  }
0xa7: {  	[sflag:s0] =	ssyncadd.s32 @!p0 s1  }
0xa8: {  	[bflag:$0x3] =	sbarrier.arrive $0xFFFF  }
0xa9: {  	_ =	shalt  }

// kernel: kernel.14.cloned.1.call-start
scs
__scs_entry_jumppad:
0x0: {  	(pc) =	sbr.rel $0x88, $3  }
0x1: {  	(tag) =	ssettag $0x0;
	lr =	simm.s32 $0x1  }
0x2: {  	[smem:$0x3F9D] =	sst lr;
	_ =	strace $0xD0000000  }
0x3: {  	_ = 	snop  }
0x4: {  	_ = 	snop  }
0x5: {  	_ = 	snop  }
0x6: {  	_ = 	snop  }
0x7: {  	_ = 	snop  }
__scs_overlays_trampoline_lowered:
0x8: {  	[smem:$0x3FAC] =	sst s0  }
0x9: {  	[smem:$0x3FAD] =	sst s1  }
0xa: {  	[smem:$0x3FAE] =	sst s2  }
0xb: {  	[smem:$0x3FAF] =	sst s3  }
0xc: {  	[smem:$0x3FB0] =	sst s4  }
0xd: {  	[smem:$0x3FB1] =	sst s5  }
0xe: {  	[smem:$0x3FB2] =	sst s6  }
0xf: {  	[smem:$0x3FB3] =	sst s7  }
0x10: {  	[smem:$0x3FB4] =	sst s8  }
0x11: {  	[smem:$0x3FB5] =	sst s9;
	s0 =	simm.s32 @!p0 $0x0  }
0x12: {  	s1 =	sld [smem:$0x3F9B];
	s0 =	simm.s32 @p0 $0x1  }
0x13: {  	[smem:$0x3FB6] =	sst s0;
	s0 =	simm.s32 @!p1 $0x0  }
0x14: {  	s2 =	sld [smem:$0x3F9A];
	s0 =	simm.s32 @p1 $0x1  }
0x15: {  	[smem:$0x3FB7] =	sst s0;
	s0 =	simm.s32 @!p2 $0x0  }
0x16: {  	s3 =	sld [smem:$0x3FDB];
	s0 =	simm.s32 @p2 $0x1  }
0x17: {  	s4 =	simm.s32 $0x1BF5;
	[smem:$0x3FB9] =	sst s0  }
0x18: {  	s0 =	sld [smem:$0x3F9C];
	_ =	swait.ge [sflag:s4], $0x0  }
0x19: {  	s7 =	sld [smem:$0x3F9D]  }
0x1a: {  	s8 =	sadd.s32 $0xFFFFE003, lr  }
0x1b: {  	s9 =	sadd.s32 $0xFFFFFEF7, lr;
	s5 =	simm.s32 $0xFFFFFFFF;
	p2 =	slt.u32 s8, $0xFFFFF086  }
0x1c: {  	p1 =	slt.u32 s9, $0xF7A;
	s5 =	simm.s32 @!p2 $0x0  }
0x1d: {  	s5 =	simm.s32 @p1 $0x1;
	p0 =	seq.s32 s7, s2  }
0x1e: {  	s7 =	smul.u32 @!p0 $0xF7A, s2;
	p2 =	seq.s32 @!p0 s5, $0x0  }
0x1f: {  	s9 =	smul.u32 $0xF7A, s1;
	s8 =	simm.s32 @!p0 $0x1BF5;
	p2 =	por !p2, p0  }
0x20: {  	[sflag:s8] =	ssyncset.s32 @!p0 $0xFFFFF086;
	s6 =	sadd.s32 @!p0 s3, s7;
	s7 =	simm.s32 @!p0 $0x108  }
0x21: {  	s3 =	sadd.s32 s3, s9;
	s6 =	sadd.s32 @!p0 $0x88, s6;
	s7 =	simm.s32 @p2 $0x1082  }
0x22: {  	[simem:s7], [sflag:s8] =	dma.local @!p0 [hbm:s6], $0xF7A  }
0x23: {  	s9 =	sor.u32 $0xD0000000, s2;
	s6 =	simm.s32 $0x108;
	_ =	swait.ge @!p0 [sflag:s8], $0x0  }
0x24: {  	s3 =	sadd.s32 $0x88, s3;
	s6 =	simm.s32 @!p1 $0x1082;
	[sflag:s4] =	ssyncset.s32 $0xFFFFF086  }
0x25: {  	[simem:s6], [sflag:s4] =	dma.local [hbm:s3], $0xF7A  }
0x26: {  	[smem:$0x3F9D] =	sst s1;
	(tag) =	ssettag s2;
	_ =	strace s9  }
0x27: {  	s1 =	sld [smem:$0x3FAD]  }
0x28: {  	s2 =	sld [smem:$0x3FAE]  }
0x29: {  	s4 =	sld [smem:$0x3FB0]  }
0x2a: {  	p0 =	seq.s32 s5, $0x0;
	s5 =	sld [smem:$0x3FB1]  }
0x2b: {  	s6 =	sld [smem:$0x3FB2]  }
0x2c: {  	s7 =	sld [smem:$0x3FB3]  }
0x2d: {  	s3 =	simm.s32 $0x108;
	s8 =	sld [smem:$0x3FB4]  }
0x2e: {  	s3 =	simm.s32 @!p0 $0x1082;
	s9 =	sld [smem:$0x3FB5]  }
0x2f: {  	lr =	sadd.s32 s0, s3;
	s0 =	sld [smem:$0x3FAC]  }
0x30: {  	s3 =	sld [smem:$0x3FAF]  }
0x31: {  	[smem:$0x3FB8] =	sst s10  }
0x32: {  	s10 =	sld [smem:$0x3FB6];
	_ =	sdelay $0x3  }
0x33: {  	p0 =	seq.s32 s10, $0x1;
	s10 =	sld [smem:$0x3FB8];
	_ =	sdelay $0x3  }
0x34: {  	[smem:$0x3FB8] =	sst s10  }
0x35: {  	s10 =	sld [smem:$0x3FB7];
	_ =	sdelay $0x3  }
0x36: {  	p1 =	seq.s32 s10, $0x1;
	s10 =	sld [smem:$0x3FB8];
	_ =	sdelay $0x3  }
0x37: {  	[smem:$0x3FB8] =	sst s10  }
0x38: {  	s10 =	sld [smem:$0x3FB9]  }
0x39: {  	_ = 	snop;
	(pc) =	sbr.ind lr, $3  }
0x3a: {  	_ = 	snop  }
0x3b: {  	_ = 	snop  }
0x3c: {  	p2 =	seq.s32 s10, $0x1;
	s10 =	sld [smem:$0x3FB8]  }
0x3d: {  	_ =	shalt  }
0x3e: {  	_ =	shalt  }
0x3f: {  	_ =	shalt  }
0x40: {  	_ =	shalt  }
0x41: {  	_ =	shalt  }
0x42: {  	_ =	shalt  }
0x43: {  	_ =	shalt  }
0x44: {  	_ =	shalt  }
0x45: {  	_ =	shalt  }
0x46: {  	_ =	shalt  }
0x47: {  	_ =	shalt  }
0x48: {  	_ =	shalt  }
0x49: {  	_ =	shalt  }
0x4a: {  	_ =	shalt  }
0x4b: {  	_ =	shalt  }
0x4c: {  	_ =	shalt  }
0x4d: {  	_ =	shalt  }
0x4e: {  	_ =	shalt  }
0x4f: {  	_ =	shalt  }
0x50: {  	_ =	shalt  }
0x51: {  	_ =	shalt  }
0x52: {  	_ =	shalt  }
0x53: {  	_ =	shalt  }
0x54: {  	_ =	shalt  }
0x55: {  	_ =	shalt  }
0x56: {  	_ =	shalt  }
0x57: {  	_ =	shalt  }
0x58: {  	_ =	shalt  }
0x59: {  	_ =	shalt  }
0x5a: {  	_ =	shalt  }
0x5b: {  	_ =	shalt  }
0x5c: {  	_ =	shalt  }
0x5d: {  	_ =	shalt  }
0x5e: {  	_ =	shalt  }
0x5f: {  	_ =	shalt  }
0x60: {  	_ =	shalt  }
0x61: {  	_ =	shalt  }
0x62: {  	_ =	shalt  }
0x63: {  	_ =	shalt  }
0x64: {  	_ =	shalt  }
0x65: {  	_ =	shalt  }
0x66: {  	_ =	shalt  }
0x67: {  	_ =	shalt  }
0x68: {  	_ =	shalt  }
0x69: {  	_ =	shalt  }
0x6a: {  	_ =	shalt  }
0x6b: {  	_ =	shalt  }
0x6c: {  	_ =	shalt  }
0x6d: {  	_ =	shalt  }
0x6e: {  	_ =	shalt  }
0x6f: {  	_ =	shalt  }
0x70: {  	_ =	shalt  }
0x71: {  	_ =	shalt  }
0x72: {  	_ =	shalt  }
0x73: {  	_ =	shalt  }
0x74: {  	_ =	shalt  }
0x75: {  	_ =	shalt  }
0x76: {  	_ =	shalt  }
0x77: {  	_ =	shalt  }
0x78: {  	_ =	shalt  }
0x79: {  	_ =	shalt  }
0x7a: {  	_ =	shalt  }
0x7b: {  	_ =	shalt  }
0x7c: {  	_ =	shalt  }
0x7d: {  	_ =	shalt  }
0x7e: {  	_ =	shalt  }
0x7f: {  	_ =	shalt  }
0x80: {  	_ =	shalt  }
0x81: {  	_ =	shalt  }
0x82: {  	_ =	shalt  }
0x83: {  	_ =	shalt  }
0x84: {  	_ =	shalt  }
0x85: {  	_ =	shalt  }
0x86: {  	_ =	shalt  }
0x87: {  	_ =	shalt  }
.Lfunc_end0:
.L_simem_size_0:
called_computation.2_lowered:
.L_overlay_start_0:
0x88: {  	s2 =	sld [smem:$0x3FD9]  }
0x89: {  	s3 =	sld [smem:$0x3FFE];
	_ =	sdelay $0x1  }
0x8a: {  	s1 =	srdreg.scid  }
0x8b: {  	s0 =	sand.u32 $0x1, s1  }
0x8c: {  	s17 =	sshll.u32 s0, $0xA;
	s2 =	sadd.s32 s3, s2  }
0x8d: {  	s2 =	sadd.s32 s2, s17  }
0x8e: {  	[smem:$0x3FC4] =	sst s2  }
0x8f: {  	_ = 	snop  }
0x90: {  	s18 =	sld [smem:$0x3FD0];
	(tm) =	ssettm $0x1  }
0x91: {  	s19 =	sld [smem:$0x3FFB];
	_ =	sdelay $0x3  }
0x92: {  	_ =	strace s19  }
0x93: {  	s2 =	sld [smem:$0x3FFC];
	_ =	sdelay $0x3  }
0x94: {  	_ =	strace s2  }
0x95: {  	s2 =	sld [smem:$0x3FFD];
	_ =	sdelay $0x3  }
0x96: {  	_ =	strace s2  }
0x97: {  	_ =	strace $0x8FFFFFFF  }
0x98: {  	s20 =	sld [smem:$0x3FDB];
	_ =	sdelay $0x1  }
0x99: {  	s4 =	simm.s32 $_scs_section_size  }
0x9a: {  	s5 =	simm.s32 $_size__tile_overlayer_lowered;
	s6 =	simm.s32 $_tile_overlayer_lowered  }
0x9b: {  	s7 =	simm.s32 $0x1BFF;
	s21 =	sshll.u32 s6, $0x1;
	s4 =	sadd.s32 s4, s20  }
0x9c: {  	s22 =	simm.s32 $0x0;
	s5 =	sshll.u32 s5, $0x1;
	s6 =	sadd.s32 s21, s4  }
0x9d: {  	[timem:s22], [sflag:s7] =	dma.local [hbm:s6], s5  }
0x9e: {  	_ =	swait.ge [sflag:s7], s5  }
0x9f: {  	s5 =	ssub.s32 $0x0, s5;
	[sflag:s7] =	ssyncset.done $0x0  }
0xa0: {  	[sflag:s7] =	ssyncadd.s32 s5;
	_ =	sdelay $0x1  }
0xa1: {  	s23 =	simm.s32 $0x1B8B  }
0xa2: {  	_ =	swait.ge [sflag:s23], $0x1  }
0xa3: {  	[sflag:s23] =	ssyncset.done $0x0  }
0xa4: {  	[sflag:s23] =	ssyncadd.s32 $0xFFFFFFFF  }
0xa5: {  	s5 =	sld [smem:$0x0]  }
0xa6: {  	s6 =	sand.u32 $0xFFFFFFFE, s1  }
0xa7: {  	p0 =	sne.s32 s1, s6  }
0xa8: {  	s6 =	sshll.u32 @p0 s6, $0xE  }
0xa9: {  	s6 =	sadd.s32 @p0 $0x11B8D, s6;
	s7 =	sshll.u32 @p0 s5, $0x11  }
0xaa: {  	s6 =	sor.u32 @p0 s7, s6  }
0xab: {  	[sflag:s6] =	ssyncadd.remote.s32 @p0 $0x1;
	_ =	sdelay $0x1  }
0xac: {  	s6 =	simm.s32 @p0 $0x1B8D  }
0xad: {  	_ =	swait.eq @p0 [sflag:s6], $0x1  }
0xae: {  	[sflag:s6] =	ssyncadd.s32 @p0 $0xFFFFFFFF  }
0xaf: {  	s7 =	sshll.u32 @!p0 s1, $0xE  }
0xb0: {  	s7 =	sor.u32 @!p0 $0x4000, s7;
	s6 =	simm.s32 @!p0 $0x1B8D  }
0xb1: {  	s5 =	sshll.u32 @!p0 s5, $0x11;
	s7 =	sadd.s32 @!p0 $0x11B8D, s7;
	_ =	swait.eq @!p0 [sflag:s6], $0x1  }
0xb2: {  	s5 =	sor.u32 @!p0 s5, s7;
	[sflag:s6] =	ssyncadd.s32 @!p0 $0xFFFFFFFF  }
0xb3: {  	s25 =	simm.s32 $0x1B8E;
	s24 =	sld [smem:$0x3FFE];
	[sflag:s5] =	ssyncadd.remote.s32 @!p0 $0x1  }
0xb4: {  	s26 =	simm.s32 $execute0_lowered;
	[smem:$0x3FD2] =	sst s25  }
0xb5: {  	s6 =	sshll.u32 s26, $0x1;
	_ =	strace $0x80000049;
	[dreg:$0x1] =	wrdreg $0xFFFFFFFF  }
0xb6: {  	s28 =	simm.s32 $_size_execute0_lowered;
	s4 =	sadd.s32 s4, s6;
	[dreg:$0x0] =	wrdreg $0x0  }
0xb7: {  	s6 =	sshll.u32 s28, $0x1;
	[dreg:$0x2] =	wrdreg s4  }
0xb8: {  	[dreg:$0x3] =	wrdreg s6  }
0xb9: {  	[dreg:$0x4] =	wrdreg $0xC0  }
0xba: {  	_ =	task [dreg:s22], $0x5FFFF  }
0xbb: {  	[dreg:$0x1] =	wrdreg $0xFFFFFFFF  }
0xbc: {  	[dreg:$0x0] =	wrdreg $0x60  }
0xbd: {  	[dreg:$0x2] =	wrdreg s24  }
0xbe: {  	[dreg:$0x3] =	wrdreg s18  }
0xbf: {  	[dreg:$0x4] =	wrdreg $0xBA000  }
0xc0: {  	[dreg:$0x5] =	wrdreg $0xB  }
0xc1: {  	_ =	task.clear_ibuf [dreg:s22], $0x6FFFF;
	_ =	strace $0x90000049  }
0xc2: {  	s29 =	simm.s32 $0xB;
	_ =	strace $0x8000004B  }
0xc3: {  	_ =	swait.ge [sflag:s29], $0x1  }
0xc4: {  	[sflag:s29] =	ssyncadd.s32 $0xFFFFFFFF  }
0xc5: {  	_ =	strace $0x9000004B  }
0xc6: {  	_ =	sfence  }
0xc7: {  	s30 =	sld [smem:$0x0];
	_ =	sdelay $0x2  }
0xc8: {  	s31 =	sshll.u32 s1, $0xD;
	s1 =	sshrl.u32 s1, $0x2  }
0xc9: {  	s4 =	sand.u32 $0x4000, s31;
	s1 =	sadd.s32 s1, s30  }
0xca: {  	s0 =	sor.u32 s4, s0;
	s1 =	sshll.u32 s1, $0x11  }
0xcb: {  	s0 =	sor.u32 s1, s0  }
0xcc: {  	s0 =	sadd.s32 $0x8F2B, s0  }
0xcd: {  	[sflag:s0] =	ssyncadd.remote.s32 $0x1  }
0xce: {  	_ =	sfence.sel $0xFFFF  }
0xcf: {  	[dreg:$0x0] =	wrdreg $0xFFFFFFFF;
	(pc) =	sbr.abs _section_cstart, $3  }
0xd0: {  	[dreg:$0x1] =	wrdreg $0xFFFFFFFF  }
0xd1: {  	_ =	task.clear_ibuf [dreg:s22], $0x2FFFF;
	_ =	strace $0x9FFFFFFF  }
0xd2: {  	(tm) =	ssettm $0x7FFFFFFF  }
0xd3: {  	_ =	shalt  }
tec
execute0_lowered:
.L_overlay_start_1:
0x0: {  	(tag) =	ssettag $0x1  }
0x1: {  	s0 =	rddreg [dreg:$0x0]  }
0x2: {  	s2 =	rddreg [dreg:$0x1];
	s1 =	srdreg.scid  }
0x3: {  	s3 =	rddreg [dreg:$0x2];
	s11 =	stileid.u32;
	s4 =	simm.s32 $0x0  }
0x4: {  	s28 =	simm.s32 $0x78;
	s29 =	simm.s32 $0x200;
	s7 =	smul.u32 $0x14000, s11  }
0x5: {  	s30 =	simm.s32 $0x3E00;
	s31 =	simm.s32 $0x1;
	s8 =	smul.u32 $0x50000, s11  }
0x6: {  	s1 =	sand.u32 $0x1, s1;
	[smem:$0x7FF] =	sst s4;
	s14 =	smul.u32 $0x2760, s11  }
0x7: {  	s5 =	sadd.s32 $0x8E400, s0;
	s9 =	sadd.s32 $0x15C00, s0;
	s6 =	smul.u32 $0x140000, s1  }
0x8: {  	_ =	strace $0x8000004A;
	[dreg:$0x4] =	wrdreg s9;
	s20 =	sshll.u32 s1, $0x4  }
0x9: {  	s21 =	ssub.s32 $0x2, s1;
	s1 =	smul.u32 $0x27600, s1;
	s8 =	sshrl.u32 s8, $0x2  }
0xa: {  	s10 =	sshrl.u32 s21, $0x1;
	s7 =	sadd.s32 s7, s6;
	s6 =	sadd.s32 $0xBE00, s0  }
0xb: {  	s8 =	sadd.s32 s8, s3;
	s9 =	ssub.s32 s21, s10;
	s1 =	sadd.s32 s14, s1  }
0xc: {  	s7 =	sshrl.u32 s7, $0x3;
	s22 =	sadd.s32 $0x4000, s8;
	s23 =	sadd.s32 $0x8000, s8  }
0xd: {  	s24 =	sadd.s32 $0xC000, s8;
	s25 =	sadd.s32 $0x10000, s8;
	[dreg:$0x5] =	wrdreg s22  }
0xe: {  	s18 =	sadd.s32 $0x168, s1;
	s21 =	sadd.s32 $0xF0, s1;
	[dreg:$0x6] =	wrdreg s23  }
0xf: {  	s1 =	simm.s32 $0x0;
	s0 =	sadd.s32 s7, s0;
	[dreg:$0x7] =	wrdreg s24  }
0x10: {  	s7 =	sor.u32 s11, s20;
	[dreg:$0x8] =	wrdreg s25;
	s26 =	sshrl.u32 s18, $0x3  }
0x11: {  	s18 =	smax.u32 s9, $0x1;
	s22 =	simm.s32 $0x7A00;
	s23 =	simm.s32 $0x3  }
0x12: {  	s24 =	simm.s32 $0x100;
	s25 =	simm.s32 $0x80;
	s7 =	smul.u32 $0x2760, s7  }
0x13: {  	s17 =	sadd.s32 $0xB6400, s0;
	s19 =	sadd.s32 s26, s2;
	s20 =	sadd.s32 s26, s6  }
0x14: {  	s26 =	simm.s32 $0x180;
	s15 =	sshrl.u32 s7, $0x3;
	s7 =	sadd.s32 $0x78, s7  }
0x15: {  	s0 =	simm.s32 $0x2;
	s13 =	sadd.s32 s6, s15;
	s7 =	sshrl.u32 s7, $0x3  }
0x16: {  	s14 =	sadd.s32 s2, s15;
	s15 =	sadd.s32 s6, s7;
	s16 =	sadd.s32 s2, s7  }
.LBB2_1:
0x17: {  	s7 =	rddreg [dreg:$0x4]  }
0x18: {  	[tilespmem:s22], [sflag:$0x3] =	stream.linear.gather [hbm4b:s7+s4], $0x4000, $0x38;
	[tilespmem:$0x1FA00] =	vst v63  }
0x19: {  	_ =	swait.ge [sflag:s23], $0x4000  }
0x1a: {  	[sflag:s23] =	ssyncset.done $0x0  }
0x1b: {  	[sflag:s23] =	ssyncadd.s32 $0xFFFFC000  }
0x1c: {  	[spmem:s8] =	stream.linear.scatter [tilespmem:s22], [sflag:$0x3], $0x4000, $0x38;
	[tilespmem:$0x1FA00] =	vst v63  }
0x1d: {  	_ =	swait.ge [sflag:s23], $0x4000  }
0x1e: {  	[sflag:s23] =	ssyncset.done $0x0  }
0x1f: {  	s10 =	rddreg [dreg:$0x5];
	[sflag:s23] =	ssyncadd.s32 $0xFFFFC000  }
0x20: {  	[spmem:s10] =	stream.linear.scatter [tilespmem:s22], [sflag:$0x3], $0x4000, $0x38;
	[tilespmem:$0x1FA00] =	vst v63  }
0x21: {  	_ =	swait.ge [sflag:s23], $0x4000  }
0x22: {  	[sflag:s23] =	ssyncset.done $0x0  }
0x23: {  	s11 =	rddreg [dreg:$0x6];
	[sflag:s23] =	ssyncadd.s32 $0xFFFFC000  }
0x24: {  	[spmem:s11] =	stream.linear.scatter [tilespmem:s22], [sflag:$0x3], $0x4000, $0x38;
	[tilespmem:$0x1FA00] =	vst v63  }
0x25: {  	_ =	swait.ge [sflag:s23], $0x4000  }
0x26: {  	[sflag:s23] =	ssyncset.done $0x0  }
0x27: {  	s12 =	rddreg [dreg:$0x7];
	[sflag:s23] =	ssyncadd.s32 $0xFFFFC000  }
0x28: {  	[spmem:s12] =	stream.linear.scatter [tilespmem:s22], [sflag:$0x3], $0x4000, $0x38;
	[tilespmem:$0x1FA00] =	vst v63  }
0x29: {  	_ =	swait.ge [sflag:s23], $0x4000  }
0x2a: {  	[sflag:s23] =	ssyncset.done $0x0  }
0x2b: {  	s9 =	rddreg [dreg:$0x8];
	[sflag:s23] =	ssyncadd.s32 $0xFFFFC000  }
0x2c: {  	[spmem:s9] =	stream.linear.scatter [tilespmem:s22], [sflag:$0x3], $0x4000, $0x38;
	[tilespmem:$0x1FA00] =	vst v63  }
0x2d: {  	_ =	swait.ge [sflag:s23], $0x4000  }
0x2e: {  	[sflag:s23] =	ssyncset.done $0x0  }
0x2f: {  	[sflag:s23] =	ssyncadd.s32 $0xFFFFC000  }
0x30: {  	[tilespmem:s4], [sflag:$0x3] =	stream.linear.gather [hbm4b:s13+s4], $0x78, $0x38;
	[tilespmem:$0x1FA00] =	vst v63  }
0x31: {  	_ =	swait.ge [sflag:s23], $0x78  }
0x32: {  	[sflag:s23] =	ssyncset.done $0x0  }
0x33: {  	[sflag:s23] =	ssyncadd.s32 $0xFFFFFF88  }
0x34: {  	[tilespmem:s24], [sflag:$0x3] =	stream.linear.gather [hbm4b:s14+s4], $0x78, $0x38;
	[tilespmem:$0x1FA00] =	vst v63  }
0x35: {  	_ =	swait.ge [sflag:s23], $0x78  }
0x36: {  	[sflag:s23] =	ssyncset.done $0x0  }
0x37: {  	[sflag:s23] =	ssyncadd.s32 $0xFFFFFF88  }
0x38: {  	[tilespmem:s25], [sflag:$0x3] =	stream.linear.gather [hbm4b:s15+s4], $0x78, $0x38;
	[tilespmem:$0x1FA00] =	vst v63  }
0x39: {  	_ =	swait.ge [sflag:s23], $0x78  }
0x3a: {  	[sflag:s23] =	ssyncset.done $0x0  }
0x3b: {  	[sflag:s23] =	ssyncadd.s32 $0xFFFFFF88  }
0x3c: {  	[tilespmem:s26], [sflag:$0x3] =	stream.linear.gather [hbm4b:s16+s4], $0x78, $0x38;
	[tilespmem:$0x1FA00] =	vst v63  }
0x3d: {  	_ =	swait.ge [sflag:s23], $0x78  }
0x3e: {  	[sflag:s23] =	ssyncset.done $0x0  }
0x3f: {  	[sflag:s23] =	ssyncadd.s32 $0xFFFFFF88  }
0x40: {  	[bflag:$0x0] =	sbarrier.arrive $0xFFFF  }
0x41: {  	[tilespmem:s29], [sflag:$0x1] =	stream.indirect.gather [hbm4b:s5+s28], $0x80, s4, s28, $0xb8;
	[tilespmem:$0x1FA00] =	vst v63  }
0x42: {  	_ = 	snop  }
0x43: {  	[tilespmem:s30], [sflag:$0x2] =	stream.indirect.gather [hbm4b:s5+s28], $0x80, s25, s28, $0xb8;
	[tilespmem:$0x1FA00] =	vst v63  }
0x44: {  	_ =	swait.ge [sflag:s31], $0x3C00  }
0x45: {  	[sflag:s31] =	ssyncset.done $0x0  }
0x46: {  	[sflag:s31] =	ssyncadd.s32 $0xFFFFC400  }
0x47: {  	[spmem:s3] =	stream.indirect.scatter.add.f32 [tilespmem:s29], [sflag:$0x3], $0x80, s24, s28, $0xb8;
	[tilespmem:$0x1FA00] =	vst v63  }
0x48: {  	_ =	swait.ge [sflag:s23], $0x3C00  }
0x49: {  	s10 =	sshrl.u32 s21, $0x3;
	[sflag:s23] =	ssyncset.done $0x0  }
0x4a: {  	s9 =	sadd.s32 s6, s10;
	[sflag:s23] =	ssyncadd.s32 $0xFFFFC400  }
0x4b: {  	[tilespmem:s4], [sflag:$0x3] =	stream.linear.gather [hbm4b:s9+s4], $0x78, $0x38;
	[tilespmem:$0x1FA00] =	vst v63  }
0x4c: {  	_ =	swait.ge [sflag:s23], $0x78  }
0x4d: {  	[sflag:s23] =	ssyncset.done $0x0  }
0x4e: {  	s7 =	sadd.s32 s2, s10;
	[sflag:s23] =	ssyncadd.s32 $0xFFFFFF88  }
0x4f: {  	[tilespmem:s24], [sflag:$0x3] =	stream.linear.gather [hbm4b:s7+s4], $0x78, $0x38;
	[tilespmem:$0x1FA00] =	vst v63  }
0x50: {  	_ =	swait.ge [sflag:s23], $0x78  }
0x51: {  	[sflag:s23] =	ssyncset.done $0x0  }
0x52: {  	[sflag:s23] =	ssyncadd.s32 $0xFFFFFF88  }
0x53: {  	[tilespmem:s29], [sflag:$0x1] =	stream.indirect.gather [hbm4b:s5+s28], $0x80, s4, s28, $0xb8;
	[tilespmem:$0x1FA00] =	vst v63  }
0x54: {  	_ =	swait.ge [sflag:s0], $0x3C00  }
0x55: {  	[sflag:s0] =	ssyncset.done $0x0  }
0x56: {  	[sflag:s0] =	ssyncadd.s32 $0xFFFFC400  }
0x57: {  	[spmem:s3] =	stream.indirect.scatter.add.f32 [tilespmem:s30], [sflag:$0x3], $0x80, s26, s28, $0xb8;
	[tilespmem:$0x1FA00] =	vst v63  }
0x58: {  	_ =	swait.ge [sflag:s23], $0x3C00  }
0x59: {  	[sflag:s23] =	ssyncset.done $0x0  }
0x5a: {  	s11 =	sadd.s32 $0x0, s20;
	[sflag:s23] =	ssyncadd.s32 $0xFFFFC400  }
0x5b: {  	[tilespmem:s25], [sflag:$0x3] =	stream.linear.gather [hbm4b:s11+s4], $0x78, $0x38;
	[tilespmem:$0x1FA00] =	vst v63  }
0x5c: {  	_ =	swait.ge [sflag:s23], $0x78  }
0x5d: {  	[sflag:s23] =	ssyncset.done $0x0  }
0x5e: {  	s12 =	sadd.s32 $0x0, s19;
	[sflag:s23] =	ssyncadd.s32 $0xFFFFFF88  }
0x5f: {  	[tilespmem:s26], [sflag:$0x3] =	stream.linear.gather [hbm4b:s12+s4], $0x78, $0x38;
	[tilespmem:$0x1FA00] =	vst v63  }
0x60: {  	_ =	swait.ge [sflag:s23], $0x78  }
0x61: {  	[sflag:s23] =	ssyncset.done $0x0  }
0x62: {  	s9 =	sadd.s32 $0xF0, s21;
	s7 =	simm.s32 $0x1E;
	[sflag:s23] =	ssyncadd.s32 $0xFFFFFF88  }
.LBB2_2:
0x63: {  	[tilespmem:s30], [sflag:$0x2] =	stream.indirect.gather [hbm4b:s5+s28], $0x80, s25, s28, $0xb8;
	[tilespmem:$0x1FA00] =	vst v63  }
0x64: {  	s10 =	smov.u32 s7  }
0x65: {  	p0 =	sne.s32 s7, $0x4B0;
	s7 =	sadd.s32 $0x1E, s7;
	_ =	swait.ge [sflag:s31], $0x3C00  }
0x66: {  	[sflag:s31] =	ssyncset.done $0x0  }
0x67: {  	[sflag:s31] =	ssyncadd.s32 $0xFFFFC400  }
0x68: {  	[spmem:s3] =	stream.indirect.scatter.add.f32 [tilespmem:s29], [sflag:$0x3], $0x80, s24, s28, $0xb8;
	[tilespmem:$0x1FA00] =	vst v63  }
0x69: {  	_ =	swait.ge [sflag:s23], $0x3C00  }
0x6a: {  	s11 =	sshrl.u32 s9, $0x3;
	[sflag:s23] =	ssyncset.done $0x0  }
0x6b: {  	s12 =	sadd.s32 s6, s11;
	[sflag:s23] =	ssyncadd.s32 $0xFFFFC400  }
0x6c: {  	[tilespmem:s4], [sflag:$0x3] =	stream.linear.gather [hbm4b:s12+s4], $0x78, $0x38;
	[tilespmem:$0x1FA00] =	vst v63  }
0x6d: {  	_ =	swait.ge [sflag:s23], $0x78  }
0x6e: {  	[sflag:s23] =	ssyncset.done $0x0  }
0x6f: {  	s11 =	sadd.s32 s2, s11;
	[sflag:s23] =	ssyncadd.s32 $0xFFFFFF88  }
0x70: {  	[tilespmem:s24], [sflag:$0x3] =	stream.linear.gather [hbm4b:s11+s4], $0x78, $0x38;
	[tilespmem:$0x1FA00] =	vst v63  }
0x71: {  	_ =	swait.ge [sflag:s23], $0x78  }
0x72: {  	[sflag:s23] =	ssyncset.done $0x0  }
0x73: {  	[sflag:s23] =	ssyncadd.s32 $0xFFFFFF88  }
0x74: {  	[tilespmem:s29], [sflag:$0x1] =	stream.indirect.gather [hbm4b:s5+s28], $0x80, s4, s28, $0xb8;
	[tilespmem:$0x1FA00] =	vst v63  }
0x75: {  	_ =	swait.ge [sflag:s0], $0x3C00  }
0x76: {  	[sflag:s0] =	ssyncset.done $0x0  }
0x77: {  	[sflag:s0] =	ssyncadd.s32 $0xFFFFC400  }
0x78: {  	[spmem:s3] =	stream.indirect.scatter.add.f32 [tilespmem:s30], [sflag:$0x3], $0x80, s26, s28, $0xb8;
	[tilespmem:$0x1FA00] =	vst v63  }
0x79: {  	_ =	swait.ge [sflag:s23], $0x3C00  }
0x7a: {  	[sflag:s23] =	ssyncset.done $0x0  }
0x7b: {  	s11 =	sadd.s32 s10, s20;
	[sflag:s23] =	ssyncadd.s32 $0xFFFFC400  }
0x7c: {  	[tilespmem:s25], [sflag:$0x3] =	stream.linear.gather [hbm4b:s11+s4], $0x78, $0x38;
	[tilespmem:$0x1FA00] =	vst v63  }
0x7d: {  	_ =	swait.ge [sflag:s23], $0x78  }
0x7e: {  	[sflag:s23] =	ssyncset.done $0x0  }
.Ltmp0:
0x7f: {  	s10 =	sadd.s32 s10, s19;
	[sflag:s23] =	ssyncadd.s32 $0xFFFFFF88;
	(pc) =	sbr.rel @p0 .LBB2_2-.Ltmp0, $4  }
0x80: {  	[tilespmem:s26], [sflag:$0x3] =	stream.linear.gather [hbm4b:s10+s4], $0x78, $0x38;
	[tilespmem:$0x1FA00] =	vst v63  }
0x81: {  	_ =	swait.ge [sflag:s23], $0x78  }
0x82: {  	[sflag:s23] =	ssyncset.done $0x0  }
0x83: {  	s9 =	sadd.s32 $0xF0, s9;
	[sflag:s23] =	ssyncadd.s32 $0xFFFFFF88  }
0x84: {  	[tilespmem:s30], [sflag:$0x2] =	stream.indirect.gather [hbm4b:s5+s28], $0x80, s25, s28, $0xb8;
	[tilespmem:$0x1FA00] =	vst v63  }
0x85: {  	_ =	swait.ge [sflag:s31], $0x3C00  }
0x86: {  	[sflag:s31] =	ssyncset.done $0x0  }
0x87: {  	[sflag:s31] =	ssyncadd.s32 $0xFFFFC400  }
0x88: {  	[spmem:s3] =	stream.indirect.scatter.add.f32 [tilespmem:s29], [sflag:$0x3], $0x80, s24, s28, $0xb8;
	[tilespmem:$0x1FA00] =	vst v63  }
0x89: {  	_ =	swait.ge [sflag:s23], $0x3C00  }
0x8a: {  	[sflag:s23] =	ssyncset.done $0x0  }
0x8b: {  	[sflag:s23] =	ssyncadd.s32 $0xFFFFC400  }
0x8c: {  	_ =	swait.ge [sflag:s0], $0x3C00  }
0x8d: {  	[sflag:s0] =	ssyncset.done $0x0  }
0x8e: {  	[sflag:s0] =	ssyncadd.s32 $0xFFFFC400  }
0x8f: {  	[spmem:s3] =	stream.indirect.scatter.add.f32 [tilespmem:s30], [sflag:$0x3], $0x80, s26, s28, $0xb8;
	[tilespmem:$0x1FA00] =	vst v63  }
0x90: {  	s7 =	stileid.u32;
	_ =	swait.ge [sflag:s23], $0x3C00  }
0x91: {  	s9 =	sshrl.u32 s8, $0x3;
	s1 =	sadd.s32 $0x1, s1;
	[sflag:s23] =	ssyncset.done $0x0  }
0x92: {  	s7 =	sshll.u32 s7, $0x6;
	p0 =	sne.s32 s1, s18;
	[sflag:s23] =	ssyncadd.s32 $0xFFFFC400  }
.Ltmp1:
0x93: {  	s7 =	sor.u32 $0x1C03, s7;
	[bflag:$0x0] =	sbarrier.arrive $0xFFFF;
	(pc) =	sbr.rel @p0 .LBB2_1-.Ltmp1, $4  }
0x94: {  	[hbm:s17], [sflag:s7] =	dma.local [spmem:s9], $0x2800  }
0x95: {  	_ =	swait.ge [sflag:s23], $0x2800  }
0x96: {  	[sflag:s23] =	ssyncset.done $0x0  }
0x97: {  	[sflag:s23] =	ssyncadd.s32 $0xFFFFD800  }
0x98: {  	_ =	sfence.sel $0x180000  }
0x99: {  	[bflag:$0x0] =	sbarrier.arrive $0xFFFF  }
0x9a: {  	_ =	strace $0x9000004A  }
0x9b: {  	s0 =	stileid.u32;
	[bflag:$0x2] =	sbarrier.arrive $0xFFFF  }
0x9c: {  	p0 =	sne.s32 s0, $0x0;
	s0 =	rddreg [dreg:$0x3]  }
0x9d: {  	s0 =	sadd.s32 @!p0 $0x100000, s0  }
0x9e: {  	[sflag:s0] =	ssyncadd.tile.s32 @!p0 $0x1;
	_ =	shalt  }
.Lfunc_end2:
_tile_overlayer_lowered:
.L_overlay_start_2:
0x9f: {  	(tag) =	ssettag $0x2  }
0xa0: {  	s0 =	rddreg [dreg:$0x0];
	s2 =	stileid.u32  }
0xa1: {  	s1 =	rddreg [dreg:$0x1];
	p0 =	sne.s32 s2, $0x0  }
0xa2: {  	s3 =	rddreg [dreg:$0x2];
	[bflag:$0x3] =	sbarrier.arrive $0xFFFF;
	s2 =	simm.s32 @!p0 $0x1C03  }
0xa3: {  	[timem:s3], [sflag:s2] =	dma.local @!p0 [hbm:s0], s1  }
0xa4: {  	s0 =	simm.s32 @!p0 $0x3  }
0xa5: {  	_ =	swait.ge @!p0 [sflag:s0], s1  }
0xa6: {  	s1 =	ssub.s32 @!p0 $0x0, s1;
	[sflag:s0] =	ssyncset.done @!p0 $0x0  }
0xa7: {  	[sflag:s0] =	ssyncadd.s32 @!p0 s1  }
0xa8: {  	[bflag:$0x3] =	sbarrier.arrive $0xFFFF  }
0xa9: {  	_ =	shalt  }

// kernel: kernel.17.cloned.1.call-start
scs
__scs_entry_jumppad:
0x0: {  	(pc) =	sbr.rel $0x88, $3  }
0x1: {  	(tag) =	ssettag $0x0;
	lr =	simm.s32 $0x1  }
0x2: {  	[smem:$0x3F9D] =	sst lr;
	_ =	strace $0xD0000000  }
0x3: {  	_ = 	snop  }
0x4: {  	_ = 	snop  }
0x5: {  	_ = 	snop  }
0x6: {  	_ = 	snop  }
0x7: {  	_ = 	snop  }
__scs_overlays_trampoline_lowered:
0x8: {  	[smem:$0x3FAC] =	sst s0  }
0x9: {  	[smem:$0x3FAD] =	sst s1  }
0xa: {  	[smem:$0x3FAE] =	sst s2  }
0xb: {  	[smem:$0x3FAF] =	sst s3  }
0xc: {  	[smem:$0x3FB0] =	sst s4  }
0xd: {  	[smem:$0x3FB1] =	sst s5  }
0xe: {  	[smem:$0x3FB2] =	sst s6  }
0xf: {  	[smem:$0x3FB3] =	sst s7  }
0x10: {  	[smem:$0x3FB4] =	sst s8  }
0x11: {  	[smem:$0x3FB5] =	sst s9;
	s0 =	simm.s32 @!p0 $0x0  }
0x12: {  	s1 =	sld [smem:$0x3F9B];
	s0 =	simm.s32 @p0 $0x1  }
0x13: {  	[smem:$0x3FB6] =	sst s0;
	s0 =	simm.s32 @!p1 $0x0  }
0x14: {  	s2 =	sld [smem:$0x3F9A];
	s0 =	simm.s32 @p1 $0x1  }
0x15: {  	[smem:$0x3FB7] =	sst s0;
	s0 =	simm.s32 @!p2 $0x0  }
0x16: {  	s3 =	sld [smem:$0x3FDB];
	s0 =	simm.s32 @p2 $0x1  }
0x17: {  	s4 =	simm.s32 $0x1BF5;
	[smem:$0x3FB9] =	sst s0  }
0x18: {  	s0 =	sld [smem:$0x3F9C];
	_ =	swait.ge [sflag:s4], $0x0  }
0x19: {  	s7 =	sld [smem:$0x3F9D]  }
0x1a: {  	s8 =	sadd.s32 $0xFFFFE003, lr  }
0x1b: {  	s9 =	sadd.s32 $0xFFFFFEF7, lr;
	s5 =	simm.s32 $0xFFFFFFFF;
	p2 =	slt.u32 s8, $0xFFFFF086  }
0x1c: {  	p1 =	slt.u32 s9, $0xF7A;
	s5 =	simm.s32 @!p2 $0x0  }
0x1d: {  	s5 =	simm.s32 @p1 $0x1;
	p0 =	seq.s32 s7, s2  }
0x1e: {  	s7 =	smul.u32 @!p0 $0xF7A, s2;
	p2 =	seq.s32 @!p0 s5, $0x0  }
0x1f: {  	s9 =	smul.u32 $0xF7A, s1;
	s8 =	simm.s32 @!p0 $0x1BF5;
	p2 =	por !p2, p0  }
0x20: {  	[sflag:s8] =	ssyncset.s32 @!p0 $0xFFFFF086;
	s6 =	sadd.s32 @!p0 s3, s7;
	s7 =	simm.s32 @!p0 $0x108  }
0x21: {  	s3 =	sadd.s32 s3, s9;
	s6 =	sadd.s32 @!p0 $0x88, s6;
	s7 =	simm.s32 @p2 $0x1082  }
0x22: {  	[simem:s7], [sflag:s8] =	dma.local @!p0 [hbm:s6], $0xF7A  }
0x23: {  	s9 =	sor.u32 $0xD0000000, s2;
	s6 =	simm.s32 $0x108;
	_ =	swait.ge @!p0 [sflag:s8], $0x0  }
0x24: {  	s3 =	sadd.s32 $0x88, s3;
	s6 =	simm.s32 @!p1 $0x1082;
	[sflag:s4] =	ssyncset.s32 $0xFFFFF086  }
0x25: {  	[simem:s6], [sflag:s4] =	dma.local [hbm:s3], $0xF7A  }
0x26: {  	[smem:$0x3F9D] =	sst s1;
	(tag) =	ssettag s2;
	_ =	strace s9  }
0x27: {  	s1 =	sld [smem:$0x3FAD]  }
0x28: {  	s2 =	sld [smem:$0x3FAE]  }
0x29: {  	s4 =	sld [smem:$0x3FB0]  }
0x2a: {  	p0 =	seq.s32 s5, $0x0;
	s5 =	sld [smem:$0x3FB1]  }
0x2b: {  	s6 =	sld [smem:$0x3FB2]  }
0x2c: {  	s7 =	sld [smem:$0x3FB3]  }
0x2d: {  	s3 =	simm.s32 $0x108;
	s8 =	sld [smem:$0x3FB4]  }
0x2e: {  	s3 =	simm.s32 @!p0 $0x1082;
	s9 =	sld [smem:$0x3FB5]  }
0x2f: {  	lr =	sadd.s32 s0, s3;
	s0 =	sld [smem:$0x3FAC]  }
0x30: {  	s3 =	sld [smem:$0x3FAF]  }
0x31: {  	[smem:$0x3FB8] =	sst s10  }
0x32: {  	s10 =	sld [smem:$0x3FB6];
	_ =	sdelay $0x3  }
0x33: {  	p0 =	seq.s32 s10, $0x1;
	s10 =	sld [smem:$0x3FB8];
	_ =	sdelay $0x3  }
0x34: {  	[smem:$0x3FB8] =	sst s10  }
0x35: {  	s10 =	sld [smem:$0x3FB7];
	_ =	sdelay $0x3  }
0x36: {  	p1 =	seq.s32 s10, $0x1;
	s10 =	sld [smem:$0x3FB8];
	_ =	sdelay $0x3  }
0x37: {  	[smem:$0x3FB8] =	sst s10  }
0x38: {  	s10 =	sld [smem:$0x3FB9]  }
0x39: {  	_ = 	snop;
	(pc) =	sbr.ind lr, $3  }
0x3a: {  	_ = 	snop  }
0x3b: {  	_ = 	snop  }
0x3c: {  	p2 =	seq.s32 s10, $0x1;
	s10 =	sld [smem:$0x3FB8]  }
0x3d: {  	_ =	shalt  }
0x3e: {  	_ =	shalt  }
0x3f: {  	_ =	shalt  }
0x40: {  	_ =	shalt  }
0x41: {  	_ =	shalt  }
0x42: {  	_ =	shalt  }
0x43: {  	_ =	shalt  }
0x44: {  	_ =	shalt  }
0x45: {  	_ =	shalt  }
0x46: {  	_ =	shalt  }
0x47: {  	_ =	shalt  }
0x48: {  	_ =	shalt  }
0x49: {  	_ =	shalt  }
0x4a: {  	_ =	shalt  }
0x4b: {  	_ =	shalt  }
0x4c: {  	_ =	shalt  }
0x4d: {  	_ =	shalt  }
0x4e: {  	_ =	shalt  }
0x4f: {  	_ =	shalt  }
0x50: {  	_ =	shalt  }
0x51: {  	_ =	shalt  }
0x52: {  	_ =	shalt  }
0x53: {  	_ =	shalt  }
0x54: {  	_ =	shalt  }
0x55: {  	_ =	shalt  }
0x56: {  	_ =	shalt  }
0x57: {  	_ =	shalt  }
0x58: {  	_ =	shalt  }
0x59: {  	_ =	shalt  }
0x5a: {  	_ =	shalt  }
0x5b: {  	_ =	shalt  }
0x5c: {  	_ =	shalt  }
0x5d: {  	_ =	shalt  }
0x5e: {  	_ =	shalt  }
0x5f: {  	_ =	shalt  }
0x60: {  	_ =	shalt  }
0x61: {  	_ =	shalt  }
0x62: {  	_ =	shalt  }
0x63: {  	_ =	shalt  }
0x64: {  	_ =	shalt  }
0x65: {  	_ =	shalt  }
0x66: {  	_ =	shalt  }
0x67: {  	_ =	shalt  }
0x68: {  	_ =	shalt  }
0x69: {  	_ =	shalt  }
0x6a: {  	_ =	shalt  }
0x6b: {  	_ =	shalt  }
0x6c: {  	_ =	shalt  }
0x6d: {  	_ =	shalt  }
0x6e: {  	_ =	shalt  }
0x6f: {  	_ =	shalt  }
0x70: {  	_ =	shalt  }
0x71: {  	_ =	shalt  }
0x72: {  	_ =	shalt  }
0x73: {  	_ =	shalt  }
0x74: {  	_ =	shalt  }
0x75: {  	_ =	shalt  }
0x76: {  	_ =	shalt  }
0x77: {  	_ =	shalt  }
0x78: {  	_ =	shalt  }
0x79: {  	_ =	shalt  }
0x7a: {  	_ =	shalt  }
0x7b: {  	_ =	shalt  }
0x7c: {  	_ =	shalt  }
0x7d: {  	_ =	shalt  }
0x7e: {  	_ =	shalt  }
0x7f: {  	_ =	shalt  }
0x80: {  	_ =	shalt  }
0x81: {  	_ =	shalt  }
0x82: {  	_ =	shalt  }
0x83: {  	_ =	shalt  }
0x84: {  	_ =	shalt  }
0x85: {  	_ =	shalt  }
0x86: {  	_ =	shalt  }
0x87: {  	_ =	shalt  }
.Lfunc_end0:
.L_simem_size_0:
called_computation.3_lowered:
.L_overlay_start_0:
0x88: {  	s2 =	sld [smem:$0x3FD9]  }
0x89: {  	s3 =	sld [smem:$0x3FFE];
	_ =	sdelay $0x1  }
0x8a: {  	s1 =	srdreg.scid  }
0x8b: {  	s0 =	sand.u32 $0x1, s1  }
0x8c: {  	s17 =	sshll.u32 s0, $0xA;
	s2 =	sadd.s32 s3, s2  }
0x8d: {  	s2 =	sadd.s32 s2, s17  }
0x8e: {  	[smem:$0x3FC4] =	sst s2  }
0x8f: {  	_ = 	snop  }
0x90: {  	s18 =	sld [smem:$0x3FD0];
	(tm) =	ssettm $0x1  }
0x91: {  	s19 =	sld [smem:$0x3FFB];
	_ =	sdelay $0x3  }
0x92: {  	_ =	strace s19  }
0x93: {  	s2 =	sld [smem:$0x3FFC];
	_ =	sdelay $0x3  }
0x94: {  	_ =	strace s2  }
0x95: {  	s2 =	sld [smem:$0x3FFD];
	_ =	sdelay $0x3  }
0x96: {  	_ =	strace s2  }
0x97: {  	_ =	strace $0x8FFFFFFF  }
0x98: {  	s20 =	sld [smem:$0x3FDB];
	_ =	sdelay $0x1  }
0x99: {  	s4 =	simm.s32 $_scs_section_size  }
0x9a: {  	s5 =	simm.s32 $_size__tile_overlayer_lowered;
	s6 =	simm.s32 $_tile_overlayer_lowered  }
0x9b: {  	s7 =	simm.s32 $0x1BFF;
	s21 =	sshll.u32 s6, $0x1;
	s4 =	sadd.s32 s4, s20  }
0x9c: {  	s22 =	simm.s32 $0x0;
	s5 =	sshll.u32 s5, $0x1;
	s6 =	sadd.s32 s21, s4  }
0x9d: {  	[timem:s22], [sflag:s7] =	dma.local [hbm:s6], s5  }
0x9e: {  	_ =	swait.ge [sflag:s7], s5  }
0x9f: {  	s5 =	ssub.s32 $0x0, s5;
	[sflag:s7] =	ssyncset.done $0x0  }
0xa0: {  	[sflag:s7] =	ssyncadd.s32 s5;
	_ =	sdelay $0x1  }
0xa1: {  	s23 =	simm.s32 $0x1B8B  }
0xa2: {  	_ =	swait.ge [sflag:s23], $0x1  }
0xa3: {  	[sflag:s23] =	ssyncset.done $0x0  }
0xa4: {  	[sflag:s23] =	ssyncadd.s32 $0xFFFFFFFF  }
0xa5: {  	s5 =	sld [smem:$0x0]  }
0xa6: {  	s6 =	sand.u32 $0xFFFFFFFE, s1  }
0xa7: {  	p0 =	sne.s32 s1, s6  }
0xa8: {  	s6 =	sshll.u32 @p0 s6, $0xE  }
0xa9: {  	s6 =	sadd.s32 @p0 $0x11B8D, s6;
	s7 =	sshll.u32 @p0 s5, $0x11  }
0xaa: {  	s6 =	sor.u32 @p0 s7, s6  }
0xab: {  	[sflag:s6] =	ssyncadd.remote.s32 @p0 $0x1;
	_ =	sdelay $0x1  }
0xac: {  	s6 =	simm.s32 @p0 $0x1B8D  }
0xad: {  	_ =	swait.eq @p0 [sflag:s6], $0x1  }
0xae: {  	[sflag:s6] =	ssyncadd.s32 @p0 $0xFFFFFFFF  }
0xaf: {  	s7 =	sshll.u32 @!p0 s1, $0xE  }
0xb0: {  	s7 =	sor.u32 @!p0 $0x4000, s7;
	s6 =	simm.s32 @!p0 $0x1B8D  }
0xb1: {  	s5 =	sshll.u32 @!p0 s5, $0x11;
	s7 =	sadd.s32 @!p0 $0x11B8D, s7;
	_ =	swait.eq @!p0 [sflag:s6], $0x1  }
0xb2: {  	s5 =	sor.u32 @!p0 s5, s7;
	[sflag:s6] =	ssyncadd.s32 @!p0 $0xFFFFFFFF  }
0xb3: {  	s25 =	simm.s32 $0x1B8E;
	s24 =	sld [smem:$0x3FFE];
	[sflag:s5] =	ssyncadd.remote.s32 @!p0 $0x1  }
0xb4: {  	s26 =	simm.s32 $execute0_lowered;
	[smem:$0x3FD2] =	sst s25  }
0xb5: {  	s6 =	sshll.u32 s26, $0x1;
	_ =	strace $0x8000004F;
	[dreg:$0x1] =	wrdreg $0xFFFFFFFF  }
0xb6: {  	s28 =	simm.s32 $_size_execute0_lowered;
	s4 =	sadd.s32 s4, s6;
	[dreg:$0x0] =	wrdreg $0x0  }
0xb7: {  	s6 =	sshll.u32 s28, $0x1;
	[dreg:$0x2] =	wrdreg s4  }
0xb8: {  	[dreg:$0x3] =	wrdreg s6  }
0xb9: {  	[dreg:$0x4] =	wrdreg $0xC0  }
0xba: {  	_ =	task [dreg:s22], $0x5FFFF  }
0xbb: {  	[dreg:$0x1] =	wrdreg $0xFFFFFFFF  }
0xbc: {  	[dreg:$0x0] =	wrdreg $0x60  }
0xbd: {  	[dreg:$0x2] =	wrdreg s24  }
0xbe: {  	[dreg:$0x3] =	wrdreg s18  }
0xbf: {  	[dreg:$0x4] =	wrdreg $0xBA000  }
0xc0: {  	[dreg:$0x5] =	wrdreg $0xA  }
0xc1: {  	_ =	task.clear_ibuf [dreg:s22], $0x6FFFF;
	_ =	strace $0x9000004F  }
0xc2: {  	s29 =	simm.s32 $0xA;
	_ =	strace $0x80000051  }
0xc3: {  	_ =	swait.ge [sflag:s29], $0x1  }
0xc4: {  	[sflag:s29] =	ssyncadd.s32 $0xFFFFFFFF  }
0xc5: {  	_ =	strace $0x90000051  }
0xc6: {  	_ =	sfence  }
0xc7: {  	s30 =	sld [smem:$0x0];
	_ =	sdelay $0x2  }
0xc8: {  	s31 =	sshll.u32 s1, $0xD;
	s1 =	sshrl.u32 s1, $0x2  }
0xc9: {  	s4 =	sand.u32 $0x4000, s31;
	s1 =	sadd.s32 s1, s30  }
0xca: {  	s0 =	sor.u32 s4, s0;
	s1 =	sshll.u32 s1, $0x11  }
0xcb: {  	s0 =	sor.u32 s1, s0  }
0xcc: {  	s0 =	sadd.s32 $0x8F2B, s0  }
0xcd: {  	[sflag:s0] =	ssyncadd.remote.s32 $0x1  }
0xce: {  	_ =	sfence.sel $0xFFFF  }
0xcf: {  	[dreg:$0x0] =	wrdreg $0xFFFFFFFF;
	(pc) =	sbr.abs _section_cstart, $3  }
0xd0: {  	[dreg:$0x1] =	wrdreg $0xFFFFFFFF  }
0xd1: {  	_ =	task.clear_ibuf [dreg:s22], $0x2FFFF;
	_ =	strace $0x9FFFFFFF  }
0xd2: {  	(tm) =	ssettm $0x7FFFFFFF  }
0xd3: {  	_ =	shalt  }
tec
execute0_lowered:
.L_overlay_start_1:
0x0: {  	(tag) =	ssettag $0x1  }
0x1: {  	s0 =	rddreg [dreg:$0x0]  }
0x2: {  	s2 =	rddreg [dreg:$0x1];
	s1 =	srdreg.scid  }
0x3: {  	s3 =	rddreg [dreg:$0x2];
	s11 =	stileid.u32;
	s4 =	simm.s32 $0x0  }
0x4: {  	s28 =	simm.s32 $0x78;
	s29 =	simm.s32 $0x200;
	s7 =	smul.u32 $0x14000, s11  }
0x5: {  	s30 =	simm.s32 $0x3E00;
	s31 =	simm.s32 $0x1;
	s8 =	smul.u32 $0x50000, s11  }
0x6: {  	s1 =	sand.u32 $0x1, s1;
	[smem:$0x7FF] =	sst s4;
	s14 =	smul.u32 $0x2760, s11  }
0x7: {  	s5 =	sadd.s32 $0x3E400, s0;
	s9 =	sadd.s32 $0x15C00, s0;
	s6 =	smul.u32 $0x140000, s1  }
0x8: {  	_ =	strace $0x80000050;
	[dreg:$0x4] =	wrdreg s9;
	s20 =	sshll.u32 s1, $0x4  }
0x9: {  	s21 =	ssub.s32 $0x2, s1;
	s1 =	smul.u32 $0x27600, s1;
	s8 =	sshrl.u32 s8, $0x2  }
0xa: {  	s10 =	sshrl.u32 s21, $0x1;
	s7 =	sadd.s32 s7, s6;
	s6 =	sadd.s32 $0xBE00, s0  }
0xb: {  	s8 =	sadd.s32 s8, s3;
	s9 =	ssub.s32 s21, s10;
	s1 =	sadd.s32 s14, s1  }
0xc: {  	s7 =	sshrl.u32 s7, $0x3;
	s22 =	sadd.s32 $0x4000, s8;
	s23 =	sadd.s32 $0x8000, s8  }
0xd: {  	s24 =	sadd.s32 $0xC000, s8;
	s25 =	sadd.s32 $0x10000, s8;
	[dreg:$0x5] =	wrdreg s22  }
0xe: {  	s18 =	sadd.s32 $0x168, s1;
	s21 =	sadd.s32 $0xF0, s1;
	[dreg:$0x6] =	wrdreg s23  }
0xf: {  	s1 =	simm.s32 $0x0;
	s0 =	sadd.s32 s7, s0;
	[dreg:$0x7] =	wrdreg s24  }
0x10: {  	s7 =	sor.u32 s11, s20;
	[dreg:$0x8] =	wrdreg s25;
	s26 =	sshrl.u32 s18, $0x3  }
0x11: {  	s18 =	smax.u32 s9, $0x1;
	s22 =	simm.s32 $0x7A00;
	s23 =	simm.s32 $0x3  }
0x12: {  	s24 =	simm.s32 $0x100;
	s25 =	simm.s32 $0x80;
	s7 =	smul.u32 $0x2760, s7  }
0x13: {  	s17 =	sadd.s32 $0x66400, s0;
	s19 =	sadd.s32 s26, s6;
	s20 =	sadd.s32 s26, s2  }
0x14: {  	s26 =	simm.s32 $0x180;
	s15 =	sshrl.u32 s7, $0x3;
	s7 =	sadd.s32 $0x78, s7  }
0x15: {  	s0 =	simm.s32 $0x2;
	s13 =	sadd.s32 s2, s15;
	s7 =	sshrl.u32 s7, $0x3  }
0x16: {  	s14 =	sadd.s32 s6, s15;
	s15 =	sadd.s32 s2, s7;
	s16 =	sadd.s32 s6, s7  }
.LBB2_1:
0x17: {  	s7 =	rddreg [dreg:$0x4]  }
0x18: {  	[tilespmem:s22], [sflag:$0x3] =	stream.linear.gather [hbm4b:s7+s4], $0x4000, $0x38;
	[tilespmem:$0x1FA00] =	vst v63  }
0x19: {  	_ =	swait.ge [sflag:s23], $0x4000  }
0x1a: {  	[sflag:s23] =	ssyncset.done $0x0  }
0x1b: {  	[sflag:s23] =	ssyncadd.s32 $0xFFFFC000  }
0x1c: {  	[spmem:s8] =	stream.linear.scatter [tilespmem:s22], [sflag:$0x3], $0x4000, $0x38;
	[tilespmem:$0x1FA00] =	vst v63  }
0x1d: {  	_ =	swait.ge [sflag:s23], $0x4000  }
0x1e: {  	[sflag:s23] =	ssyncset.done $0x0  }
0x1f: {  	s10 =	rddreg [dreg:$0x5];
	[sflag:s23] =	ssyncadd.s32 $0xFFFFC000  }
0x20: {  	[spmem:s10] =	stream.linear.scatter [tilespmem:s22], [sflag:$0x3], $0x4000, $0x38;
	[tilespmem:$0x1FA00] =	vst v63  }
0x21: {  	_ =	swait.ge [sflag:s23], $0x4000  }
0x22: {  	[sflag:s23] =	ssyncset.done $0x0  }
0x23: {  	s11 =	rddreg [dreg:$0x6];
	[sflag:s23] =	ssyncadd.s32 $0xFFFFC000  }
0x24: {  	[spmem:s11] =	stream.linear.scatter [tilespmem:s22], [sflag:$0x3], $0x4000, $0x38;
	[tilespmem:$0x1FA00] =	vst v63  }
0x25: {  	_ =	swait.ge [sflag:s23], $0x4000  }
0x26: {  	[sflag:s23] =	ssyncset.done $0x0  }
0x27: {  	s12 =	rddreg [dreg:$0x7];
	[sflag:s23] =	ssyncadd.s32 $0xFFFFC000  }
0x28: {  	[spmem:s12] =	stream.linear.scatter [tilespmem:s22], [sflag:$0x3], $0x4000, $0x38;
	[tilespmem:$0x1FA00] =	vst v63  }
0x29: {  	_ =	swait.ge [sflag:s23], $0x4000  }
0x2a: {  	[sflag:s23] =	ssyncset.done $0x0  }
0x2b: {  	s9 =	rddreg [dreg:$0x8];
	[sflag:s23] =	ssyncadd.s32 $0xFFFFC000  }
0x2c: {  	[spmem:s9] =	stream.linear.scatter [tilespmem:s22], [sflag:$0x3], $0x4000, $0x38;
	[tilespmem:$0x1FA00] =	vst v63  }
0x2d: {  	_ =	swait.ge [sflag:s23], $0x4000  }
0x2e: {  	[sflag:s23] =	ssyncset.done $0x0  }
0x2f: {  	[sflag:s23] =	ssyncadd.s32 $0xFFFFC000  }
0x30: {  	[tilespmem:s4], [sflag:$0x3] =	stream.linear.gather [hbm4b:s13+s4], $0x78, $0x38;
	[tilespmem:$0x1FA00] =	vst v63  }
0x31: {  	_ =	swait.ge [sflag:s23], $0x78  }
0x32: {  	[sflag:s23] =	ssyncset.done $0x0  }
0x33: {  	[sflag:s23] =	ssyncadd.s32 $0xFFFFFF88  }
0x34: {  	[tilespmem:s24], [sflag:$0x3] =	stream.linear.gather [hbm4b:s14+s4], $0x78, $0x38;
	[tilespmem:$0x1FA00] =	vst v63  }
0x35: {  	_ =	swait.ge [sflag:s23], $0x78  }
0x36: {  	[sflag:s23] =	ssyncset.done $0x0  }
0x37: {  	[sflag:s23] =	ssyncadd.s32 $0xFFFFFF88  }
0x38: {  	[tilespmem:s25], [sflag:$0x3] =	stream.linear.gather [hbm4b:s15+s4], $0x78, $0x38;
	[tilespmem:$0x1FA00] =	vst v63  }
0x39: {  	_ =	swait.ge [sflag:s23], $0x78  }
0x3a: {  	[sflag:s23] =	ssyncset.done $0x0  }
0x3b: {  	[sflag:s23] =	ssyncadd.s32 $0xFFFFFF88  }
0x3c: {  	[tilespmem:s26], [sflag:$0x3] =	stream.linear.gather [hbm4b:s16+s4], $0x78, $0x38;
	[tilespmem:$0x1FA00] =	vst v63  }
0x3d: {  	_ =	swait.ge [sflag:s23], $0x78  }
0x3e: {  	[sflag:s23] =	ssyncset.done $0x0  }
0x3f: {  	[sflag:s23] =	ssyncadd.s32 $0xFFFFFF88  }
0x40: {  	[bflag:$0x0] =	sbarrier.arrive $0xFFFF  }
0x41: {  	[tilespmem:s29], [sflag:$0x1] =	stream.indirect.gather [hbm4b:s5+s28], $0x80, s4, s28, $0xb8;
	[tilespmem:$0x1FA00] =	vst v63  }
0x42: {  	_ = 	snop  }
0x43: {  	[tilespmem:s30], [sflag:$0x2] =	stream.indirect.gather [hbm4b:s5+s28], $0x80, s25, s28, $0xb8;
	[tilespmem:$0x1FA00] =	vst v63  }
0x44: {  	_ =	swait.ge [sflag:s31], $0x3C00  }
0x45: {  	[sflag:s31] =	ssyncset.done $0x0  }
0x46: {  	[sflag:s31] =	ssyncadd.s32 $0xFFFFC400  }
0x47: {  	[spmem:s3] =	stream.indirect.scatter.add.f32 [tilespmem:s29], [sflag:$0x3], $0x80, s24, s28, $0xb8;
	[tilespmem:$0x1FA00] =	vst v63  }
0x48: {  	_ =	swait.ge [sflag:s23], $0x3C00  }
0x49: {  	s10 =	sshrl.u32 s21, $0x3;
	[sflag:s23] =	ssyncset.done $0x0  }
0x4a: {  	s9 =	sadd.s32 s2, s10;
	[sflag:s23] =	ssyncadd.s32 $0xFFFFC400  }
0x4b: {  	[tilespmem:s4], [sflag:$0x3] =	stream.linear.gather [hbm4b:s9+s4], $0x78, $0x38;
	[tilespmem:$0x1FA00] =	vst v63  }
0x4c: {  	_ =	swait.ge [sflag:s23], $0x78  }
0x4d: {  	[sflag:s23] =	ssyncset.done $0x0  }
0x4e: {  	s7 =	sadd.s32 s6, s10;
	[sflag:s23] =	ssyncadd.s32 $0xFFFFFF88  }
0x4f: {  	[tilespmem:s24], [sflag:$0x3] =	stream.linear.gather [hbm4b:s7+s4], $0x78, $0x38;
	[tilespmem:$0x1FA00] =	vst v63  }
0x50: {  	_ =	swait.ge [sflag:s23], $0x78  }
0x51: {  	[sflag:s23] =	ssyncset.done $0x0  }
0x52: {  	[sflag:s23] =	ssyncadd.s32 $0xFFFFFF88  }
0x53: {  	[tilespmem:s29], [sflag:$0x1] =	stream.indirect.gather [hbm4b:s5+s28], $0x80, s4, s28, $0xb8;
	[tilespmem:$0x1FA00] =	vst v63  }
0x54: {  	_ =	swait.ge [sflag:s0], $0x3C00  }
0x55: {  	[sflag:s0] =	ssyncset.done $0x0  }
0x56: {  	[sflag:s0] =	ssyncadd.s32 $0xFFFFC400  }
0x57: {  	[spmem:s3] =	stream.indirect.scatter.add.f32 [tilespmem:s30], [sflag:$0x3], $0x80, s26, s28, $0xb8;
	[tilespmem:$0x1FA00] =	vst v63  }
0x58: {  	_ =	swait.ge [sflag:s23], $0x3C00  }
0x59: {  	[sflag:s23] =	ssyncset.done $0x0  }
0x5a: {  	s11 =	sadd.s32 $0x0, s20;
	[sflag:s23] =	ssyncadd.s32 $0xFFFFC400  }
0x5b: {  	[tilespmem:s25], [sflag:$0x3] =	stream.linear.gather [hbm4b:s11+s4], $0x78, $0x38;
	[tilespmem:$0x1FA00] =	vst v63  }
0x5c: {  	_ =	swait.ge [sflag:s23], $0x78  }
0x5d: {  	[sflag:s23] =	ssyncset.done $0x0  }
0x5e: {  	s12 =	sadd.s32 $0x0, s19;
	[sflag:s23] =	ssyncadd.s32 $0xFFFFFF88  }
0x5f: {  	[tilespmem:s26], [sflag:$0x3] =	stream.linear.gather [hbm4b:s12+s4], $0x78, $0x38;
	[tilespmem:$0x1FA00] =	vst v63  }
0x60: {  	_ =	swait.ge [sflag:s23], $0x78  }
0x61: {  	[sflag:s23] =	ssyncset.done $0x0  }
0x62: {  	s9 =	sadd.s32 $0xF0, s21;
	s7 =	simm.s32 $0x1E;
	[sflag:s23] =	ssyncadd.s32 $0xFFFFFF88  }
.LBB2_2:
0x63: {  	[tilespmem:s30], [sflag:$0x2] =	stream.indirect.gather [hbm4b:s5+s28], $0x80, s25, s28, $0xb8;
	[tilespmem:$0x1FA00] =	vst v63  }
0x64: {  	s10 =	smov.u32 s7  }
0x65: {  	p0 =	sne.s32 s7, $0x4B0;
	s7 =	sadd.s32 $0x1E, s7;
	_ =	swait.ge [sflag:s31], $0x3C00  }
0x66: {  	[sflag:s31] =	ssyncset.done $0x0  }
0x67: {  	[sflag:s31] =	ssyncadd.s32 $0xFFFFC400  }
0x68: {  	[spmem:s3] =	stream.indirect.scatter.add.f32 [tilespmem:s29], [sflag:$0x3], $0x80, s24, s28, $0xb8;
	[tilespmem:$0x1FA00] =	vst v63  }
0x69: {  	_ =	swait.ge [sflag:s23], $0x3C00  }
0x6a: {  	s11 =	sshrl.u32 s9, $0x3;
	[sflag:s23] =	ssyncset.done $0x0  }
0x6b: {  	s12 =	sadd.s32 s2, s11;
	[sflag:s23] =	ssyncadd.s32 $0xFFFFC400  }
0x6c: {  	[tilespmem:s4], [sflag:$0x3] =	stream.linear.gather [hbm4b:s12+s4], $0x78, $0x38;
	[tilespmem:$0x1FA00] =	vst v63  }
0x6d: {  	_ =	swait.ge [sflag:s23], $0x78  }
0x6e: {  	[sflag:s23] =	ssyncset.done $0x0  }
0x6f: {  	s11 =	sadd.s32 s6, s11;
	[sflag:s23] =	ssyncadd.s32 $0xFFFFFF88  }
0x70: {  	[tilespmem:s24], [sflag:$0x3] =	stream.linear.gather [hbm4b:s11+s4], $0x78, $0x38;
	[tilespmem:$0x1FA00] =	vst v63  }
0x71: {  	_ =	swait.ge [sflag:s23], $0x78  }
0x72: {  	[sflag:s23] =	ssyncset.done $0x0  }
0x73: {  	[sflag:s23] =	ssyncadd.s32 $0xFFFFFF88  }
0x74: {  	[tilespmem:s29], [sflag:$0x1] =	stream.indirect.gather [hbm4b:s5+s28], $0x80, s4, s28, $0xb8;
	[tilespmem:$0x1FA00] =	vst v63  }
0x75: {  	_ =	swait.ge [sflag:s0], $0x3C00  }
0x76: {  	[sflag:s0] =	ssyncset.done $0x0  }
0x77: {  	[sflag:s0] =	ssyncadd.s32 $0xFFFFC400  }
0x78: {  	[spmem:s3] =	stream.indirect.scatter.add.f32 [tilespmem:s30], [sflag:$0x3], $0x80, s26, s28, $0xb8;
	[tilespmem:$0x1FA00] =	vst v63  }
0x79: {  	_ =	swait.ge [sflag:s23], $0x3C00  }
0x7a: {  	[sflag:s23] =	ssyncset.done $0x0  }
0x7b: {  	s11 =	sadd.s32 s10, s20;
	[sflag:s23] =	ssyncadd.s32 $0xFFFFC400  }
0x7c: {  	[tilespmem:s25], [sflag:$0x3] =	stream.linear.gather [hbm4b:s11+s4], $0x78, $0x38;
	[tilespmem:$0x1FA00] =	vst v63  }
0x7d: {  	_ =	swait.ge [sflag:s23], $0x78  }
0x7e: {  	[sflag:s23] =	ssyncset.done $0x0  }
.Ltmp0:
0x7f: {  	s10 =	sadd.s32 s10, s19;
	[sflag:s23] =	ssyncadd.s32 $0xFFFFFF88;
	(pc) =	sbr.rel @p0 .LBB2_2-.Ltmp0, $4  }
0x80: {  	[tilespmem:s26], [sflag:$0x3] =	stream.linear.gather [hbm4b:s10+s4], $0x78, $0x38;
	[tilespmem:$0x1FA00] =	vst v63  }
0x81: {  	_ =	swait.ge [sflag:s23], $0x78  }
0x82: {  	[sflag:s23] =	ssyncset.done $0x0  }
0x83: {  	s9 =	sadd.s32 $0xF0, s9;
	[sflag:s23] =	ssyncadd.s32 $0xFFFFFF88  }
0x84: {  	[tilespmem:s30], [sflag:$0x2] =	stream.indirect.gather [hbm4b:s5+s28], $0x80, s25, s28, $0xb8;
	[tilespmem:$0x1FA00] =	vst v63  }
0x85: {  	_ =	swait.ge [sflag:s31], $0x3C00  }
0x86: {  	[sflag:s31] =	ssyncset.done $0x0  }
0x87: {  	[sflag:s31] =	ssyncadd.s32 $0xFFFFC400  }
0x88: {  	[spmem:s3] =	stream.indirect.scatter.add.f32 [tilespmem:s29], [sflag:$0x3], $0x80, s24, s28, $0xb8;
	[tilespmem:$0x1FA00] =	vst v63  }
0x89: {  	_ =	swait.ge [sflag:s23], $0x3C00  }
0x8a: {  	[sflag:s23] =	ssyncset.done $0x0  }
0x8b: {  	[sflag:s23] =	ssyncadd.s32 $0xFFFFC400  }
0x8c: {  	_ =	swait.ge [sflag:s0], $0x3C00  }
0x8d: {  	[sflag:s0] =	ssyncset.done $0x0  }
0x8e: {  	[sflag:s0] =	ssyncadd.s32 $0xFFFFC400  }
0x8f: {  	[spmem:s3] =	stream.indirect.scatter.add.f32 [tilespmem:s30], [sflag:$0x3], $0x80, s26, s28, $0xb8;
	[tilespmem:$0x1FA00] =	vst v63  }
0x90: {  	s7 =	stileid.u32;
	_ =	swait.ge [sflag:s23], $0x3C00  }
0x91: {  	s9 =	sshrl.u32 s8, $0x3;
	s1 =	sadd.s32 $0x1, s1;
	[sflag:s23] =	ssyncset.done $0x0  }
0x92: {  	s7 =	sshll.u32 s7, $0x6;
	p0 =	sne.s32 s1, s18;
	[sflag:s23] =	ssyncadd.s32 $0xFFFFC400  }
.Ltmp1:
0x93: {  	s7 =	sor.u32 $0x1C03, s7;
	[bflag:$0x0] =	sbarrier.arrive $0xFFFF;
	(pc) =	sbr.rel @p0 .LBB2_1-.Ltmp1, $4  }
0x94: {  	[hbm:s17], [sflag:s7] =	dma.local [spmem:s9], $0x2800  }
0x95: {  	_ =	swait.ge [sflag:s23], $0x2800  }
0x96: {  	[sflag:s23] =	ssyncset.done $0x0  }
0x97: {  	[sflag:s23] =	ssyncadd.s32 $0xFFFFD800  }
0x98: {  	_ =	sfence.sel $0x180000  }
0x99: {  	[bflag:$0x0] =	sbarrier.arrive $0xFFFF  }
0x9a: {  	_ =	strace $0x90000050  }
0x9b: {  	s0 =	stileid.u32;
	[bflag:$0x2] =	sbarrier.arrive $0xFFFF  }
0x9c: {  	p0 =	sne.s32 s0, $0x0;
	s0 =	rddreg [dreg:$0x3]  }
0x9d: {  	s0 =	sadd.s32 @!p0 $0x100000, s0  }
0x9e: {  	[sflag:s0] =	ssyncadd.tile.s32 @!p0 $0x1;
	_ =	shalt  }
.Lfunc_end2:
_tile_overlayer_lowered:
.L_overlay_start_2:
0x9f: {  	(tag) =	ssettag $0x2  }
0xa0: {  	s0 =	rddreg [dreg:$0x0];
	s2 =	stileid.u32  }
0xa1: {  	s1 =	rddreg [dreg:$0x1];
	p0 =	sne.s32 s2, $0x0  }
0xa2: {  	s3 =	rddreg [dreg:$0x2];
	[bflag:$0x3] =	sbarrier.arrive $0xFFFF;
	s2 =	simm.s32 @!p0 $0x1C03  }
0xa3: {  	[timem:s3], [sflag:s2] =	dma.local @!p0 [hbm:s0], s1  }
0xa4: {  	s0 =	simm.s32 @!p0 $0x3  }
0xa5: {  	_ =	swait.ge @!p0 [sflag:s0], s1  }
0xa6: {  	s1 =	ssub.s32 @!p0 $0x0, s1;
	[sflag:s0] =	ssyncset.done @!p0 $0x0  }
0xa7: {  	[sflag:s0] =	ssyncadd.s32 @!p0 s1  }
0xa8: {  	[bflag:$0x3] =	sbarrier.arrive $0xFFFF  }
0xa9: {  	_ =	shalt  }

// kernel: kernel.8.cloned.1.call-start
scs
__scs_entry_jumppad:
0x0: {  	(pc) =	sbr.rel $0x88, $3  }
0x1: {  	(tag) =	ssettag $0x0;
	lr =	simm.s32 $0x1  }
0x2: {  	[smem:$0x3F9D] =	sst lr;
	_ =	strace $0xD0000000  }
0x3: {  	_ = 	snop  }
0x4: {  	_ = 	snop  }
0x5: {  	_ = 	snop  }
0x6: {  	_ = 	snop  }
0x7: {  	_ = 	snop  }
__scs_overlays_trampoline_lowered:
0x8: {  	[smem:$0x3FAC] =	sst s0  }
0x9: {  	[smem:$0x3FAD] =	sst s1  }
0xa: {  	[smem:$0x3FAE] =	sst s2  }
0xb: {  	[smem:$0x3FAF] =	sst s3  }
0xc: {  	[smem:$0x3FB0] =	sst s4  }
0xd: {  	[smem:$0x3FB1] =	sst s5  }
0xe: {  	[smem:$0x3FB2] =	sst s6  }
0xf: {  	[smem:$0x3FB3] =	sst s7  }
0x10: {  	[smem:$0x3FB4] =	sst s8  }
0x11: {  	[smem:$0x3FB5] =	sst s9;
	s0 =	simm.s32 @!p0 $0x0  }
0x12: {  	s1 =	sld [smem:$0x3F9B];
	s0 =	simm.s32 @p0 $0x1  }
0x13: {  	[smem:$0x3FB6] =	sst s0;
	s0 =	simm.s32 @!p1 $0x0  }
0x14: {  	s2 =	sld [smem:$0x3F9A];
	s0 =	simm.s32 @p1 $0x1  }
0x15: {  	[smem:$0x3FB7] =	sst s0;
	s0 =	simm.s32 @!p2 $0x0  }
0x16: {  	s3 =	sld [smem:$0x3FDB];
	s0 =	simm.s32 @p2 $0x1  }
0x17: {  	s4 =	simm.s32 $0x1BF5;
	[smem:$0x3FB9] =	sst s0  }
0x18: {  	s0 =	sld [smem:$0x3F9C];
	_ =	swait.ge [sflag:s4], $0x0  }
0x19: {  	s7 =	sld [smem:$0x3F9D]  }
0x1a: {  	s8 =	sadd.s32 $0xFFFFE003, lr  }
0x1b: {  	s9 =	sadd.s32 $0xFFFFFEF7, lr;
	s5 =	simm.s32 $0xFFFFFFFF;
	p2 =	slt.u32 s8, $0xFFFFF086  }
0x1c: {  	p1 =	slt.u32 s9, $0xF7A;
	s5 =	simm.s32 @!p2 $0x0  }
0x1d: {  	s5 =	simm.s32 @p1 $0x1;
	p0 =	seq.s32 s7, s2  }
0x1e: {  	s7 =	smul.u32 @!p0 $0xF7A, s2;
	p2 =	seq.s32 @!p0 s5, $0x0  }
0x1f: {  	s9 =	smul.u32 $0xF7A, s1;
	s8 =	simm.s32 @!p0 $0x1BF5;
	p2 =	por !p2, p0  }
0x20: {  	[sflag:s8] =	ssyncset.s32 @!p0 $0xFFFFF086;
	s6 =	sadd.s32 @!p0 s3, s7;
	s7 =	simm.s32 @!p0 $0x108  }
0x21: {  	s3 =	sadd.s32 s3, s9;
	s6 =	sadd.s32 @!p0 $0x88, s6;
	s7 =	simm.s32 @p2 $0x1082  }
0x22: {  	[simem:s7], [sflag:s8] =	dma.local @!p0 [hbm:s6], $0xF7A  }
0x23: {  	s9 =	sor.u32 $0xD0000000, s2;
	s6 =	simm.s32 $0x108;
	_ =	swait.ge @!p0 [sflag:s8], $0x0  }
0x24: {  	s3 =	sadd.s32 $0x88, s3;
	s6 =	simm.s32 @!p1 $0x1082;
	[sflag:s4] =	ssyncset.s32 $0xFFFFF086  }
0x25: {  	[simem:s6], [sflag:s4] =	dma.local [hbm:s3], $0xF7A  }
0x26: {  	[smem:$0x3F9D] =	sst s1;
	(tag) =	ssettag s2;
	_ =	strace s9  }
0x27: {  	s1 =	sld [smem:$0x3FAD]  }
0x28: {  	s2 =	sld [smem:$0x3FAE]  }
0x29: {  	s4 =	sld [smem:$0x3FB0]  }
0x2a: {  	p0 =	seq.s32 s5, $0x0;
	s5 =	sld [smem:$0x3FB1]  }
0x2b: {  	s6 =	sld [smem:$0x3FB2]  }
0x2c: {  	s7 =	sld [smem:$0x3FB3]  }
0x2d: {  	s3 =	simm.s32 $0x108;
	s8 =	sld [smem:$0x3FB4]  }
0x2e: {  	s3 =	simm.s32 @!p0 $0x1082;
	s9 =	sld [smem:$0x3FB5]  }
0x2f: {  	lr =	sadd.s32 s0, s3;
	s0 =	sld [smem:$0x3FAC]  }
0x30: {  	s3 =	sld [smem:$0x3FAF]  }
0x31: {  	[smem:$0x3FB8] =	sst s10  }
0x32: {  	s10 =	sld [smem:$0x3FB6];
	_ =	sdelay $0x3  }
0x33: {  	p0 =	seq.s32 s10, $0x1;
	s10 =	sld [smem:$0x3FB8];
	_ =	sdelay $0x3  }
0x34: {  	[smem:$0x3FB8] =	sst s10  }
0x35: {  	s10 =	sld [smem:$0x3FB7];
	_ =	sdelay $0x3  }
0x36: {  	p1 =	seq.s32 s10, $0x1;
	s10 =	sld [smem:$0x3FB8];
	_ =	sdelay $0x3  }
0x37: {  	[smem:$0x3FB8] =	sst s10  }
0x38: {  	s10 =	sld [smem:$0x3FB9]  }
0x39: {  	_ = 	snop;
	(pc) =	sbr.ind lr, $3  }
0x3a: {  	_ = 	snop  }
0x3b: {  	_ = 	snop  }
0x3c: {  	p2 =	seq.s32 s10, $0x1;
	s10 =	sld [smem:$0x3FB8]  }
0x3d: {  	_ =	shalt  }
0x3e: {  	_ =	shalt  }
0x3f: {  	_ =	shalt  }
0x40: {  	_ =	shalt  }
0x41: {  	_ =	shalt  }
0x42: {  	_ =	shalt  }
0x43: {  	_ =	shalt  }
0x44: {  	_ =	shalt  }
0x45: {  	_ =	shalt  }
0x46: {  	_ =	shalt  }
0x47: {  	_ =	shalt  }
0x48: {  	_ =	shalt  }
0x49: {  	_ =	shalt  }
0x4a: {  	_ =	shalt  }
0x4b: {  	_ =	shalt  }
0x4c: {  	_ =	shalt  }
0x4d: {  	_ =	shalt  }
0x4e: {  	_ =	shalt  }
0x4f: {  	_ =	shalt  }
0x50: {  	_ =	shalt  }
0x51: {  	_ =	shalt  }
0x52: {  	_ =	shalt  }
0x53: {  	_ =	shalt  }
0x54: {  	_ =	shalt  }
0x55: {  	_ =	shalt  }
0x56: {  	_ =	shalt  }
0x57: {  	_ =	shalt  }
0x58: {  	_ =	shalt  }
0x59: {  	_ =	shalt  }
0x5a: {  	_ =	shalt  }
0x5b: {  	_ =	shalt  }
0x5c: {  	_ =	shalt  }
0x5d: {  	_ =	shalt  }
0x5e: {  	_ =	shalt  }
0x5f: {  	_ =	shalt  }
0x60: {  	_ =	shalt  }
0x61: {  	_ =	shalt  }
0x62: {  	_ =	shalt  }
0x63: {  	_ =	shalt  }
0x64: {  	_ =	shalt  }
0x65: {  	_ =	shalt  }
0x66: {  	_ =	shalt  }
0x67: {  	_ =	shalt  }
0x68: {  	_ =	shalt  }
0x69: {  	_ =	shalt  }
0x6a: {  	_ =	shalt  }
0x6b: {  	_ =	shalt  }
0x6c: {  	_ =	shalt  }
0x6d: {  	_ =	shalt  }
0x6e: {  	_ =	shalt  }
0x6f: {  	_ =	shalt  }
0x70: {  	_ =	shalt  }
0x71: {  	_ =	shalt  }
0x72: {  	_ =	shalt  }
0x73: {  	_ =	shalt  }
0x74: {  	_ =	shalt  }
0x75: {  	_ =	shalt  }
0x76: {  	_ =	shalt  }
0x77: {  	_ =	shalt  }
0x78: {  	_ =	shalt  }
0x79: {  	_ =	shalt  }
0x7a: {  	_ =	shalt  }
0x7b: {  	_ =	shalt  }
0x7c: {  	_ =	shalt  }
0x7d: {  	_ =	shalt  }
0x7e: {  	_ =	shalt  }
0x7f: {  	_ =	shalt  }
0x80: {  	_ =	shalt  }
0x81: {  	_ =	shalt  }
0x82: {  	_ =	shalt  }
0x83: {  	_ =	shalt  }
0x84: {  	_ =	shalt  }
0x85: {  	_ =	shalt  }
0x86: {  	_ =	shalt  }
0x87: {  	_ =	shalt  }
.Lfunc_end0:
.L_simem_size_0:
called_computation_lowered:
.L_overlay_start_0:
0x88: {  	s2 =	sld [smem:$0x3FD9]  }
0x89: {  	s3 =	sld [smem:$0x3FFE];
	_ =	sdelay $0x1  }
0x8a: {  	s1 =	srdreg.scid  }
0x8b: {  	s0 =	sand.u32 $0x1, s1  }
0x8c: {  	s17 =	sshll.u32 s0, $0xA;
	s2 =	sadd.s32 s3, s2  }
0x8d: {  	s2 =	sadd.s32 s2, s17  }
0x8e: {  	[smem:$0x3FC4] =	sst s2  }
0x8f: {  	_ = 	snop  }
0x90: {  	s2 =	sld [smem:$0x3FD0];
	(tm) =	ssettm $0x1  }
0x91: {  	s18 =	sld [smem:$0x3FFB];
	_ =	sdelay $0x3  }
0x92: {  	_ =	strace s18  }
0x93: {  	s3 =	sld [smem:$0x3FFC];
	_ =	sdelay $0x3  }
0x94: {  	_ =	strace s3  }
0x95: {  	s3 =	sld [smem:$0x3FFD];
	_ =	sdelay $0x3  }
0x96: {  	_ =	strace s3  }
0x97: {  	_ =	strace $0x8FFFFFFF  }
0x98: {  	s19 =	sld [smem:$0x3FDB];
	_ =	sdelay $0x1  }
0x99: {  	s4 =	simm.s32 $_scs_section_size  }
0x9a: {  	s5 =	simm.s32 $_size__tile_overlayer_lowered;
	s6 =	simm.s32 $_tile_overlayer_lowered  }
0x9b: {  	s22 =	simm.s32 $0x1BFF;
	s21 =	sshll.u32 s6, $0x1;
	s3 =	sadd.s32 s4, s19  }
0x9c: {  	s7 =	simm.s32 $0x0;
	s20 =	sshll.u32 s5, $0x1;
	s5 =	sadd.s32 s21, s3  }
0x9d: {  	[timem:s7], [sflag:s22] =	dma.local [hbm:s5], s20  }
0x9e: {  	_ =	swait.ge [sflag:s22], s20  }
0x9f: {  	s4 =	ssub.s32 $0x0, s20;
	[sflag:s22] =	ssyncset.done $0x0  }
0xa0: {  	[sflag:s22] =	ssyncadd.s32 s4;
	_ =	sdelay $0x1  }
0xa1: {  	s23 =	simm.s32 $0x1B8B  }
0xa2: {  	_ =	swait.ge [sflag:s23], $0x1  }
0xa3: {  	[sflag:s23] =	ssyncset.done $0x0  }
0xa4: {  	s25 =	simm.s32 $0x1B8E;
	s24 =	sld [smem:$0x3FFE];
	[sflag:s23] =	ssyncadd.s32 $0xFFFFFFFF  }
0xa5: {  	s26 =	simm.s32 $execute0_lowered;
	[smem:$0x3FD2] =	sst s25  }
0xa6: {  	s5 =	sshll.u32 s26, $0x1;
	_ =	strace $0x80000046;
	[dreg:$0x1] =	wrdreg $0xFFFFFFFF  }
0xa7: {  	s28 =	simm.s32 $_size_execute0_lowered;
	s3 =	sadd.s32 s3, s5;
	[dreg:$0x0] =	wrdreg $0x0  }
0xa8: {  	s5 =	sshll.u32 s28, $0x1;
	[dreg:$0x2] =	wrdreg s3  }
0xa9: {  	[dreg:$0x3] =	wrdreg s5  }
0xaa: {  	[dreg:$0x4] =	wrdreg $0xC0  }
0xab: {  	_ =	task [dreg:s7], $0x5FFFF  }
0xac: {  	[dreg:$0x1] =	wrdreg $0xFFFFFFFF  }
0xad: {  	[dreg:$0x0] =	wrdreg $0x60  }
0xae: {  	[dreg:$0x2] =	wrdreg s24  }
0xaf: {  	[dreg:$0x3] =	wrdreg s2  }
0xb0: {  	[dreg:$0x4] =	wrdreg $0xBA000  }
0xb1: {  	[dreg:$0x5] =	wrdreg $0xA  }
0xb2: {  	_ =	task.clear_ibuf [dreg:s7], $0x6FFFF;
	_ =	strace $0x90000046  }
0xb3: {  	s29 =	simm.s32 $0xA;
	_ =	strace $0x80000048  }
0xb4: {  	_ =	swait.ge [sflag:s29], $0x1  }
0xb5: {  	[sflag:s29] =	ssyncadd.s32 $0xFFFFFFFF  }
0xb6: {  	_ =	strace $0x90000048  }
0xb7: {  	_ =	sfence  }
0xb8: {  	s30 =	sld [smem:$0x0];
	_ =	sdelay $0x2  }
0xb9: {  	s31 =	sshll.u32 s1, $0xD;
	s1 =	sshrl.u32 s1, $0x2  }
0xba: {  	s3 =	sand.u32 $0x4000, s31;
	s1 =	sadd.s32 s1, s30  }
0xbb: {  	s0 =	sor.u32 s3, s0;
	s1 =	sshll.u32 s1, $0x11  }
0xbc: {  	s0 =	sor.u32 s1, s0  }
0xbd: {  	s0 =	sadd.s32 $0x8F2B, s0  }
0xbe: {  	[sflag:s0] =	ssyncadd.remote.s32 $0x1  }
0xbf: {  	_ =	sfence.sel $0xFFFF  }
0xc0: {  	[dreg:$0x0] =	wrdreg $0xFFFFFFFF;
	(pc) =	sbr.abs _section_cstart, $3  }
0xc1: {  	[dreg:$0x1] =	wrdreg $0xFFFFFFFF  }
0xc2: {  	_ =	task.clear_ibuf [dreg:s7], $0x2FFFF;
	_ =	strace $0x9FFFFFFF  }
0xc3: {  	(tm) =	ssettm $0x7FFFFFFF  }
tec
execute0_lowered:
.L_overlay_start_1:
0x0: {  	(tag) =	ssettag $0x1  }
0x1: {  	s0 =	rddreg [dreg:$0x0]  }
0x2: {  	s2 =	rddreg [dreg:$0x1];
	s1 =	srdreg.scid  }
0x3: {  	s3 =	rddreg [dreg:$0x2];
	s11 =	stileid.u32;
	s4 =	simm.s32 $0x0  }
0x4: {  	s28 =	simm.s32 $0x78;
	s29 =	simm.s32 $0x200;
	s7 =	smul.u32 $0x14000, s11  }
0x5: {  	s30 =	simm.s32 $0x3E00;
	s31 =	simm.s32 $0x1;
	s8 =	smul.u32 $0x50000, s11  }
0x6: {  	s1 =	sand.u32 $0x1, s1;
	[smem:$0x7FF] =	sst s4;
	s14 =	smul.u32 $0x2760, s11  }
0x7: {  	s5 =	sadd.s32 $0x16400, s0;
	s9 =	sadd.s32 $0x15C00, s0;
	s6 =	smul.u32 $0x140000, s1  }
0x8: {  	_ =	strace $0x80000047;
	[dreg:$0x4] =	wrdreg s9;
	s20 =	sshll.u32 s1, $0x4  }
0x9: {  	s21 =	ssub.s32 $0x2, s1;
	s1 =	smul.u32 $0x27600, s1;
	s8 =	sshrl.u32 s8, $0x2  }
0xa: {  	s10 =	sshrl.u32 s21, $0x1;
	s7 =	sadd.s32 s7, s6;
	s6 =	sadd.s32 $0x2000, s0  }
0xb: {  	s8 =	sadd.s32 s8, s3;
	s9 =	ssub.s32 s21, s10;
	s1 =	sadd.s32 s14, s1  }
0xc: {  	s7 =	sshrl.u32 s7, $0x3;
	s22 =	sadd.s32 $0x4000, s8;
	s23 =	sadd.s32 $0x8000, s8  }
0xd: {  	s24 =	sadd.s32 $0xC000, s8;
	s25 =	sadd.s32 $0x10000, s8;
	[dreg:$0x5] =	wrdreg s22  }
0xe: {  	s18 =	sadd.s32 $0x168, s1;
	s21 =	sadd.s32 $0xF0, s1;
	[dreg:$0x6] =	wrdreg s23  }
0xf: {  	s1 =	simm.s32 $0x0;
	s0 =	sadd.s32 s7, s0;
	[dreg:$0x7] =	wrdreg s24  }
0x10: {  	s7 =	sor.u32 s11, s20;
	[dreg:$0x8] =	wrdreg s25;
	s26 =	sshrl.u32 s18, $0x3  }
0x11: {  	s18 =	smax.u32 s9, $0x1;
	s22 =	simm.s32 $0x7A00;
	s23 =	simm.s32 $0x3  }
0x12: {  	s24 =	simm.s32 $0x100;
	s25 =	simm.s32 $0x80;
	s7 =	smul.u32 $0x2760, s7  }
0x13: {  	s17 =	sadd.s32 $0x3E400, s0;
	s19 =	sadd.s32 s26, s2;
	s20 =	sadd.s32 s26, s6  }
0x14: {  	s26 =	simm.s32 $0x180;
	s15 =	sshrl.u32 s7, $0x3;
	s7 =	sadd.s32 $0x78, s7  }
0x15: {  	s0 =	simm.s32 $0x2;
	s13 =	sadd.s32 s6, s15;
	s7 =	sshrl.u32 s7, $0x3  }
0x16: {  	s14 =	sadd.s32 s2, s15;
	s15 =	sadd.s32 s6, s7;
	s16 =	sadd.s32 s2, s7  }
.LBB2_1:
0x17: {  	s7 =	rddreg [dreg:$0x4]  }
0x18: {  	[tilespmem:s22], [sflag:$0x3] =	stream.linear.gather [hbm4b:s7+s4], $0x4000, $0x38;
	[tilespmem:$0x1FA00] =	vst v63  }
0x19: {  	_ =	swait.ge [sflag:s23], $0x4000  }
0x1a: {  	[sflag:s23] =	ssyncset.done $0x0  }
0x1b: {  	[sflag:s23] =	ssyncadd.s32 $0xFFFFC000  }
0x1c: {  	[spmem:s8] =	stream.linear.scatter [tilespmem:s22], [sflag:$0x3], $0x4000, $0x38;
	[tilespmem:$0x1FA00] =	vst v63  }
0x1d: {  	_ =	swait.ge [sflag:s23], $0x4000  }
0x1e: {  	[sflag:s23] =	ssyncset.done $0x0  }
0x1f: {  	s10 =	rddreg [dreg:$0x5];
	[sflag:s23] =	ssyncadd.s32 $0xFFFFC000  }
0x20: {  	[spmem:s10] =	stream.linear.scatter [tilespmem:s22], [sflag:$0x3], $0x4000, $0x38;
	[tilespmem:$0x1FA00] =	vst v63  }
0x21: {  	_ =	swait.ge [sflag:s23], $0x4000  }
0x22: {  	[sflag:s23] =	ssyncset.done $0x0  }
0x23: {  	s11 =	rddreg [dreg:$0x6];
	[sflag:s23] =	ssyncadd.s32 $0xFFFFC000  }
0x24: {  	[spmem:s11] =	stream.linear.scatter [tilespmem:s22], [sflag:$0x3], $0x4000, $0x38;
	[tilespmem:$0x1FA00] =	vst v63  }
0x25: {  	_ =	swait.ge [sflag:s23], $0x4000  }
0x26: {  	[sflag:s23] =	ssyncset.done $0x0  }
0x27: {  	s12 =	rddreg [dreg:$0x7];
	[sflag:s23] =	ssyncadd.s32 $0xFFFFC000  }
0x28: {  	[spmem:s12] =	stream.linear.scatter [tilespmem:s22], [sflag:$0x3], $0x4000, $0x38;
	[tilespmem:$0x1FA00] =	vst v63  }
0x29: {  	_ =	swait.ge [sflag:s23], $0x4000  }
0x2a: {  	[sflag:s23] =	ssyncset.done $0x0  }
0x2b: {  	s9 =	rddreg [dreg:$0x8];
	[sflag:s23] =	ssyncadd.s32 $0xFFFFC000  }
0x2c: {  	[spmem:s9] =	stream.linear.scatter [tilespmem:s22], [sflag:$0x3], $0x4000, $0x38;
	[tilespmem:$0x1FA00] =	vst v63  }
0x2d: {  	_ =	swait.ge [sflag:s23], $0x4000  }
0x2e: {  	[sflag:s23] =	ssyncset.done $0x0  }
0x2f: {  	[sflag:s23] =	ssyncadd.s32 $0xFFFFC000  }
0x30: {  	[tilespmem:s4], [sflag:$0x3] =	stream.linear.gather [hbm4b:s13+s4], $0x78, $0x38;
	[tilespmem:$0x1FA00] =	vst v63  }
0x31: {  	_ =	swait.ge [sflag:s23], $0x78  }
0x32: {  	[sflag:s23] =	ssyncset.done $0x0  }
0x33: {  	[sflag:s23] =	ssyncadd.s32 $0xFFFFFF88  }
0x34: {  	[tilespmem:s24], [sflag:$0x3] =	stream.linear.gather [hbm4b:s14+s4], $0x78, $0x38;
	[tilespmem:$0x1FA00] =	vst v63  }
0x35: {  	_ =	swait.ge [sflag:s23], $0x78  }
0x36: {  	[sflag:s23] =	ssyncset.done $0x0  }
0x37: {  	[sflag:s23] =	ssyncadd.s32 $0xFFFFFF88  }
0x38: {  	[tilespmem:s25], [sflag:$0x3] =	stream.linear.gather [hbm4b:s15+s4], $0x78, $0x38;
	[tilespmem:$0x1FA00] =	vst v63  }
0x39: {  	_ =	swait.ge [sflag:s23], $0x78  }
0x3a: {  	[sflag:s23] =	ssyncset.done $0x0  }
0x3b: {  	[sflag:s23] =	ssyncadd.s32 $0xFFFFFF88  }
0x3c: {  	[tilespmem:s26], [sflag:$0x3] =	stream.linear.gather [hbm4b:s16+s4], $0x78, $0x38;
	[tilespmem:$0x1FA00] =	vst v63  }
0x3d: {  	_ =	swait.ge [sflag:s23], $0x78  }
0x3e: {  	[sflag:s23] =	ssyncset.done $0x0  }
0x3f: {  	[sflag:s23] =	ssyncadd.s32 $0xFFFFFF88  }
0x40: {  	[bflag:$0x0] =	sbarrier.arrive $0xFFFF  }
0x41: {  	[tilespmem:s29], [sflag:$0x1] =	stream.indirect.gather [hbm4b:s5+s28], $0x80, s4, s28, $0xb8;
	[tilespmem:$0x1FA00] =	vst v63  }
0x42: {  	_ = 	snop  }
0x43: {  	[tilespmem:s30], [sflag:$0x2] =	stream.indirect.gather [hbm4b:s5+s28], $0x80, s25, s28, $0xb8;
	[tilespmem:$0x1FA00] =	vst v63  }
0x44: {  	_ =	swait.ge [sflag:s31], $0x3C00  }
0x45: {  	[sflag:s31] =	ssyncset.done $0x0  }
0x46: {  	[sflag:s31] =	ssyncadd.s32 $0xFFFFC400  }
0x47: {  	[spmem:s3] =	stream.indirect.scatter.add.f32 [tilespmem:s29], [sflag:$0x3], $0x80, s24, s28, $0xb8;
	[tilespmem:$0x1FA00] =	vst v63  }
0x48: {  	_ =	swait.ge [sflag:s23], $0x3C00  }
0x49: {  	s10 =	sshrl.u32 s21, $0x3;
	[sflag:s23] =	ssyncset.done $0x0  }
0x4a: {  	s9 =	sadd.s32 s6, s10;
	[sflag:s23] =	ssyncadd.s32 $0xFFFFC400  }
0x4b: {  	[tilespmem:s4], [sflag:$0x3] =	stream.linear.gather [hbm4b:s9+s4], $0x78, $0x38;
	[tilespmem:$0x1FA00] =	vst v63  }
0x4c: {  	_ =	swait.ge [sflag:s23], $0x78  }
0x4d: {  	[sflag:s23] =	ssyncset.done $0x0  }
0x4e: {  	s7 =	sadd.s32 s2, s10;
	[sflag:s23] =	ssyncadd.s32 $0xFFFFFF88  }
0x4f: {  	[tilespmem:s24], [sflag:$0x3] =	stream.linear.gather [hbm4b:s7+s4], $0x78, $0x38;
	[tilespmem:$0x1FA00] =	vst v63  }
0x50: {  	_ =	swait.ge [sflag:s23], $0x78  }
0x51: {  	[sflag:s23] =	ssyncset.done $0x0  }
0x52: {  	[sflag:s23] =	ssyncadd.s32 $0xFFFFFF88  }
0x53: {  	[tilespmem:s29], [sflag:$0x1] =	stream.indirect.gather [hbm4b:s5+s28], $0x80, s4, s28, $0xb8;
	[tilespmem:$0x1FA00] =	vst v63  }
0x54: {  	_ =	swait.ge [sflag:s0], $0x3C00  }
0x55: {  	[sflag:s0] =	ssyncset.done $0x0  }
0x56: {  	[sflag:s0] =	ssyncadd.s32 $0xFFFFC400  }
0x57: {  	[spmem:s3] =	stream.indirect.scatter.add.f32 [tilespmem:s30], [sflag:$0x3], $0x80, s26, s28, $0xb8;
	[tilespmem:$0x1FA00] =	vst v63  }
0x58: {  	_ =	swait.ge [sflag:s23], $0x3C00  }
0x59: {  	[sflag:s23] =	ssyncset.done $0x0  }
0x5a: {  	s11 =	sadd.s32 $0x0, s20;
	[sflag:s23] =	ssyncadd.s32 $0xFFFFC400  }
0x5b: {  	[tilespmem:s25], [sflag:$0x3] =	stream.linear.gather [hbm4b:s11+s4], $0x78, $0x38;
	[tilespmem:$0x1FA00] =	vst v63  }
0x5c: {  	_ =	swait.ge [sflag:s23], $0x78  }
0x5d: {  	[sflag:s23] =	ssyncset.done $0x0  }
0x5e: {  	s12 =	sadd.s32 $0x0, s19;
	[sflag:s23] =	ssyncadd.s32 $0xFFFFFF88  }
0x5f: {  	[tilespmem:s26], [sflag:$0x3] =	stream.linear.gather [hbm4b:s12+s4], $0x78, $0x38;
	[tilespmem:$0x1FA00] =	vst v63  }
0x60: {  	_ =	swait.ge [sflag:s23], $0x78  }
0x61: {  	[sflag:s23] =	ssyncset.done $0x0  }
0x62: {  	s9 =	sadd.s32 $0xF0, s21;
	s7 =	simm.s32 $0x1E;
	[sflag:s23] =	ssyncadd.s32 $0xFFFFFF88  }
.LBB2_2:
0x63: {  	[tilespmem:s30], [sflag:$0x2] =	stream.indirect.gather [hbm4b:s5+s28], $0x80, s25, s28, $0xb8;
	[tilespmem:$0x1FA00] =	vst v63  }
0x64: {  	s10 =	smov.u32 s7  }
0x65: {  	p0 =	sne.s32 s7, $0x4B0;
	s7 =	sadd.s32 $0x1E, s7;
	_ =	swait.ge [sflag:s31], $0x3C00  }
0x66: {  	[sflag:s31] =	ssyncset.done $0x0  }
0x67: {  	[sflag:s31] =	ssyncadd.s32 $0xFFFFC400  }
0x68: {  	[spmem:s3] =	stream.indirect.scatter.add.f32 [tilespmem:s29], [sflag:$0x3], $0x80, s24, s28, $0xb8;
	[tilespmem:$0x1FA00] =	vst v63  }
0x69: {  	_ =	swait.ge [sflag:s23], $0x3C00  }
0x6a: {  	s11 =	sshrl.u32 s9, $0x3;
	[sflag:s23] =	ssyncset.done $0x0  }
0x6b: {  	s12 =	sadd.s32 s6, s11;
	[sflag:s23] =	ssyncadd.s32 $0xFFFFC400  }
0x6c: {  	[tilespmem:s4], [sflag:$0x3] =	stream.linear.gather [hbm4b:s12+s4], $0x78, $0x38;
	[tilespmem:$0x1FA00] =	vst v63  }
0x6d: {  	_ =	swait.ge [sflag:s23], $0x78  }
0x6e: {  	[sflag:s23] =	ssyncset.done $0x0  }
0x6f: {  	s11 =	sadd.s32 s2, s11;
	[sflag:s23] =	ssyncadd.s32 $0xFFFFFF88  }
0x70: {  	[tilespmem:s24], [sflag:$0x3] =	stream.linear.gather [hbm4b:s11+s4], $0x78, $0x38;
	[tilespmem:$0x1FA00] =	vst v63  }
0x71: {  	_ =	swait.ge [sflag:s23], $0x78  }
0x72: {  	[sflag:s23] =	ssyncset.done $0x0  }
0x73: {  	[sflag:s23] =	ssyncadd.s32 $0xFFFFFF88  }
0x74: {  	[tilespmem:s29], [sflag:$0x1] =	stream.indirect.gather [hbm4b:s5+s28], $0x80, s4, s28, $0xb8;
	[tilespmem:$0x1FA00] =	vst v63  }
0x75: {  	_ =	swait.ge [sflag:s0], $0x3C00  }
0x76: {  	[sflag:s0] =	ssyncset.done $0x0  }
0x77: {  	[sflag:s0] =	ssyncadd.s32 $0xFFFFC400  }
0x78: {  	[spmem:s3] =	stream.indirect.scatter.add.f32 [tilespmem:s30], [sflag:$0x3], $0x80, s26, s28, $0xb8;
	[tilespmem:$0x1FA00] =	vst v63  }
0x79: {  	_ =	swait.ge [sflag:s23], $0x3C00  }
0x7a: {  	[sflag:s23] =	ssyncset.done $0x0  }
0x7b: {  	s11 =	sadd.s32 s10, s20;
	[sflag:s23] =	ssyncadd.s32 $0xFFFFC400  }
0x7c: {  	[tilespmem:s25], [sflag:$0x3] =	stream.linear.gather [hbm4b:s11+s4], $0x78, $0x38;
	[tilespmem:$0x1FA00] =	vst v63  }
0x7d: {  	_ =	swait.ge [sflag:s23], $0x78  }
0x7e: {  	[sflag:s23] =	ssyncset.done $0x0  }
.Ltmp0:
0x7f: {  	s10 =	sadd.s32 s10, s19;
	[sflag:s23] =	ssyncadd.s32 $0xFFFFFF88;
	(pc) =	sbr.rel @p0 .LBB2_2-.Ltmp0, $4  }
0x80: {  	[tilespmem:s26], [sflag:$0x3] =	stream.linear.gather [hbm4b:s10+s4], $0x78, $0x38;
	[tilespmem:$0x1FA00] =	vst v63  }
0x81: {  	_ =	swait.ge [sflag:s23], $0x78  }
0x82: {  	[sflag:s23] =	ssyncset.done $0x0  }
0x83: {  	s9 =	sadd.s32 $0xF0, s9;
	[sflag:s23] =	ssyncadd.s32 $0xFFFFFF88  }
0x84: {  	[tilespmem:s30], [sflag:$0x2] =	stream.indirect.gather [hbm4b:s5+s28], $0x80, s25, s28, $0xb8;
	[tilespmem:$0x1FA00] =	vst v63  }
0x85: {  	_ =	swait.ge [sflag:s31], $0x3C00  }
0x86: {  	[sflag:s31] =	ssyncset.done $0x0  }
0x87: {  	[sflag:s31] =	ssyncadd.s32 $0xFFFFC400  }
0x88: {  	[spmem:s3] =	stream.indirect.scatter.add.f32 [tilespmem:s29], [sflag:$0x3], $0x80, s24, s28, $0xb8;
	[tilespmem:$0x1FA00] =	vst v63  }
0x89: {  	_ =	swait.ge [sflag:s23], $0x3C00  }
0x8a: {  	[sflag:s23] =	ssyncset.done $0x0  }
0x8b: {  	[sflag:s23] =	ssyncadd.s32 $0xFFFFC400  }
0x8c: {  	_ =	swait.ge [sflag:s0], $0x3C00  }
0x8d: {  	[sflag:s0] =	ssyncset.done $0x0  }
0x8e: {  	[sflag:s0] =	ssyncadd.s32 $0xFFFFC400  }
0x8f: {  	[spmem:s3] =	stream.indirect.scatter.add.f32 [tilespmem:s30], [sflag:$0x3], $0x80, s26, s28, $0xb8;
	[tilespmem:$0x1FA00] =	vst v63  }
0x90: {  	s7 =	stileid.u32;
	_ =	swait.ge [sflag:s23], $0x3C00  }
0x91: {  	s9 =	sshrl.u32 s8, $0x3;
	s1 =	sadd.s32 $0x1, s1;
	[sflag:s23] =	ssyncset.done $0x0  }
0x92: {  	s7 =	sshll.u32 s7, $0x6;
	p0 =	sne.s32 s1, s18;
	[sflag:s23] =	ssyncadd.s32 $0xFFFFC400  }
.Ltmp1:
0x93: {  	s7 =	sor.u32 $0x1C03, s7;
	[bflag:$0x0] =	sbarrier.arrive $0xFFFF;
	(pc) =	sbr.rel @p0 .LBB2_1-.Ltmp1, $4  }
0x94: {  	[hbm:s17], [sflag:s7] =	dma.local [spmem:s9], $0x2800  }
0x95: {  	_ =	swait.ge [sflag:s23], $0x2800  }
0x96: {  	[sflag:s23] =	ssyncset.done $0x0  }
0x97: {  	[sflag:s23] =	ssyncadd.s32 $0xFFFFD800  }
0x98: {  	_ =	sfence.sel $0x180000  }
0x99: {  	[bflag:$0x0] =	sbarrier.arrive $0xFFFF  }
0x9a: {  	_ =	strace $0x90000047  }
0x9b: {  	s0 =	stileid.u32;
	[bflag:$0x2] =	sbarrier.arrive $0xFFFF  }
0x9c: {  	p0 =	sne.s32 s0, $0x0;
	s0 =	rddreg [dreg:$0x3]  }
0x9d: {  	s0 =	sadd.s32 @!p0 $0x100000, s0  }
0x9e: {  	[sflag:s0] =	ssyncadd.tile.s32 @!p0 $0x1;
	_ =	shalt  }
.Lfunc_end2:
_tile_overlayer_lowered:
.L_overlay_start_2:
0x9f: {  	(tag) =	ssettag $0x2  }
0xa0: {  	s0 =	rddreg [dreg:$0x0];
	s2 =	stileid.u32  }
0xa1: {  	s1 =	rddreg [dreg:$0x1];
	p0 =	sne.s32 s2, $0x0  }
0xa2: {  	s3 =	rddreg [dreg:$0x2];
	[bflag:$0x3] =	sbarrier.arrive $0xFFFF;
	s2 =	simm.s32 @!p0 $0x1C03  }
0xa3: {  	[timem:s3], [sflag:s2] =	dma.local @!p0 [hbm:s0], s1  }
0xa4: {  	s0 =	simm.s32 @!p0 $0x3  }
0xa5: {  	_ =	swait.ge @!p0 [sflag:s0], s1  }
0xa6: {  	s1 =	ssub.s32 @!p0 $0x0, s1;
	[sflag:s0] =	ssyncset.done @!p0 $0x0  }
0xa7: {  	[sflag:s0] =	ssyncadd.s32 @!p0 s1  }
0xa8: {  	[bflag:$0x3] =	sbarrier.arrive $0xFFFF  }
0xa9: {  	_ =	shalt  }

</sc_bundles>
